<compile_context>
chip_gen: v7x
topology: tpu7x:2x2x1
jax: 0.10.2.dev20260603
libtpu: 0.0.44.dev20260713+nightly
codegen_flags: <defaults>
</compile_context>

<pallas_src>
import functools

import jax
import jax.numpy as jnp
from jax import lax
from jax.experimental import pallas as pl
from jax.experimental.pallas import tpu as pltpu
from jax.experimental.pallas import tpu_sc as plsc

NC = 2
NS = 16
NL = 16
NW = NC * NS


def _make_agg(N, D, E, want_deg):
    EW = E // NW
    K = 40
    NCHUNK = EW // K
    NP = N
    RPT = (N // NS) // 8 * 8
    RLAST = N - (NS - 1) * RPT

    mesh = plsc.VectorSubcoreMesh(core_axis_name="c", subcore_axis_name="s",
                                  num_cores=NC, num_subcores=NS)

    out_type = [jax.ShapeDtypeStruct((NC, N, D), jnp.float32)]
    if want_deg:
        out_type.append(jax.ShapeDtypeStruct((NC, N, 8), jnp.float32))

    NB = 5
    GA = NB - 1
    scratch = [
        pltpu.VMEM((NCHUNK, K), jnp.int32),
        pltpu.VMEM((NCHUNK, K), jnp.int32),
    ]
    scratch += [pltpu.VMEM((K, D), jnp.float32) for _ in range(NB)]
    scratch += [pltpu.SemaphoreType.DMA for _ in range(NB)]
    scratch += [pltpu.SemaphoreType.DMA for _ in range(NB)]
    scratch += [pltpu.VMEM_SHARED((N, D), jnp.float32)]
    if want_deg:
        scratch += [pltpu.SemaphoreType.DMA for _ in range(NB)]
    if want_deg:
        scratch.append(pltpu.VMEM((K, 8), jnp.float32))
        scratch.append(pltpu.VMEM_SHARED((N, 8), jnp.float32))

    @functools.partial(
        pl.kernel, mesh=mesh, out_type=out_type, scratch_types=scratch,
        compiler_params=pltpu.CompilerParams(use_tc_tiling_on_sc=False))
    def agg(*refs):
        if want_deg:
            (feat, src3, dst3, z2d, z1d, ones_h, part, deg_out,
             src_v, dst_v) = refs[:10]
            rows = refs[10:10 + NB]
            gsem = refs[10 + NB:10 + 2 * NB]
            ssem = refs[10 + 2 * NB:10 + 3 * NB]
            acc_s = refs[10 + 3 * NB]
            dsem = refs[11 + 3 * NB:11 + 4 * NB]
            ones_v, dacc_s = refs[11 + 4 * NB:]
        else:
            (feat, src3, dst3, z2d, part, src_v, dst_v) = refs[:7]
            rows = refs[7:7 + NB]
            gsem = refs[7 + NB:7 + 2 * NB]
            ssem = refs[7 + 2 * NB:7 + 3 * NB]
            acc_s = refs[7 + 3 * NB]
        c = lax.axis_index("c")
        s = lax.axis_index("s")
        wid = s * NC + c

        @pl.when(s < NS - 1)
        def _():
            pltpu.async_copy(z2d.at[pl.ds(0, RPT)],
                             acc_s.at[pl.ds(s * RPT, RPT)], ssem[0])
            if want_deg:
                pltpu.async_copy(z1d.at[pl.ds(0, RPT)],
                                 dacc_s.at[pl.ds(s * RPT, RPT)], ssem[1])

        @pl.when(s == NS - 1)
        def _():
            pltpu.async_copy(z2d, acc_s.at[pl.ds((NS - 1) * RPT, RLAST)],
                             ssem[0])
            if want_deg:
                pltpu.async_copy(z1d, dacc_s.at[pl.ds((NS - 1) * RPT, RLAST)],
                                 ssem[1])

        if want_deg:
            pltpu.async_copy(ones_h, ones_v, ssem[2])

        pltpu.async_copy(src3.at[wid], src_v, ssem[3])
        pltpu.async_copy(dst3.at[wid], dst_v, ssem[4])

        @pl.when(s < NS - 1)
        def _():
            pltpu.make_async_copy(z2d.at[pl.ds(0, RPT)],
                                  acc_s.at[pl.ds(s * RPT, RPT)],
                                  ssem[0]).wait()
            if want_deg:
                pltpu.make_async_copy(z1d.at[pl.ds(0, RPT)],
                                      dacc_s.at[pl.ds(s * RPT, RPT)],
                                      ssem[1]).wait()

        @pl.when(s == NS - 1)
        def _():
            pltpu.make_async_copy(z2d, acc_s.at[pl.ds((NS - 1) * RPT, RLAST)],
                                  ssem[0]).wait()
            if want_deg:
                pltpu.make_async_copy(z1d,
                                      dacc_s.at[pl.ds((NS - 1) * RPT, RLAST)],
                                      ssem[1]).wait()

        if want_deg:
            pltpu.make_async_copy(ones_h, ones_v, ssem[2]).wait()
        pltpu.make_async_copy(src3.at[wid], src_v, ssem[3]).wait()
        pltpu.make_async_copy(dst3.at[wid], dst_v, ssem[4]).wait()
        plsc.subcore_barrier()

        def fire_gather(j, b):
            pltpu.async_copy(feat.at[src_v.at[j]], rows[b], gsem[b])

        def wait_scatter(b):
            pltpu.make_async_copy(rows[b], acc_s.at[dst_v.at[0]],
                                  ssem[b]).wait()
            if want_deg:
                pltpu.make_async_copy(ones_v, dacc_s.at[dst_v.at[0]],
                                      dsem[b]).wait()

        def handle(j, b, traced):
            pltpu.make_async_copy(feat.at[src_v.at[j]], rows[b],
                                  gsem[b]).wait()
            pltpu.async_copy(rows[b], acc_s.at[dst_v.at[j]], ssem[b],
                             add=True)
            if want_deg:
                pltpu.async_copy(ones_v, dacc_s.at[dst_v.at[j]], dsem[b],
                                 add=True)
            b2 = (b + GA) % NB
            if traced:

                @pl.when(j >= NB - GA)
                def _():
                    wait_scatter(b2)

                fire_gather(j + GA, b2)
            elif j + GA < NCHUNK:
                wait_scatter(b2)
                fire_gather(j + GA, b2)

        for j0 in range(GA):
            fire_gather(j0, j0)
        NMAIN = (NCHUNK - GA) // NB

        def chunk(p, carry):
            for b in range(NB):
                handle(p * NB + b, b, True)
            return carry

        lax.fori_loop(0, NMAIN, chunk, 0)
        for j in range(NMAIN * NB, NCHUNK):
            handle(j, j % NB, False)
        for j in range(NCHUNK - NB, NCHUNK):
            b = j % NB
            pltpu.make_async_copy(rows[b], acc_s.at[dst_v.at[0]],
                                  ssem[b]).wait()
            if want_deg:
                pltpu.make_async_copy(ones_v, dacc_s.at[dst_v.at[0]],
                                      dsem[b]).wait()
        plsc.subcore_barrier()

        @pl.when(s < NS - 1)
        def _():
            pltpu.sync_copy(acc_s.at[pl.ds(s * RPT, RPT)],
                            part.at[c].at[pl.ds(s * RPT, RPT)])

        @pl.when(s == NS - 1)
        def _():
            pltpu.sync_copy(acc_s.at[pl.ds((NS - 1) * RPT, RLAST)],
                            part.at[c].at[pl.ds((NS - 1) * RPT, RLAST)])
        if want_deg:

            @pl.when(s == 0)
            def _():
                pltpu.sync_copy(dacc_s, deg_out.at[c])

    return agg


def _dense_body(relu, part_ref, degp_ref, xin_ref, wlT_ref, wrT_ref,
                scale_ref, shift_ref, out_ref):
    deg = jnp.maximum(degp_ref[0] + degp_ref[1], 1.0)
    agg = (part_ref[0] + part_ref[1]) / deg
    z = (jnp.dot(agg, wlT_ref[...], preferred_element_type=jnp.float32)
         + jnp.dot(xin_ref[...], wrT_ref[...],
                   preferred_element_type=jnp.float32))
    z = z * scale_ref[...] + shift_ref[...]
    if relu:
        z = jnp.maximum(z, 0.0)
    out_ref[...] = z


def _dense(part, degp, xin, wlT, wrT, scale, shift, relu):
    N, D = xin.shape
    R = 1000
    grid = N // R
    return pl.pallas_call(
        functools.partial(_dense_body, relu),
        grid=(grid,),
        in_specs=[
            pl.BlockSpec((NC, R, D), lambda i: (0, i, 0)),
            pl.BlockSpec((NC, R, 1), lambda i: (0, i, 0)),
            pl.BlockSpec((R, D), lambda i: (i, 0)),
            pl.BlockSpec((D, D), lambda i: (0, 0)),
            pl.BlockSpec((D, D), lambda i: (0, 0)),
            pl.BlockSpec((1, D), lambda i: (0, 0)),
            pl.BlockSpec((1, D), lambda i: (0, 0)),
        ],
        out_specs=pl.BlockSpec((R, D), lambda i: (i, 0)),
        out_shape=jax.ShapeDtypeStruct((N, D), jnp.float32),
    )(part, degp, xin, wlT, wrT, scale, shift)


def kernel(x, edge_index, depth, W_l0, b_l0, W_r0, bn_gamma, bn_beta,
           W_l1, b_l1, W_r1):
    N, D = x.shape
    E = edge_index.shape[1]
    EW = E // NW
    K = 40
    NCHUNK = EW // K

    src3 = edge_index[0].reshape(NW, NCHUNK, K)
    dst3 = edge_index[1].reshape(NW, NCHUNK, K)
    RPT = (N // NS) // 8 * 8
    RLAST = N - (NW // NC - 1) * RPT
    z2d = jnp.zeros((RLAST, D), jnp.float32)
    z1d = jnp.zeros((RLAST, 8), jnp.float32)
    ones_h = jnp.ones((K, 8), jnp.float32)

    agg0 = _make_agg(N, D, E, True)
    agg1 = _make_agg(N, D, E, False)

    part0, deg = agg0(x, src3, dst3, z2d, z1d, ones_h)
    degp = deg[:, :, 0].reshape(NC, N, 1)

    g = (bn_gamma / jnp.sqrt(1.0 + 1e-5)).reshape(1, D)
    scale0 = g
    shift0 = (b_l0.reshape(1, D)) * g + bn_beta.reshape(1, D)
    h = _dense(part0, degp, x, W_l0.T, W_r0.T, scale0, shift0, True)

    (part1,) = agg1(h, src3, dst3, z2d)
    ones = jnp.ones((1, D), jnp.float32)
    out = _dense(part1, degp, h, W_l1.T, W_r1.T, ones,
                 b_l1.reshape(1, D), False)
    return out

# --- scband reference (transcript-rebuilt; emitter-appended) ---
"""Pipeline reference for scband-sage-21157008900195 (READ-ONLY COPY).

The authoritative reference and input builder live on the scoring server;
editing this copy changes nothing except your own understanding.
"""

import jax, jax.numpy as jnp
import numpy as np

N = 10000
E = 320000
D_IN = 128
D_HID = 128
D_OUT = 128


def setup_inputs(seed: int = 0) -> dict:
    key = jax.random.key(seed)
    ks = jax.random.split(key, 12)
    x = jax.random.normal(ks[0], (N, D_IN), dtype=jnp.float32)
    edge_index = jax.random.randint(ks[1], (2, E), 0, N, dtype=jnp.int32)
    s0 = 1.0 / np.sqrt(D_IN)
    s1 = 1.0 / np.sqrt(D_HID)
    W_l0 = jax.random.uniform(ks[2], (D_HID, D_IN), jnp.float32, -s0, s0)
    b_l0 = jax.random.uniform(ks[3], (D_HID,), jnp.float32, -s0, s0)
    W_r0 = jax.random.uniform(ks[4], (D_HID, D_IN), jnp.float32, -s0, s0)
    bn_gamma = jnp.ones((D_HID,), jnp.float32)
    bn_beta = jnp.zeros((D_HID,), jnp.float32)
    W_l1 = jax.random.uniform(ks[5], (D_OUT, D_HID), jnp.float32, -s1, s1)
    b_l1 = jax.random.uniform(ks[6], (D_OUT,), jnp.float32, -s1, s1)
    W_r1 = jax.random.uniform(ks[7], (D_OUT, D_HID), jnp.float32, -s1, s1)
    return {"x": x, "edge_index": edge_index, "depth": 1,
            "W_l0": W_l0, "b_l0": b_l0, "W_r0": W_r0,
            "bn_gamma": bn_gamma, "bn_beta": bn_beta,
            "W_l1": W_l1, "b_l1": b_l1, "W_r1": W_r1}


def _sage_conv(x, src, dst, W_l, b_l, W_r):
    # PyG SAGEConv, aggr='mean', normalize=False:
    # out = lin_l(mean_agg(x_j)) + lin_r(x_i); lin_l has bias, lin_r has no bias
    msg = jnp.take(x, src, axis=0)
    agg = jax.ops.segment_sum(msg, dst, num_segments=N)
    deg = jax.ops.segment_sum(jnp.ones((src.shape[0],), x.dtype), dst, num_segments=N)
    agg = agg / jnp.clip(deg, 1.0)[:, None]
    return agg @ W_l.T + b_l + x @ W_r.T


def reference(x, edge_index, depth, W_l0, b_l0, W_r0, bn_gamma, bn_beta, W_l1, b_l1, W_r1):
    src = edge_index[0]
    dst = edge_index[1]
    # n_layers == 2: looper = layers[:-1] = [layer0]; looper[-depth:] with depth=1 -> [layer0]
    h = _sage_conv(x, src, dst, W_l0, b_l0, W_r0)
    # BatchNorm1d in eval mode (running_mean=0, running_var=1)
    h = (h - 0.0) / jnp.sqrt(1.0 + 1e-5) * bn_gamma + bn_beta
    h = jax.nn.relu(h)
    # dropout(p=0.3) is identity in eval mode
    out = _sage_conv(h, src, dst, W_l1, b_l1, W_r1)
    return out

if __name__ == "__main__":
    import jax
    _d = setup_inputs()
    print(jax.jit(kernel)(*tuple(_d.values())))

</pallas_src>

<mosaic_0001>
#map = affine_map<(d0, d1) -> (0, 0)>
#map1 = affine_map<(d0, d1) -> (0, 0, 0)>
module attributes {stable_mosaic.version = 14 : i64} {
  func.func @agg(%arg0: i32, %arg1: i32, %arg2: memref<10000x128xf32, #tpu.memory_space<hbm>>, %arg3: memref<32x250x40xi32, #tpu.memory_space<hbm>>, %arg4: memref<32x250x40xi32, #tpu.memory_space<hbm>>, %arg5: memref<640x128xf32, #tpu.memory_space<hbm>>, %arg6: memref<640x8xf32, #tpu.memory_space<hbm>>, %arg7: memref<40x8xf32, #tpu.memory_space<hbm>>, %arg8: memref<2x10000x128xf32, #tpu.memory_space<hbm>>, %arg9: memref<2x10000x8xf32, #tpu.memory_space<hbm>>, %arg10: memref<250x40xi32, #tpu.memory_space<vmem>>, %arg11: memref<250x40xi32, #tpu.memory_space<vmem>>, %arg12: memref<40x128xf32, #tpu.memory_space<vmem>>, %arg13: memref<40x128xf32, #tpu.memory_space<vmem>>, %arg14: memref<40x128xf32, #tpu.memory_space<vmem>>, %arg15: memref<40x128xf32, #tpu.memory_space<vmem>>, %arg16: memref<40x128xf32, #tpu.memory_space<vmem>>, %arg17: memref<!tpu.dma_semaphore, #tpu.memory_space<semaphore_mem>>, %arg18: memref<!tpu.dma_semaphore, #tpu.memory_space<semaphore_mem>>, %arg19: memref<!tpu.dma_semaphore, #tpu.memory_space<semaphore_mem>>, %arg20: memref<!tpu.dma_semaphore, #tpu.memory_space<semaphore_mem>>, %arg21: memref<!tpu.dma_semaphore, #tpu.memory_space<semaphore_mem>>, %arg22: memref<!tpu.dma_semaphore, #tpu.memory_space<semaphore_mem>>, %arg23: memref<!tpu.dma_semaphore, #tpu.memory_space<semaphore_mem>>, %arg24: memref<!tpu.dma_semaphore, #tpu.memory_space<semaphore_mem>>, %arg25: memref<!tpu.dma_semaphore, #tpu.memory_space<semaphore_mem>>, %arg26: memref<!tpu.dma_semaphore, #tpu.memory_space<semaphore_mem>>, %arg27: memref<10000x128xf32, #tpu.memory_space<vmem_shared>>, %arg28: memref<!tpu.dma_semaphore, #tpu.memory_space<semaphore_mem>>, %arg29: memref<!tpu.dma_semaphore, #tpu.memory_space<semaphore_mem>>, %arg30: memref<!tpu.dma_semaphore, #tpu.memory_space<semaphore_mem>>, %arg31: memref<!tpu.dma_semaphore, #tpu.memory_space<semaphore_mem>>, %arg32: memref<!tpu.dma_semaphore, #tpu.memory_space<semaphore_mem>>, %arg33: memref<40x8xf32, #tpu.memory_space<vmem>>, %arg34: memref<10000x8xf32, #tpu.memory_space<vmem_shared>>) attributes {dimension_semantics = [#tpu.dimension_semantics<core_parallel>, #tpu.dimension_semantics<subcore_parallel>], iteration_bounds = array<i64: 2, 16>, scalar_prefetch = 0 : i64, scratch_operands = 25 : i64, tpu.core_type = #tpu.core_type<sc_vector_subcore>, window_params = [{transform_indices = #map}, {transform_indices = #map1}, {transform_indices = #map1}, {transform_indices = #map}, {transform_indices = #map}, {transform_indices = #map}, {transform_indices = #map1}, {transform_indices = #map1}]} {
    %mul3A = arith.constant 2 : i32
    %mul3A_0 = arith.muli %arg1, %mul3A : i32
    %add3A = arith.addi %mul3A_0, %arg0 : i32
    %lt3A = arith.constant 15 : i32
    %lt3A_1 = arith.cmpi slt, %arg1, %lt3A : i32
    %convert_element_type3A = arith.extui %lt3A_1 : i1 to i32
    %cond3A = arith.constant 0 : i32
    %cond3A_2 = arith.cmpi ne, %convert_element_type3A, %cond3A : i32
    scf.if %cond3A_2 {
      %mul3A_292 = arith.constant 624 : i32
      %mul3A_293 = arith.muli %arg1, %mul3A_292 : i32
      %dma_start3A_294 = arith.constant 0 : i32
      %dma_start3A_295 = tpu.memref_slice %arg27[%mul3A_293, %dma_start3A_294] : memref<10000x128xf32, #tpu.memory_space<vmem_shared>> -> memref<624x128xf32, #tpu.memory_space<vmem_shared>>
      %dma_start3A_296 = arith.constant 0 : i32
      %dma_start3A_297 = arith.constant 0 : i32
      %dma_start3A_298 = tpu.memref_slice %arg5[%dma_start3A_296, %dma_start3A_297] : memref<640x128xf32, #tpu.memory_space<hbm>> -> memref<624x128xf32, #tpu.memory_space<hbm>>
      tpu.enqueue_dma source(%dma_start3A_298 : memref<624x128xf32, #tpu.memory_space<hbm>>) target(%dma_start3A_295 : memref<624x128xf32, #tpu.memory_space<vmem_shared>>) target_semaphore(%arg22 : memref<!tpu.dma_semaphore, #tpu.memory_space<semaphore_mem>>)
      %mul3A_299 = arith.constant 624 : i32
      %mul3A_300 = arith.muli %arg1, %mul3A_299 : i32
      %dma_start3A_301 = arith.constant 0 : i32
      %dma_start3A_302 = tpu.memref_slice %arg34[%mul3A_300, %dma_start3A_301] : memref<10000x8xf32, #tpu.memory_space<vmem_shared>> -> memref<624x8xf32, #tpu.memory_space<vmem_shared>>
      %dma_start3A_303 = arith.constant 0 : i32
      %dma_start3A_304 = arith.constant 0 : i32
      %dma_start3A_305 = tpu.memref_slice %arg6[%dma_start3A_303, %dma_start3A_304] : memref<640x8xf32, #tpu.memory_space<hbm>> -> memref<624x8xf32, #tpu.memory_space<hbm>>
      tpu.enqueue_dma source(%dma_start3A_305 : memref<624x8xf32, #tpu.memory_space<hbm>>) target(%dma_start3A_302 : memref<624x8xf32, #tpu.memory_space<vmem_shared>>) target_semaphore(%arg23 : memref<!tpu.dma_semaphore, #tpu.memory_space<semaphore_mem>>)
    } else {
    }
    %eq3A = arith.constant 15 : i32
    %eq3A_3 = arith.cmpi eq, %arg1, %eq3A : i32
    %convert_element_type3A_4 = arith.extui %eq3A_3 : i1 to i32
    %cond3A_5 = arith.constant 0 : i32
    %cond3A_6 = arith.cmpi ne, %convert_element_type3A_4, %cond3A_5 : i32
    scf.if %cond3A_6 {
      %dma_start3A_292 = arith.constant 9360 : i32
      %dma_start3A_293 = arith.constant 0 : i32
      %dma_start3A_294 = tpu.memref_slice %arg27[%dma_start3A_292, %dma_start3A_293] : memref<10000x128xf32, #tpu.memory_space<vmem_shared>> -> memref<640x128xf32, #tpu.memory_space<vmem_shared>>
      tpu.enqueue_dma source(%arg5 : memref<640x128xf32, #tpu.memory_space<hbm>>) target(%dma_start3A_294 : memref<640x128xf32, #tpu.memory_space<vmem_shared>>) target_semaphore(%arg22 : memref<!tpu.dma_semaphore, #tpu.memory_space<semaphore_mem>>)
      %dma_start3A_295 = arith.constant 9360 : i32
      %dma_start3A_296 = arith.constant 0 : i32
      %dma_start3A_297 = tpu.memref_slice %arg34[%dma_start3A_295, %dma_start3A_296] : memref<10000x8xf32, #tpu.memory_space<vmem_shared>> -> memref<640x8xf32, #tpu.memory_space<vmem_shared>>
      tpu.enqueue_dma source(%arg6 : memref<640x8xf32, #tpu.memory_space<hbm>>) target(%dma_start3A_297 : memref<640x8xf32, #tpu.memory_space<vmem_shared>>) target_semaphore(%arg23 : memref<!tpu.dma_semaphore, #tpu.memory_space<semaphore_mem>>)
    } else {
    }
    tpu.enqueue_dma source(%arg7 : memref<40x8xf32, #tpu.memory_space<hbm>>) target(%arg33 : memref<40x8xf32, #tpu.memory_space<vmem>>) target_semaphore(%arg24 : memref<!tpu.dma_semaphore, #tpu.memory_space<semaphore_mem>>)
    %dma_start3A = arith.constant 0 : i32
    %dma_start3A_7 = arith.constant 0 : i32
    %dma_start3A_8 = tpu.memref_slice %arg3[%add3A, %dma_start3A, %dma_start3A_7] : memref<32x250x40xi32, #tpu.memory_space<hbm>> -> memref<1x250x40xi32, #tpu.memory_space<hbm>>
    %dma_start3A_9 = tpu.memref_squeeze %dma_start3A_8 : memref<1x250x40xi32, #tpu.memory_space<hbm>> -> memref<250x40xi32, #tpu.memory_space<hbm>>
    %dma_start3A_10 = arith.constant 0 : i32
    %dma_start3A_11 = arith.constant 0 : i32
    %dma_start3A_12 = tpu.memref_slice %arg3[%add3A, %dma_start3A_10, %dma_start3A_11] : memref<32x250x40xi32, #tpu.memory_space<hbm>> -> memref<1x250x40xi32, #tpu.memory_space<hbm>>
    %dma_start3A_13 = tpu.memref_squeeze %dma_start3A_12 : memref<1x250x40xi32, #tpu.memory_space<hbm>> -> memref<250x40xi32, #tpu.memory_space<hbm>>
    tpu.enqueue_dma source(%dma_start3A_13 : memref<250x40xi32, #tpu.memory_space<hbm>>) target(%arg10 : memref<250x40xi32, #tpu.memory_space<vmem>>) target_semaphore(%arg25 : memref<!tpu.dma_semaphore, #tpu.memory_space<semaphore_mem>>)
    %dma_start3A_14 = arith.constant 0 : i32
    %dma_start3A_15 = arith.constant 0 : i32
    %dma_start3A_16 = tpu.memref_slice %arg4[%add3A, %dma_start3A_14, %dma_start3A_15] : memref<32x250x40xi32, #tpu.memory_space<hbm>> -> memref<1x250x40xi32, #tpu.memory_space<hbm>>
    %dma_start3A_17 = tpu.memref_squeeze %dma_start3A_16 : memref<1x250x40xi32, #tpu.memory_space<hbm>> -> memref<250x40xi32, #tpu.memory_space<hbm>>
    %dma_start3A_18 = arith.constant 0 : i32
    %dma_start3A_19 = arith.constant 0 : i32
    %dma_start3A_20 = tpu.memref_slice %arg4[%add3A, %dma_start3A_18, %dma_start3A_19] : memref<32x250x40xi32, #tpu.memory_space<hbm>> -> memref<1x250x40xi32, #tpu.memory_space<hbm>>
    %dma_start3A_21 = tpu.memref_squeeze %dma_start3A_20 : memref<1x250x40xi32, #tpu.memory_space<hbm>> -> memref<250x40xi32, #tpu.memory_space<hbm>>
    tpu.enqueue_dma source(%dma_start3A_21 : memref<250x40xi32, #tpu.memory_space<hbm>>) target(%arg11 : memref<250x40xi32, #tpu.memory_space<vmem>>) target_semaphore(%arg26 : memref<!tpu.dma_semaphore, #tpu.memory_space<semaphore_mem>>)
    %lt3A_22 = arith.constant 15 : i32
    %lt3A_23 = arith.cmpi slt, %arg1, %lt3A_22 : i32
    %convert_element_type3A_24 = arith.extui %lt3A_23 : i1 to i32
    %cond3A_25 = arith.constant 0 : i32
    %cond3A_26 = arith.cmpi ne, %convert_element_type3A_24, %cond3A_25 : i32
    scf.if %cond3A_26 {
      %mul3A_292 = arith.constant 624 : i32
      %mul3A_293 = arith.muli %arg1, %mul3A_292 : i32
      %dma_wait3A_294 = arith.constant 0 : i32
      %dma_wait3A_295 = tpu.memref_slice %arg27[%mul3A_293, %dma_wait3A_294] : memref<10000x128xf32, #tpu.memory_space<vmem_shared>> -> memref<624x128xf32, #tpu.memory_space<vmem_shared>>
      %dma_wait3A_296 = arith.constant 0 : i32
      %dma_wait3A_297 = arith.constant 0 : i32
      %dma_wait3A_298 = tpu.memref_slice %arg5[%dma_wait3A_296, %dma_wait3A_297] : memref<640x128xf32, #tpu.memory_space<hbm>> -> memref<624x128xf32, #tpu.memory_space<hbm>>
      tpu.wait_dma2 semaphore(%arg22 : memref<!tpu.dma_semaphore, #tpu.memory_space<semaphore_mem>>) src(%dma_wait3A_298 : memref<624x128xf32, #tpu.memory_space<hbm>>) dst(%dma_wait3A_295 : memref<624x128xf32, #tpu.memory_space<vmem_shared>>)
      %mul3A_299 = arith.constant 624 : i32
      %mul3A_300 = arith.muli %arg1, %mul3A_299 : i32
      %dma_wait3A_301 = arith.constant 0 : i32
      %dma_wait3A_302 = tpu.memref_slice %arg34[%mul3A_300, %dma_wait3A_301] : memref<10000x8xf32, #tpu.memory_space<vmem_shared>> -> memref<624x8xf32, #tpu.memory_space<vmem_shared>>
      %dma_wait3A_303 = arith.constant 0 : i32
      %dma_wait3A_304 = arith.constant 0 : i32
      %dma_wait3A_305 = tpu.memref_slice %arg6[%dma_wait3A_303, %dma_wait3A_304] : memref<640x8xf32, #tpu.memory_space<hbm>> -> memref<624x8xf32, #tpu.memory_space<hbm>>
      tpu.wait_dma2 semaphore(%arg23 : memref<!tpu.dma_semaphore, #tpu.memory_space<semaphore_mem>>) src(%dma_wait3A_305 : memref<624x8xf32, #tpu.memory_space<hbm>>) dst(%dma_wait3A_302 : memref<624x8xf32, #tpu.memory_space<vmem_shared>>)
    } else {
    }
    %eq3A_27 = arith.constant 15 : i32
    %eq3A_28 = arith.cmpi eq, %arg1, %eq3A_27 : i32
    %convert_element_type3A_29 = arith.extui %eq3A_28 : i1 to i32
    %cond3A_30 = arith.constant 0 : i32
    %cond3A_31 = arith.cmpi ne, %convert_element_type3A_29, %cond3A_30 : i32
    scf.if %cond3A_31 {
      %dma_wait3A_292 = arith.constant 9360 : i32
      %dma_wait3A_293 = arith.constant 0 : i32
      %dma_wait3A_294 = tpu.memref_slice %arg27[%dma_wait3A_292, %dma_wait3A_293] : memref<10000x128xf32, #tpu.memory_space<vmem_shared>> -> memref<640x128xf32, #tpu.memory_space<vmem_shared>>
      tpu.wait_dma2 semaphore(%arg22 : memref<!tpu.dma_semaphore, #tpu.memory_space<semaphore_mem>>) src(%arg5 : memref<640x128xf32, #tpu.memory_space<hbm>>) dst(%dma_wait3A_294 : memref<640x128xf32, #tpu.memory_space<vmem_shared>>)
      %dma_wait3A_295 = arith.constant 9360 : i32
      %dma_wait3A_296 = arith.constant 0 : i32
      %dma_wait3A_297 = tpu.memref_slice %arg34[%dma_wait3A_295, %dma_wait3A_296] : memref<10000x8xf32, #tpu.memory_space<vmem_shared>> -> memref<640x8xf32, #tpu.memory_space<vmem_shared>>
      tpu.wait_dma2 semaphore(%arg23 : memref<!tpu.dma_semaphore, #tpu.memory_space<semaphore_mem>>) src(%arg6 : memref<640x8xf32, #tpu.memory_space<hbm>>) dst(%dma_wait3A_297 : memref<640x8xf32, #tpu.memory_space<vmem_shared>>)
    } else {
    }
    tpu.wait_dma2 semaphore(%arg24 : memref<!tpu.dma_semaphore, #tpu.memory_space<semaphore_mem>>) src(%arg7 : memref<40x8xf32, #tpu.memory_space<hbm>>) dst(%arg33 : memref<40x8xf32, #tpu.memory_space<vmem>>)
    %dma_wait3A = arith.constant 0 : i32
    %dma_wait3A_32 = arith.constant 0 : i32
    %dma_wait3A_33 = tpu.memref_slice %arg3[%add3A, %dma_wait3A, %dma_wait3A_32] : memref<32x250x40xi32, #tpu.memory_space<hbm>> -> memref<1x250x40xi32, #tpu.memory_space<hbm>>
    %dma_wait3A_34 = tpu.memref_squeeze %dma_wait3A_33 : memref<1x250x40xi32, #tpu.memory_space<hbm>> -> memref<250x40xi32, #tpu.memory_space<hbm>>
    %dma_wait3A_35 = arith.constant 0 : i32
    %dma_wait3A_36 = arith.constant 0 : i32
    %dma_wait3A_37 = tpu.memref_slice %arg3[%add3A, %dma_wait3A_35, %dma_wait3A_36] : memref<32x250x40xi32, #tpu.memory_space<hbm>> -> memref<1x250x40xi32, #tpu.memory_space<hbm>>
    %dma_wait3A_38 = tpu.memref_squeeze %dma_wait3A_37 : memref<1x250x40xi32, #tpu.memory_space<hbm>> -> memref<250x40xi32, #tpu.memory_space<hbm>>
    tpu.wait_dma2 semaphore(%arg25 : memref<!tpu.dma_semaphore, #tpu.memory_space<semaphore_mem>>) src(%dma_wait3A_38 : memref<250x40xi32, #tpu.memory_space<hbm>>) dst(%arg10 : memref<250x40xi32, #tpu.memory_space<vmem>>)
    %dma_wait3A_39 = arith.constant 0 : i32
    %dma_wait3A_40 = arith.constant 0 : i32
    %dma_wait3A_41 = tpu.memref_slice %arg4[%add3A, %dma_wait3A_39, %dma_wait3A_40] : memref<32x250x40xi32, #tpu.memory_space<hbm>> -> memref<1x250x40xi32, #tpu.memory_space<hbm>>
    %dma_wait3A_42 = tpu.memref_squeeze %dma_wait3A_41 : memref<1x250x40xi32, #tpu.memory_space<hbm>> -> memref<250x40xi32, #tpu.memory_space<hbm>>
    %dma_wait3A_43 = arith.constant 0 : i32
    %dma_wait3A_44 = arith.constant 0 : i32
    %dma_wait3A_45 = tpu.memref_slice %arg4[%add3A, %dma_wait3A_43, %dma_wait3A_44] : memref<32x250x40xi32, #tpu.memory_space<hbm>> -> memref<1x250x40xi32, #tpu.memory_space<hbm>>
    %dma_wait3A_46 = tpu.memref_squeeze %dma_wait3A_45 : memref<1x250x40xi32, #tpu.memory_space<hbm>> -> memref<250x40xi32, #tpu.memory_space<hbm>>
    tpu.wait_dma2 semaphore(%arg26 : memref<!tpu.dma_semaphore, #tpu.memory_space<semaphore_mem>>) src(%dma_wait3A_46 : memref<250x40xi32, #tpu.memory_space<hbm>>) dst(%arg11 : memref<250x40xi32, #tpu.memory_space<vmem>>)
    %barrier3A = arith.constant 0 : index
    tpu.barrier barrier_id(%barrier3A)
    %dma_start3A_47 = arith.constant 0 : i32
    %dma_start3A_48 = arith.constant 0 : i32
    %dma_start3A_49 = tpu.memref_slice %arg10[%dma_start3A_47, %dma_start3A_48] : memref<250x40xi32, #tpu.memory_space<vmem>> -> memref<1x40xi32, #tpu.memory_space<vmem>>
    %dma_start3A_50 = tpu.memref_squeeze %dma_start3A_49 : memref<1x40xi32, #tpu.memory_space<vmem>> -> memref<40xi32, #tpu.memory_space<vmem>>
    %dma_start3A_51 = arith.constant 0 : i32
    %dma_start3A_52 = arith.constant 0 : i32
    %dma_start3A_53 = tpu.memref_slice %arg2[%dma_start3A_51, %dma_start3A_52] : memref<10000x128xf32, #tpu.memory_space<hbm>> -> memref<10000x128xf32, #tpu.memory_space<hbm>>
    tpu.enqueue_indirect_dma source(%dma_start3A_53 : memref<10000x128xf32, #tpu.memory_space<hbm>>) target(%arg12 : memref<40x128xf32, #tpu.memory_space<vmem>>) offsets(%dma_start3A_50 : memref<40xi32, #tpu.memory_space<vmem>>) semaphore(%arg17 : memref<!tpu.dma_semaphore, #tpu.memory_space<semaphore_mem>>)
    %dma_start3A_54 = arith.constant 1 : i32
    %dma_start3A_55 = arith.constant 0 : i32
    %dma_start3A_56 = tpu.memref_slice %arg10[%dma_start3A_54, %dma_start3A_55] : memref<250x40xi32, #tpu.memory_space<vmem>> -> memref<1x40xi32, #tpu.memory_space<vmem>>
    %dma_start3A_57 = tpu.memref_squeeze %dma_start3A_56 : memref<1x40xi32, #tpu.memory_space<vmem>> -> memref<40xi32, #tpu.memory_space<vmem>>
    %dma_start3A_58 = arith.constant 0 : i32
    %dma_start3A_59 = arith.constant 0 : i32
    %dma_start3A_60 = tpu.memref_slice %arg2[%dma_start3A_58, %dma_start3A_59] : memref<10000x128xf32, #tpu.memory_space<hbm>> -> memref<10000x128xf32, #tpu.memory_space<hbm>>
    tpu.enqueue_indirect_dma source(%dma_start3A_60 : memref<10000x128xf32, #tpu.memory_space<hbm>>) target(%arg13 : memref<40x128xf32, #tpu.memory_space<vmem>>) offsets(%dma_start3A_57 : memref<40xi32, #tpu.memory_space<vmem>>) semaphore(%arg18 : memref<!tpu.dma_semaphore, #tpu.memory_space<semaphore_mem>>)
    %dma_start3A_61 = arith.constant 2 : i32
    %dma_start3A_62 = arith.constant 0 : i32
    %dma_start3A_63 = tpu.memref_slice %arg10[%dma_start3A_61, %dma_start3A_62] : memref<250x40xi32, #tpu.memory_space<vmem>> -> memref<1x40xi32, #tpu.memory_space<vmem>>
    %dma_start3A_64 = tpu.memref_squeeze %dma_start3A_63 : memref<1x40xi32, #tpu.memory_space<vmem>> -> memref<40xi32, #tpu.memory_space<vmem>>
    %dma_start3A_65 = arith.constant 0 : i32
    %dma_start3A_66 = arith.constant 0 : i32
    %dma_start3A_67 = tpu.memref_slice %arg2[%dma_start3A_65, %dma_start3A_66] : memref<10000x128xf32, #tpu.memory_space<hbm>> -> memref<10000x128xf32, #tpu.memory_space<hbm>>
    tpu.enqueue_indirect_dma source(%dma_start3A_67 : memref<10000x128xf32, #tpu.memory_space<hbm>>) target(%arg14 : memref<40x128xf32, #tpu.memory_space<vmem>>) offsets(%dma_start3A_64 : memref<40xi32, #tpu.memory_space<vmem>>) semaphore(%arg19 : memref<!tpu.dma_semaphore, #tpu.memory_space<semaphore_mem>>)
    %dma_start3A_68 = arith.constant 3 : i32
    %dma_start3A_69 = arith.constant 0 : i32
    %dma_start3A_70 = tpu.memref_slice %arg10[%dma_start3A_68, %dma_start3A_69] : memref<250x40xi32, #tpu.memory_space<vmem>> -> memref<1x40xi32, #tpu.memory_space<vmem>>
    %dma_start3A_71 = tpu.memref_squeeze %dma_start3A_70 : memref<1x40xi32, #tpu.memory_space<vmem>> -> memref<40xi32, #tpu.memory_space<vmem>>
    %dma_start3A_72 = arith.constant 0 : i32
    %dma_start3A_73 = arith.constant 0 : i32
    %dma_start3A_74 = tpu.memref_slice %arg2[%dma_start3A_72, %dma_start3A_73] : memref<10000x128xf32, #tpu.memory_space<hbm>> -> memref<10000x128xf32, #tpu.memory_space<hbm>>
    tpu.enqueue_indirect_dma source(%dma_start3A_74 : memref<10000x128xf32, #tpu.memory_space<hbm>>) target(%arg15 : memref<40x128xf32, #tpu.memory_space<vmem>>) offsets(%dma_start3A_71 : memref<40xi32, #tpu.memory_space<vmem>>) semaphore(%arg20 : memref<!tpu.dma_semaphore, #tpu.memory_space<semaphore_mem>>)
    %scan3A = arith.constant 0 : i32
    %scan3A_75 = arith.constant 0 : i32
    %scan3A_76 = arith.constant 49 : i32
    %scan3A_77 = arith.addi %scan3A_75, %scan3A_76 : i32
    %scan3A_78 = arith.constant 1 : i32
    scf.for %scan3A_292 = %scan3A_75 to %scan3A_77 step %scan3A_78  : i32 {
      %mul3A_293 = arith.constant 5 : i32
      %mul3A_294 = arith.muli %scan3A_292, %mul3A_293 : i32
      %add3A_295 = arith.constant 0 : i32
      %add3A_296 = arith.addi %mul3A_294, %add3A_295 : i32
      %dma_wait3A_297 = arith.constant 0 : i32
      %dma_wait3A_298 = tpu.memref_slice %arg10[%add3A_296, %dma_wait3A_297] : memref<250x40xi32, #tpu.memory_space<vmem>> -> memref<1x40xi32, #tpu.memory_space<vmem>>
      %dma_wait3A_299 = tpu.memref_squeeze %dma_wait3A_298 : memref<1x40xi32, #tpu.memory_space<vmem>> -> memref<40xi32, #tpu.memory_space<vmem>>
      %dma_wait3A_300 = arith.constant 0 : i32
      %dma_wait3A_301 = arith.constant 0 : i32
      %dma_wait3A_302 = tpu.memref_slice %arg2[%dma_wait3A_300, %dma_wait3A_301] : memref<10000x128xf32, #tpu.memory_space<hbm>> -> memref<10000x128xf32, #tpu.memory_space<hbm>>
      tpu.wait_indirect_dma semaphore(%arg17 : memref<!tpu.dma_semaphore, #tpu.memory_space<semaphore_mem>>) src(%dma_wait3A_302 : memref<10000x128xf32, #tpu.memory_space<hbm>>) dst(%arg12 : memref<40x128xf32, #tpu.memory_space<vmem>>)
      %dma_start3A_303 = arith.constant 0 : i32
      %dma_start3A_304 = tpu.memref_slice %arg11[%add3A_296, %dma_start3A_303] : memref<250x40xi32, #tpu.memory_space<vmem>> -> memref<1x40xi32, #tpu.memory_space<vmem>>
      %dma_start3A_305 = tpu.memref_squeeze %dma_start3A_304 : memref<1x40xi32, #tpu.memory_space<vmem>> -> memref<40xi32, #tpu.memory_space<vmem>>
      %dma_start3A_306 = arith.constant 0 : i32
      %dma_start3A_307 = arith.constant 0 : i32
      %dma_start3A_308 = tpu.memref_slice %arg27[%dma_start3A_306, %dma_start3A_307] : memref<10000x128xf32, #tpu.memory_space<vmem_shared>> -> memref<10000x128xf32, #tpu.memory_space<vmem_shared>>
      tpu.enqueue_indirect_dma source(%arg12 : memref<40x128xf32, #tpu.memory_space<vmem>>) target(%dma_start3A_308 : memref<10000x128xf32, #tpu.memory_space<vmem_shared>>) offsets(%dma_start3A_305 : memref<40xi32, #tpu.memory_space<vmem>>) semaphore(%arg22 : memref<!tpu.dma_semaphore, #tpu.memory_space<semaphore_mem>>) {add = true}
      %dma_start3A_309 = arith.constant 0 : i32
      %dma_start3A_310 = tpu.memref_slice %arg11[%add3A_296, %dma_start3A_309] : memref<250x40xi32, #tpu.memory_space<vmem>> -> memref<1x40xi32, #tpu.memory_space<vmem>>
      %dma_start3A_311 = tpu.memref_squeeze %dma_start3A_310 : memref<1x40xi32, #tpu.memory_space<vmem>> -> memref<40xi32, #tpu.memory_space<vmem>>
      %dma_start3A_312 = arith.constant 0 : i32
      %dma_start3A_313 = arith.constant 0 : i32
      %dma_start3A_314 = tpu.memref_slice %arg34[%dma_start3A_312, %dma_start3A_313] : memref<10000x8xf32, #tpu.memory_space<vmem_shared>> -> memref<10000x8xf32, #tpu.memory_space<vmem_shared>>
      tpu.enqueue_indirect_dma source(%arg33 : memref<40x8xf32, #tpu.memory_space<vmem>>) target(%dma_start3A_314 : memref<10000x8xf32, #tpu.memory_space<vmem_shared>>) offsets(%dma_start3A_311 : memref<40xi32, #tpu.memory_space<vmem>>) semaphore(%arg28 : memref<!tpu.dma_semaphore, #tpu.memory_space<semaphore_mem>>) {add = true}
      %ge3A = arith.constant 1 : i32
      %ge3A_315 = arith.cmpi sge, %add3A_296, %ge3A : i32
      %convert_element_type3A_316 = arith.extui %ge3A_315 : i1 to i32
      %cond3A_317 = arith.constant 0 : i32
      %cond3A_318 = arith.cmpi ne, %convert_element_type3A_316, %cond3A_317 : i32
      scf.if %cond3A_318 {
        %dma_wait3A_467 = arith.constant 0 : i32
        %dma_wait3A_468 = arith.constant 0 : i32
        %dma_wait3A_469 = tpu.memref_slice %arg11[%dma_wait3A_467, %dma_wait3A_468] : memref<250x40xi32, #tpu.memory_space<vmem>> -> memref<1x40xi32, #tpu.memory_space<vmem>>
        %dma_wait3A_470 = tpu.memref_squeeze %dma_wait3A_469 : memref<1x40xi32, #tpu.memory_space<vmem>> -> memref<40xi32, #tpu.memory_space<vmem>>
        %dma_wait3A_471 = arith.constant 0 : i32
        %dma_wait3A_472 = arith.constant 0 : i32
        %dma_wait3A_473 = tpu.memref_slice %arg27[%dma_wait3A_471, %dma_wait3A_472] : memref<10000x128xf32, #tpu.memory_space<vmem_shared>> -> memref<10000x128xf32, #tpu.memory_space<vmem_shared>>
        tpu.wait_indirect_dma semaphore(%arg26 : memref<!tpu.dma_semaphore, #tpu.memory_space<semaphore_mem>>) src(%arg16 : memref<40x128xf32, #tpu.memory_space<vmem>>) dst(%dma_wait3A_473 : memref<10000x128xf32, #tpu.memory_space<vmem_shared>>)
        %dma_wait3A_474 = arith.constant 0 : i32
        %dma_wait3A_475 = arith.constant 0 : i32
        %dma_wait3A_476 = tpu.memref_slice %arg11[%dma_wait3A_474, %dma_wait3A_475] : memref<250x40xi32, #tpu.memory_space<vmem>> -> memref<1x40xi32, #tpu.memory_space<vmem>>
        %dma_wait3A_477 = tpu.memref_squeeze %dma_wait3A_476 : memref<1x40xi32, #tpu.memory_space<vmem>> -> memref<40xi32, #tpu.memory_space<vmem>>
        %dma_wait3A_478 = arith.constant 0 : i32
        %dma_wait3A_479 = arith.constant 0 : i32
        %dma_wait3A_480 = tpu.memref_slice %arg34[%dma_wait3A_478, %dma_wait3A_479] : memref<10000x8xf32, #tpu.memory_space<vmem_shared>> -> memref<10000x8xf32, #tpu.memory_space<vmem_shared>>
        tpu.wait_indirect_dma semaphore(%arg32 : memref<!tpu.dma_semaphore, #tpu.memory_space<semaphore_mem>>) src(%arg33 : memref<40x8xf32, #tpu.memory_space<vmem>>) dst(%dma_wait3A_480 : memref<10000x8xf32, #tpu.memory_space<vmem_shared>>)
      } else {
      }
      %add3A_319 = arith.constant 4 : i32
      %add3A_320 = arith.addi %add3A_296, %add3A_319 : i32
      %dma_start3A_321 = arith.constant 0 : i32
      %dma_start3A_322 = tpu.memref_slice %arg10[%add3A_320, %dma_start3A_321] : memref<250x40xi32, #tpu.memory_space<vmem>> -> memref<1x40xi32, #tpu.memory_space<vmem>>
      %dma_start3A_323 = tpu.memref_squeeze %dma_start3A_322 : memref<1x40xi32, #tpu.memory_space<vmem>> -> memref<40xi32, #tpu.memory_space<vmem>>
      %dma_start3A_324 = arith.constant 0 : i32
      %dma_start3A_325 = arith.constant 0 : i32
      %dma_start3A_326 = tpu.memref_slice %arg2[%dma_start3A_324, %dma_start3A_325] : memref<10000x128xf32, #tpu.memory_space<hbm>> -> memref<10000x128xf32, #tpu.memory_space<hbm>>
      tpu.enqueue_indirect_dma source(%dma_start3A_326 : memref<10000x128xf32, #tpu.memory_space<hbm>>) target(%arg16 : memref<40x128xf32, #tpu.memory_space<vmem>>) offsets(%dma_start3A_323 : memref<40xi32, #tpu.memory_space<vmem>>) semaphore(%arg21 : memref<!tpu.dma_semaphore, #tpu.memory_space<semaphore_mem>>)
      %mul3A_327 = arith.constant 5 : i32
      %mul3A_328 = arith.muli %scan3A_292, %mul3A_327 : i32
      %add3A_329 = arith.constant 1 : i32
      %add3A_330 = arith.addi %mul3A_328, %add3A_329 : i32
      %dma_wait3A_331 = arith.constant 0 : i32
      %dma_wait3A_332 = tpu.memref_slice %arg10[%add3A_330, %dma_wait3A_331] : memref<250x40xi32, #tpu.memory_space<vmem>> -> memref<1x40xi32, #tpu.memory_space<vmem>>
      %dma_wait3A_333 = tpu.memref_squeeze %dma_wait3A_332 : memref<1x40xi32, #tpu.memory_space<vmem>> -> memref<40xi32, #tpu.memory_space<vmem>>
      %dma_wait3A_334 = arith.constant 0 : i32
      %dma_wait3A_335 = arith.constant 0 : i32
      %dma_wait3A_336 = tpu.memref_slice %arg2[%dma_wait3A_334, %dma_wait3A_335] : memref<10000x128xf32, #tpu.memory_space<hbm>> -> memref<10000x128xf32, #tpu.memory_space<hbm>>
      tpu.wait_indirect_dma semaphore(%arg18 : memref<!tpu.dma_semaphore, #tpu.memory_space<semaphore_mem>>) src(%dma_wait3A_336 : memref<10000x128xf32, #tpu.memory_space<hbm>>) dst(%arg13 : memref<40x128xf32, #tpu.memory_space<vmem>>)
      %dma_start3A_337 = arith.constant 0 : i32
      %dma_start3A_338 = tpu.memref_slice %arg11[%add3A_330, %dma_start3A_337] : memref<250x40xi32, #tpu.memory_space<vmem>> -> memref<1x40xi32, #tpu.memory_space<vmem>>
      %dma_start3A_339 = tpu.memref_squeeze %dma_start3A_338 : memref<1x40xi32, #tpu.memory_space<vmem>> -> memref<40xi32, #tpu.memory_space<vmem>>
      %dma_start3A_340 = arith.constant 0 : i32
      %dma_start3A_341 = arith.constant 0 : i32
      %dma_start3A_342 = tpu.memref_slice %arg27[%dma_start3A_340, %dma_start3A_341] : memref<10000x128xf32, #tpu.memory_space<vmem_shared>> -> memref<10000x128xf32, #tpu.memory_space<vmem_shared>>
      tpu.enqueue_indirect_dma source(%arg13 : memref<40x128xf32, #tpu.memory_space<vmem>>) target(%dma_start3A_342 : memref<10000x128xf32, #tpu.memory_space<vmem_shared>>) offsets(%dma_start3A_339 : memref<40xi32, #tpu.memory_space<vmem>>) semaphore(%arg23 : memref<!tpu.dma_semaphore, #tpu.memory_space<semaphore_mem>>) {add = true}
      %dma_start3A_343 = arith.constant 0 : i32
      %dma_start3A_344 = tpu.memref_slice %arg11[%add3A_330, %dma_start3A_343] : memref<250x40xi32, #tpu.memory_space<vmem>> -> memref<1x40xi32, #tpu.memory_space<vmem>>
      %dma_start3A_345 = tpu.memref_squeeze %dma_start3A_344 : memref<1x40xi32, #tpu.memory_space<vmem>> -> memref<40xi32, #tpu.memory_space<vmem>>
      %dma_start3A_346 = arith.constant 0 : i32
      %dma_start3A_347 = arith.constant 0 : i32
      %dma_start3A_348 = tpu.memref_slice %arg34[%dma_start3A_346, %dma_start3A_347] : memref<10000x8xf32, #tpu.memory_space<vmem_shared>> -> memref<10000x8xf32, #tpu.memory_space<vmem_shared>>
      tpu.enqueue_indirect_dma source(%arg33 : memref<40x8xf32, #tpu.memory_space<vmem>>) target(%dma_start3A_348 : memref<10000x8xf32, #tpu.memory_space<vmem_shared>>) offsets(%dma_start3A_345 : memref<40xi32, #tpu.memory_space<vmem>>) semaphore(%arg29 : memref<!tpu.dma_semaphore, #tpu.memory_space<semaphore_mem>>) {add = true}
      %ge3A_349 = arith.constant 1 : i32
      %ge3A_350 = arith.cmpi sge, %add3A_330, %ge3A_349 : i32
      %convert_element_type3A_351 = arith.extui %ge3A_350 : i1 to i32
      %cond3A_352 = arith.constant 0 : i32
      %cond3A_353 = arith.cmpi ne, %convert_element_type3A_351, %cond3A_352 : i32
      scf.if %cond3A_353 {
        %dma_wait3A_467 = arith.constant 0 : i32
        %dma_wait3A_468 = arith.constant 0 : i32
        %dma_wait3A_469 = tpu.memref_slice %arg11[%dma_wait3A_467, %dma_wait3A_468] : memref<250x40xi32, #tpu.memory_space<vmem>> -> memref<1x40xi32, #tpu.memory_space<vmem>>
        %dma_wait3A_470 = tpu.memref_squeeze %dma_wait3A_469 : memref<1x40xi32, #tpu.memory_space<vmem>> -> memref<40xi32, #tpu.memory_space<vmem>>
        %dma_wait3A_471 = arith.constant 0 : i32
        %dma_wait3A_472 = arith.constant 0 : i32
        %dma_wait3A_473 = tpu.memref_slice %arg27[%dma_wait3A_471, %dma_wait3A_472] : memref<10000x128xf32, #tpu.memory_space<vmem_shared>> -> memref<10000x128xf32, #tpu.memory_space<vmem_shared>>
        tpu.wait_indirect_dma semaphore(%arg22 : memref<!tpu.dma_semaphore, #tpu.memory_space<semaphore_mem>>) src(%arg12 : memref<40x128xf32, #tpu.memory_space<vmem>>) dst(%dma_wait3A_473 : memref<10000x128xf32, #tpu.memory_space<vmem_shared>>)
        %dma_wait3A_474 = arith.constant 0 : i32
        %dma_wait3A_475 = arith.constant 0 : i32
        %dma_wait3A_476 = tpu.memref_slice %arg11[%dma_wait3A_474, %dma_wait3A_475] : memref<250x40xi32, #tpu.memory_space<vmem>> -> memref<1x40xi32, #tpu.memory_space<vmem>>
        %dma_wait3A_477 = tpu.memref_squeeze %dma_wait3A_476 : memref<1x40xi32, #tpu.memory_space<vmem>> -> memref<40xi32, #tpu.memory_space<vmem>>
        %dma_wait3A_478 = arith.constant 0 : i32
        %dma_wait3A_479 = arith.constant 0 : i32
        %dma_wait3A_480 = tpu.memref_slice %arg34[%dma_wait3A_478, %dma_wait3A_479] : memref<10000x8xf32, #tpu.memory_space<vmem_shared>> -> memref<10000x8xf32, #tpu.memory_space<vmem_shared>>
        tpu.wait_indirect_dma semaphore(%arg28 : memref<!tpu.dma_semaphore, #tpu.memory_space<semaphore_mem>>) src(%arg33 : memref<40x8xf32, #tpu.memory_space<vmem>>) dst(%dma_wait3A_480 : memref<10000x8xf32, #tpu.memory_space<vmem_shared>>)
      } else {
      }
      %add3A_354 = arith.constant 4 : i32
      %add3A_355 = arith.addi %add3A_330, %add3A_354 : i32
      %dma_start3A_356 = arith.constant 0 : i32
      %dma_start3A_357 = tpu.memref_slice %arg10[%add3A_355, %dma_start3A_356] : memref<250x40xi32, #tpu.memory_space<vmem>> -> memref<1x40xi32, #tpu.memory_space<vmem>>
      %dma_start3A_358 = tpu.memref_squeeze %dma_start3A_357 : memref<1x40xi32, #tpu.memory_space<vmem>> -> memref<40xi32, #tpu.memory_space<vmem>>
      %dma_start3A_359 = arith.constant 0 : i32
      %dma_start3A_360 = arith.constant 0 : i32
      %dma_start3A_361 = tpu.memref_slice %arg2[%dma_start3A_359, %dma_start3A_360] : memref<10000x128xf32, #tpu.memory_space<hbm>> -> memref<10000x128xf32, #tpu.memory_space<hbm>>
      tpu.enqueue_indirect_dma source(%dma_start3A_361 : memref<10000x128xf32, #tpu.memory_space<hbm>>) target(%arg12 : memref<40x128xf32, #tpu.memory_space<vmem>>) offsets(%dma_start3A_358 : memref<40xi32, #tpu.memory_space<vmem>>) semaphore(%arg17 : memref<!tpu.dma_semaphore, #tpu.memory_space<semaphore_mem>>)
      %mul3A_362 = arith.constant 5 : i32
      %mul3A_363 = arith.muli %scan3A_292, %mul3A_362 : i32
      %add3A_364 = arith.constant 2 : i32
      %add3A_365 = arith.addi %mul3A_363, %add3A_364 : i32
      %dma_wait3A_366 = arith.constant 0 : i32
      %dma_wait3A_367 = tpu.memref_slice %arg10[%add3A_365, %dma_wait3A_366] : memref<250x40xi32, #tpu.memory_space<vmem>> -> memref<1x40xi32, #tpu.memory_space<vmem>>
      %dma_wait3A_368 = tpu.memref_squeeze %dma_wait3A_367 : memref<1x40xi32, #tpu.memory_space<vmem>> -> memref<40xi32, #tpu.memory_space<vmem>>
      %dma_wait3A_369 = arith.constant 0 : i32
      %dma_wait3A_370 = arith.constant 0 : i32
      %dma_wait3A_371 = tpu.memref_slice %arg2[%dma_wait3A_369, %dma_wait3A_370] : memref<10000x128xf32, #tpu.memory_space<hbm>> -> memref<10000x128xf32, #tpu.memory_space<hbm>>
      tpu.wait_indirect_dma semaphore(%arg19 : memref<!tpu.dma_semaphore, #tpu.memory_space<semaphore_mem>>) src(%dma_wait3A_371 : memref<10000x128xf32, #tpu.memory_space<hbm>>) dst(%arg14 : memref<40x128xf32, #tpu.memory_space<vmem>>)
      %dma_start3A_372 = arith.constant 0 : i32
      %dma_start3A_373 = tpu.memref_slice %arg11[%add3A_365, %dma_start3A_372] : memref<250x40xi32, #tpu.memory_space<vmem>> -> memref<1x40xi32, #tpu.memory_space<vmem>>
      %dma_start3A_374 = tpu.memref_squeeze %dma_start3A_373 : memref<1x40xi32, #tpu.memory_space<vmem>> -> memref<40xi32, #tpu.memory_space<vmem>>
      %dma_start3A_375 = arith.constant 0 : i32
      %dma_start3A_376 = arith.constant 0 : i32
      %dma_start3A_377 = tpu.memref_slice %arg27[%dma_start3A_375, %dma_start3A_376] : memref<10000x128xf32, #tpu.memory_space<vmem_shared>> -> memref<10000x128xf32, #tpu.memory_space<vmem_shared>>
      tpu.enqueue_indirect_dma source(%arg14 : memref<40x128xf32, #tpu.memory_space<vmem>>) target(%dma_start3A_377 : memref<10000x128xf32, #tpu.memory_space<vmem_shared>>) offsets(%dma_start3A_374 : memref<40xi32, #tpu.memory_space<vmem>>) semaphore(%arg24 : memref<!tpu.dma_semaphore, #tpu.memory_space<semaphore_mem>>) {add = true}
      %dma_start3A_378 = arith.constant 0 : i32
      %dma_start3A_379 = tpu.memref_slice %arg11[%add3A_365, %dma_start3A_378] : memref<250x40xi32, #tpu.memory_space<vmem>> -> memref<1x40xi32, #tpu.memory_space<vmem>>
      %dma_start3A_380 = tpu.memref_squeeze %dma_start3A_379 : memref<1x40xi32, #tpu.memory_space<vmem>> -> memref<40xi32, #tpu.memory_space<vmem>>
      %dma_start3A_381 = arith.constant 0 : i32
      %dma_start3A_382 = arith.constant 0 : i32
      %dma_start3A_383 = tpu.memref_slice %arg34[%dma_start3A_381, %dma_start3A_382] : memref<10000x8xf32, #tpu.memory_space<vmem_shared>> -> memref<10000x8xf32, #tpu.memory_space<vmem_shared>>
      tpu.enqueue_indirect_dma source(%arg33 : memref<40x8xf32, #tpu.memory_space<vmem>>) target(%dma_start3A_383 : memref<10000x8xf32, #tpu.memory_space<vmem_shared>>) offsets(%dma_start3A_380 : memref<40xi32, #tpu.memory_space<vmem>>) semaphore(%arg30 : memref<!tpu.dma_semaphore, #tpu.memory_space<semaphore_mem>>) {add = true}
      %ge3A_384 = arith.constant 1 : i32
      %ge3A_385 = arith.cmpi sge, %add3A_365, %ge3A_384 : i32
      %convert_element_type3A_386 = arith.extui %ge3A_385 : i1 to i32
      %cond3A_387 = arith.constant 0 : i32
      %cond3A_388 = arith.cmpi ne, %convert_element_type3A_386, %cond3A_387 : i32
      scf.if %cond3A_388 {
        %dma_wait3A_467 = arith.constant 0 : i32
        %dma_wait3A_468 = arith.constant 0 : i32
        %dma_wait3A_469 = tpu.memref_slice %arg11[%dma_wait3A_467, %dma_wait3A_468] : memref<250x40xi32, #tpu.memory_space<vmem>> -> memref<1x40xi32, #tpu.memory_space<vmem>>
        %dma_wait3A_470 = tpu.memref_squeeze %dma_wait3A_469 : memref<1x40xi32, #tpu.memory_space<vmem>> -> memref<40xi32, #tpu.memory_space<vmem>>
        %dma_wait3A_471 = arith.constant 0 : i32
        %dma_wait3A_472 = arith.constant 0 : i32
        %dma_wait3A_473 = tpu.memref_slice %arg27[%dma_wait3A_471, %dma_wait3A_472] : memref<10000x128xf32, #tpu.memory_space<vmem_shared>> -> memref<10000x128xf32, #tpu.memory_space<vmem_shared>>
        tpu.wait_indirect_dma semaphore(%arg23 : memref<!tpu.dma_semaphore, #tpu.memory_space<semaphore_mem>>) src(%arg13 : memref<40x128xf32, #tpu.memory_space<vmem>>) dst(%dma_wait3A_473 : memref<10000x128xf32, #tpu.memory_space<vmem_shared>>)
        %dma_wait3A_474 = arith.constant 0 : i32
        %dma_wait3A_475 = arith.constant 0 : i32
        %dma_wait3A_476 = tpu.memref_slice %arg11[%dma_wait3A_474, %dma_wait3A_475] : memref<250x40xi32, #tpu.memory_space<vmem>> -> memref<1x40xi32, #tpu.memory_space<vmem>>
        %dma_wait3A_477 = tpu.memref_squeeze %dma_wait3A_476 : memref<1x40xi32, #tpu.memory_space<vmem>> -> memref<40xi32, #tpu.memory_space<vmem>>
        %dma_wait3A_478 = arith.constant 0 : i32
        %dma_wait3A_479 = arith.constant 0 : i32
        %dma_wait3A_480 = tpu.memref_slice %arg34[%dma_wait3A_478, %dma_wait3A_479] : memref<10000x8xf32, #tpu.memory_space<vmem_shared>> -> memref<10000x8xf32, #tpu.memory_space<vmem_shared>>
        tpu.wait_indirect_dma semaphore(%arg29 : memref<!tpu.dma_semaphore, #tpu.memory_space<semaphore_mem>>) src(%arg33 : memref<40x8xf32, #tpu.memory_space<vmem>>) dst(%dma_wait3A_480 : memref<10000x8xf32, #tpu.memory_space<vmem_shared>>)
      } else {
      }
      %add3A_389 = arith.constant 4 : i32
      %add3A_390 = arith.addi %add3A_365, %add3A_389 : i32
      %dma_start3A_391 = arith.constant 0 : i32
      %dma_start3A_392 = tpu.memref_slice %arg10[%add3A_390, %dma_start3A_391] : memref<250x40xi32, #tpu.memory_space<vmem>> -> memref<1x40xi32, #tpu.memory_space<vmem>>
      %dma_start3A_393 = tpu.memref_squeeze %dma_start3A_392 : memref<1x40xi32, #tpu.memory_space<vmem>> -> memref<40xi32, #tpu.memory_space<vmem>>
      %dma_start3A_394 = arith.constant 0 : i32
      %dma_start3A_395 = arith.constant 0 : i32
      %dma_start3A_396 = tpu.memref_slice %arg2[%dma_start3A_394, %dma_start3A_395] : memref<10000x128xf32, #tpu.memory_space<hbm>> -> memref<10000x128xf32, #tpu.memory_space<hbm>>
      tpu.enqueue_indirect_dma source(%dma_start3A_396 : memref<10000x128xf32, #tpu.memory_space<hbm>>) target(%arg13 : memref<40x128xf32, #tpu.memory_space<vmem>>) offsets(%dma_start3A_393 : memref<40xi32, #tpu.memory_space<vmem>>) semaphore(%arg18 : memref<!tpu.dma_semaphore, #tpu.memory_space<semaphore_mem>>)
      %mul3A_397 = arith.constant 5 : i32
      %mul3A_398 = arith.muli %scan3A_292, %mul3A_397 : i32
      %add3A_399 = arith.constant 3 : i32
      %add3A_400 = arith.addi %mul3A_398, %add3A_399 : i32
      %dma_wait3A_401 = arith.constant 0 : i32
      %dma_wait3A_402 = tpu.memref_slice %arg10[%add3A_400, %dma_wait3A_401] : memref<250x40xi32, #tpu.memory_space<vmem>> -> memref<1x40xi32, #tpu.memory_space<vmem>>
      %dma_wait3A_403 = tpu.memref_squeeze %dma_wait3A_402 : memref<1x40xi32, #tpu.memory_space<vmem>> -> memref<40xi32, #tpu.memory_space<vmem>>
      %dma_wait3A_404 = arith.constant 0 : i32
      %dma_wait3A_405 = arith.constant 0 : i32
      %dma_wait3A_406 = tpu.memref_slice %arg2[%dma_wait3A_404, %dma_wait3A_405] : memref<10000x128xf32, #tpu.memory_space<hbm>> -> memref<10000x128xf32, #tpu.memory_space<hbm>>
      tpu.wait_indirect_dma semaphore(%arg20 : memref<!tpu.dma_semaphore, #tpu.memory_space<semaphore_mem>>) src(%dma_wait3A_406 : memref<10000x128xf32, #tpu.memory_space<hbm>>) dst(%arg15 : memref<40x128xf32, #tpu.memory_space<vmem>>)
      %dma_start3A_407 = arith.constant 0 : i32
      %dma_start3A_408 = tpu.memref_slice %arg11[%add3A_400, %dma_start3A_407] : memref<250x40xi32, #tpu.memory_space<vmem>> -> memref<1x40xi32, #tpu.memory_space<vmem>>
      %dma_start3A_409 = tpu.memref_squeeze %dma_start3A_408 : memref<1x40xi32, #tpu.memory_space<vmem>> -> memref<40xi32, #tpu.memory_space<vmem>>
      %dma_start3A_410 = arith.constant 0 : i32
      %dma_start3A_411 = arith.constant 0 : i32
      %dma_start3A_412 = tpu.memref_slice %arg27[%dma_start3A_410, %dma_start3A_411] : memref<10000x128xf32, #tpu.memory_space<vmem_shared>> -> memref<10000x128xf32, #tpu.memory_space<vmem_shared>>
      tpu.enqueue_indirect_dma source(%arg15 : memref<40x128xf32, #tpu.memory_space<vmem>>) target(%dma_start3A_412 : memref<10000x128xf32, #tpu.memory_space<vmem_shared>>) offsets(%dma_start3A_409 : memref<40xi32, #tpu.memory_space<vmem>>) semaphore(%arg25 : memref<!tpu.dma_semaphore, #tpu.memory_space<semaphore_mem>>) {add = true}
      %dma_start3A_413 = arith.constant 0 : i32
      %dma_start3A_414 = tpu.memref_slice %arg11[%add3A_400, %dma_start3A_413] : memref<250x40xi32, #tpu.memory_space<vmem>> -> memref<1x40xi32, #tpu.memory_space<vmem>>
      %dma_start3A_415 = tpu.memref_squeeze %dma_start3A_414 : memref<1x40xi32, #tpu.memory_space<vmem>> -> memref<40xi32, #tpu.memory_space<vmem>>
      %dma_start3A_416 = arith.constant 0 : i32
      %dma_start3A_417 = arith.constant 0 : i32
      %dma_start3A_418 = tpu.memref_slice %arg34[%dma_start3A_416, %dma_start3A_417] : memref<10000x8xf32, #tpu.memory_space<vmem_shared>> -> memref<10000x8xf32, #tpu.memory_space<vmem_shared>>
      tpu.enqueue_indirect_dma source(%arg33 : memref<40x8xf32, #tpu.memory_space<vmem>>) target(%dma_start3A_418 : memref<10000x8xf32, #tpu.memory_space<vmem_shared>>) offsets(%dma_start3A_415 : memref<40xi32, #tpu.memory_space<vmem>>) semaphore(%arg31 : memref<!tpu.dma_semaphore, #tpu.memory_space<semaphore_mem>>) {add = true}
      %ge3A_419 = arith.constant 1 : i32
      %ge3A_420 = arith.cmpi sge, %add3A_400, %ge3A_419 : i32
      %convert_element_type3A_421 = arith.extui %ge3A_420 : i1 to i32
      %cond3A_422 = arith.constant 0 : i32
      %cond3A_423 = arith.cmpi ne, %convert_element_type3A_421, %cond3A_422 : i32
      scf.if %cond3A_423 {
        %dma_wait3A_467 = arith.constant 0 : i32
        %dma_wait3A_468 = arith.constant 0 : i32
        %dma_wait3A_469 = tpu.memref_slice %arg11[%dma_wait3A_467, %dma_wait3A_468] : memref<250x40xi32, #tpu.memory_space<vmem>> -> memref<1x40xi32, #tpu.memory_space<vmem>>
        %dma_wait3A_470 = tpu.memref_squeeze %dma_wait3A_469 : memref<1x40xi32, #tpu.memory_space<vmem>> -> memref<40xi32, #tpu.memory_space<vmem>>
        %dma_wait3A_471 = arith.constant 0 : i32
        %dma_wait3A_472 = arith.constant 0 : i32
        %dma_wait3A_473 = tpu.memref_slice %arg27[%dma_wait3A_471, %dma_wait3A_472] : memref<10000x128xf32, #tpu.memory_space<vmem_shared>> -> memref<10000x128xf32, #tpu.memory_space<vmem_shared>>
        tpu.wait_indirect_dma semaphore(%arg24 : memref<!tpu.dma_semaphore, #tpu.memory_space<semaphore_mem>>) src(%arg14 : memref<40x128xf32, #tpu.memory_space<vmem>>) dst(%dma_wait3A_473 : memref<10000x128xf32, #tpu.memory_space<vmem_shared>>)
        %dma_wait3A_474 = arith.constant 0 : i32
        %dma_wait3A_475 = arith.constant 0 : i32
        %dma_wait3A_476 = tpu.memref_slice %arg11[%dma_wait3A_474, %dma_wait3A_475] : memref<250x40xi32, #tpu.memory_space<vmem>> -> memref<1x40xi32, #tpu.memory_space<vmem>>
        %dma_wait3A_477 = tpu.memref_squeeze %dma_wait3A_476 : memref<1x40xi32, #tpu.memory_space<vmem>> -> memref<40xi32, #tpu.memory_space<vmem>>
        %dma_wait3A_478 = arith.constant 0 : i32
        %dma_wait3A_479 = arith.constant 0 : i32
        %dma_wait3A_480 = tpu.memref_slice %arg34[%dma_wait3A_478, %dma_wait3A_479] : memref<10000x8xf32, #tpu.memory_space<vmem_shared>> -> memref<10000x8xf32, #tpu.memory_space<vmem_shared>>
        tpu.wait_indirect_dma semaphore(%arg30 : memref<!tpu.dma_semaphore, #tpu.memory_space<semaphore_mem>>) src(%arg33 : memref<40x8xf32, #tpu.memory_space<vmem>>) dst(%dma_wait3A_480 : memref<10000x8xf32, #tpu.memory_space<vmem_shared>>)
      } else {
      }
      %add3A_424 = arith.constant 4 : i32
      %add3A_425 = arith.addi %add3A_400, %add3A_424 : i32
      %dma_start3A_426 = arith.constant 0 : i32
      %dma_start3A_427 = tpu.memref_slice %arg10[%add3A_425, %dma_start3A_426] : memref<250x40xi32, #tpu.memory_space<vmem>> -> memref<1x40xi32, #tpu.memory_space<vmem>>
      %dma_start3A_428 = tpu.memref_squeeze %dma_start3A_427 : memref<1x40xi32, #tpu.memory_space<vmem>> -> memref<40xi32, #tpu.memory_space<vmem>>
      %dma_start3A_429 = arith.constant 0 : i32
      %dma_start3A_430 = arith.constant 0 : i32
      %dma_start3A_431 = tpu.memref_slice %arg2[%dma_start3A_429, %dma_start3A_430] : memref<10000x128xf32, #tpu.memory_space<hbm>> -> memref<10000x128xf32, #tpu.memory_space<hbm>>
      tpu.enqueue_indirect_dma source(%dma_start3A_431 : memref<10000x128xf32, #tpu.memory_space<hbm>>) target(%arg14 : memref<40x128xf32, #tpu.memory_space<vmem>>) offsets(%dma_start3A_428 : memref<40xi32, #tpu.memory_space<vmem>>) semaphore(%arg19 : memref<!tpu.dma_semaphore, #tpu.memory_space<semaphore_mem>>)
      %mul3A_432 = arith.constant 5 : i32
      %mul3A_433 = arith.muli %scan3A_292, %mul3A_432 : i32
      %add3A_434 = arith.constant 4 : i32
      %add3A_435 = arith.addi %mul3A_433, %add3A_434 : i32
      %dma_wait3A_436 = arith.constant 0 : i32
      %dma_wait3A_437 = tpu.memref_slice %arg10[%add3A_435, %dma_wait3A_436] : memref<250x40xi32, #tpu.memory_space<vmem>> -> memref<1x40xi32, #tpu.memory_space<vmem>>
      %dma_wait3A_438 = tpu.memref_squeeze %dma_wait3A_437 : memref<1x40xi32, #tpu.memory_space<vmem>> -> memref<40xi32, #tpu.memory_space<vmem>>
      %dma_wait3A_439 = arith.constant 0 : i32
      %dma_wait3A_440 = arith.constant 0 : i32
      %dma_wait3A_441 = tpu.memref_slice %arg2[%dma_wait3A_439, %dma_wait3A_440] : memref<10000x128xf32, #tpu.memory_space<hbm>> -> memref<10000x128xf32, #tpu.memory_space<hbm>>
      tpu.wait_indirect_dma semaphore(%arg21 : memref<!tpu.dma_semaphore, #tpu.memory_space<semaphore_mem>>) src(%dma_wait3A_441 : memref<10000x128xf32, #tpu.memory_space<hbm>>) dst(%arg16 : memref<40x128xf32, #tpu.memory_space<vmem>>)
      %dma_start3A_442 = arith.constant 0 : i32
      %dma_start3A_443 = tpu.memref_slice %arg11[%add3A_435, %dma_start3A_442] : memref<250x40xi32, #tpu.memory_space<vmem>> -> memref<1x40xi32, #tpu.memory_space<vmem>>
      %dma_start3A_444 = tpu.memref_squeeze %dma_start3A_443 : memref<1x40xi32, #tpu.memory_space<vmem>> -> memref<40xi32, #tpu.memory_space<vmem>>
      %dma_start3A_445 = arith.constant 0 : i32
      %dma_start3A_446 = arith.constant 0 : i32
      %dma_start3A_447 = tpu.memref_slice %arg27[%dma_start3A_445, %dma_start3A_446] : memref<10000x128xf32, #tpu.memory_space<vmem_shared>> -> memref<10000x128xf32, #tpu.memory_space<vmem_shared>>
      tpu.enqueue_indirect_dma source(%arg16 : memref<40x128xf32, #tpu.memory_space<vmem>>) target(%dma_start3A_447 : memref<10000x128xf32, #tpu.memory_space<vmem_shared>>) offsets(%dma_start3A_444 : memref<40xi32, #tpu.memory_space<vmem>>) semaphore(%arg26 : memref<!tpu.dma_semaphore, #tpu.memory_space<semaphore_mem>>) {add = true}
      %dma_start3A_448 = arith.constant 0 : i32
      %dma_start3A_449 = tpu.memref_slice %arg11[%add3A_435, %dma_start3A_448] : memref<250x40xi32, #tpu.memory_space<vmem>> -> memref<1x40xi32, #tpu.memory_space<vmem>>
      %dma_start3A_450 = tpu.memref_squeeze %dma_start3A_449 : memref<1x40xi32, #tpu.memory_space<vmem>> -> memref<40xi32, #tpu.memory_space<vmem>>
      %dma_start3A_451 = arith.constant 0 : i32
      %dma_start3A_452 = arith.constant 0 : i32
      %dma_start3A_453 = tpu.memref_slice %arg34[%dma_start3A_451, %dma_start3A_452] : memref<10000x8xf32, #tpu.memory_space<vmem_shared>> -> memref<10000x8xf32, #tpu.memory_space<vmem_shared>>
      tpu.enqueue_indirect_dma source(%arg33 : memref<40x8xf32, #tpu.memory_space<vmem>>) target(%dma_start3A_453 : memref<10000x8xf32, #tpu.memory_space<vmem_shared>>) offsets(%dma_start3A_450 : memref<40xi32, #tpu.memory_space<vmem>>) semaphore(%arg32 : memref<!tpu.dma_semaphore, #tpu.memory_space<semaphore_mem>>) {add = true}
      %ge3A_454 = arith.constant 1 : i32
      %ge3A_455 = arith.cmpi sge, %add3A_435, %ge3A_454 : i32
      %convert_element_type3A_456 = arith.extui %ge3A_455 : i1 to i32
      %cond3A_457 = arith.constant 0 : i32
      %cond3A_458 = arith.cmpi ne, %convert_element_type3A_456, %cond3A_457 : i32
      scf.if %cond3A_458 {
        %dma_wait3A_467 = arith.constant 0 : i32
        %dma_wait3A_468 = arith.constant 0 : i32
        %dma_wait3A_469 = tpu.memref_slice %arg11[%dma_wait3A_467, %dma_wait3A_468] : memref<250x40xi32, #tpu.memory_space<vmem>> -> memref<1x40xi32, #tpu.memory_space<vmem>>
        %dma_wait3A_470 = tpu.memref_squeeze %dma_wait3A_469 : memref<1x40xi32, #tpu.memory_space<vmem>> -> memref<40xi32, #tpu.memory_space<vmem>>
        %dma_wait3A_471 = arith.constant 0 : i32
        %dma_wait3A_472 = arith.constant 0 : i32
        %dma_wait3A_473 = tpu.memref_slice %arg27[%dma_wait3A_471, %dma_wait3A_472] : memref<10000x128xf32, #tpu.memory_space<vmem_shared>> -> memref<10000x128xf32, #tpu.memory_space<vmem_shared>>
        tpu.wait_indirect_dma semaphore(%arg25 : memref<!tpu.dma_semaphore, #tpu.memory_space<semaphore_mem>>) src(%arg15 : memref<40x128xf32, #tpu.memory_space<vmem>>) dst(%dma_wait3A_473 : memref<10000x128xf32, #tpu.memory_space<vmem_shared>>)
        %dma_wait3A_474 = arith.constant 0 : i32
        %dma_wait3A_475 = arith.constant 0 : i32
        %dma_wait3A_476 = tpu.memref_slice %arg11[%dma_wait3A_474, %dma_wait3A_475] : memref<250x40xi32, #tpu.memory_space<vmem>> -> memref<1x40xi32, #tpu.memory_space<vmem>>
        %dma_wait3A_477 = tpu.memref_squeeze %dma_wait3A_476 : memref<1x40xi32, #tpu.memory_space<vmem>> -> memref<40xi32, #tpu.memory_space<vmem>>
        %dma_wait3A_478 = arith.constant 0 : i32
        %dma_wait3A_479 = arith.constant 0 : i32
        %dma_wait3A_480 = tpu.memref_slice %arg34[%dma_wait3A_478, %dma_wait3A_479] : memref<10000x8xf32, #tpu.memory_space<vmem_shared>> -> memref<10000x8xf32, #tpu.memory_space<vmem_shared>>
        tpu.wait_indirect_dma semaphore(%arg31 : memref<!tpu.dma_semaphore, #tpu.memory_space<semaphore_mem>>) src(%arg33 : memref<40x8xf32, #tpu.memory_space<vmem>>) dst(%dma_wait3A_480 : memref<10000x8xf32, #tpu.memory_space<vmem_shared>>)
      } else {
      }
      %add3A_459 = arith.constant 4 : i32
      %add3A_460 = arith.addi %add3A_435, %add3A_459 : i32
      %dma_start3A_461 = arith.constant 0 : i32
      %dma_start3A_462 = tpu.memref_slice %arg10[%add3A_460, %dma_start3A_461] : memref<250x40xi32, #tpu.memory_space<vmem>> -> memref<1x40xi32, #tpu.memory_space<vmem>>
      %dma_start3A_463 = tpu.memref_squeeze %dma_start3A_462 : memref<1x40xi32, #tpu.memory_space<vmem>> -> memref<40xi32, #tpu.memory_space<vmem>>
      %dma_start3A_464 = arith.constant 0 : i32
      %dma_start3A_465 = arith.constant 0 : i32
      %dma_start3A_466 = tpu.memref_slice %arg2[%dma_start3A_464, %dma_start3A_465] : memref<10000x128xf32, #tpu.memory_space<hbm>> -> memref<10000x128xf32, #tpu.memory_space<hbm>>
      tpu.enqueue_indirect_dma source(%dma_start3A_466 : memref<10000x128xf32, #tpu.memory_space<hbm>>) target(%arg15 : memref<40x128xf32, #tpu.memory_space<vmem>>) offsets(%dma_start3A_463 : memref<40xi32, #tpu.memory_space<vmem>>) semaphore(%arg20 : memref<!tpu.dma_semaphore, #tpu.memory_space<semaphore_mem>>)
    }
    %scan3A_79 = arith.constant 49 : i32
    %dma_wait3A_80 = arith.constant 245 : i32
    %dma_wait3A_81 = arith.constant 0 : i32
    %dma_wait3A_82 = tpu.memref_slice %arg10[%dma_wait3A_80, %dma_wait3A_81] : memref<250x40xi32, #tpu.memory_space<vmem>> -> memref<1x40xi32, #tpu.memory_space<vmem>>
    %dma_wait3A_83 = tpu.memref_squeeze %dma_wait3A_82 : memref<1x40xi32, #tpu.memory_space<vmem>> -> memref<40xi32, #tpu.memory_space<vmem>>
    %dma_wait3A_84 = arith.constant 0 : i32
    %dma_wait3A_85 = arith.constant 0 : i32
    %dma_wait3A_86 = tpu.memref_slice %arg2[%dma_wait3A_84, %dma_wait3A_85] : memref<10000x128xf32, #tpu.memory_space<hbm>> -> memref<10000x128xf32, #tpu.memory_space<hbm>>
    tpu.wait_indirect_dma semaphore(%arg17 : memref<!tpu.dma_semaphore, #tpu.memory_space<semaphore_mem>>) src(%dma_wait3A_86 : memref<10000x128xf32, #tpu.memory_space<hbm>>) dst(%arg12 : memref<40x128xf32, #tpu.memory_space<vmem>>)
    %dma_start3A_87 = arith.constant 245 : i32
    %dma_start3A_88 = arith.constant 0 : i32
    %dma_start3A_89 = tpu.memref_slice %arg11[%dma_start3A_87, %dma_start3A_88] : memref<250x40xi32, #tpu.memory_space<vmem>> -> memref<1x40xi32, #tpu.memory_space<vmem>>
    %dma_start3A_90 = tpu.memref_squeeze %dma_start3A_89 : memref<1x40xi32, #tpu.memory_space<vmem>> -> memref<40xi32, #tpu.memory_space<vmem>>
    %dma_start3A_91 = arith.constant 0 : i32
    %dma_start3A_92 = arith.constant 0 : i32
    %dma_start3A_93 = tpu.memref_slice %arg27[%dma_start3A_91, %dma_start3A_92] : memref<10000x128xf32, #tpu.memory_space<vmem_shared>> -> memref<10000x128xf32, #tpu.memory_space<vmem_shared>>
    tpu.enqueue_indirect_dma source(%arg12 : memref<40x128xf32, #tpu.memory_space<vmem>>) target(%dma_start3A_93 : memref<10000x128xf32, #tpu.memory_space<vmem_shared>>) offsets(%dma_start3A_90 : memref<40xi32, #tpu.memory_space<vmem>>) semaphore(%arg22 : memref<!tpu.dma_semaphore, #tpu.memory_space<semaphore_mem>>) {add = true}
    %dma_start3A_94 = arith.constant 245 : i32
    %dma_start3A_95 = arith.constant 0 : i32
    %dma_start3A_96 = tpu.memref_slice %arg11[%dma_start3A_94, %dma_start3A_95] : memref<250x40xi32, #tpu.memory_space<vmem>> -> memref<1x40xi32, #tpu.memory_space<vmem>>
    %dma_start3A_97 = tpu.memref_squeeze %dma_start3A_96 : memref<1x40xi32, #tpu.memory_space<vmem>> -> memref<40xi32, #tpu.memory_space<vmem>>
    %dma_start3A_98 = arith.constant 0 : i32
    %dma_start3A_99 = arith.constant 0 : i32
    %dma_start3A_100 = tpu.memref_slice %arg34[%dma_start3A_98, %dma_start3A_99] : memref<10000x8xf32, #tpu.memory_space<vmem_shared>> -> memref<10000x8xf32, #tpu.memory_space<vmem_shared>>
    tpu.enqueue_indirect_dma source(%arg33 : memref<40x8xf32, #tpu.memory_space<vmem>>) target(%dma_start3A_100 : memref<10000x8xf32, #tpu.memory_space<vmem_shared>>) offsets(%dma_start3A_97 : memref<40xi32, #tpu.memory_space<vmem>>) semaphore(%arg28 : memref<!tpu.dma_semaphore, #tpu.memory_space<semaphore_mem>>) {add = true}
    %dma_wait3A_101 = arith.constant 0 : i32
    %dma_wait3A_102 = arith.constant 0 : i32
    %dma_wait3A_103 = tpu.memref_slice %arg11[%dma_wait3A_101, %dma_wait3A_102] : memref<250x40xi32, #tpu.memory_space<vmem>> -> memref<1x40xi32, #tpu.memory_space<vmem>>
    %dma_wait3A_104 = tpu.memref_squeeze %dma_wait3A_103 : memref<1x40xi32, #tpu.memory_space<vmem>> -> memref<40xi32, #tpu.memory_space<vmem>>
    %dma_wait3A_105 = arith.constant 0 : i32
    %dma_wait3A_106 = arith.constant 0 : i32
    %dma_wait3A_107 = tpu.memref_slice %arg27[%dma_wait3A_105, %dma_wait3A_106] : memref<10000x128xf32, #tpu.memory_space<vmem_shared>> -> memref<10000x128xf32, #tpu.memory_space<vmem_shared>>
    tpu.wait_indirect_dma semaphore(%arg26 : memref<!tpu.dma_semaphore, #tpu.memory_space<semaphore_mem>>) src(%arg16 : memref<40x128xf32, #tpu.memory_space<vmem>>) dst(%dma_wait3A_107 : memref<10000x128xf32, #tpu.memory_space<vmem_shared>>)
    %dma_wait3A_108 = arith.constant 0 : i32
    %dma_wait3A_109 = arith.constant 0 : i32
    %dma_wait3A_110 = tpu.memref_slice %arg11[%dma_wait3A_108, %dma_wait3A_109] : memref<250x40xi32, #tpu.memory_space<vmem>> -> memref<1x40xi32, #tpu.memory_space<vmem>>
    %dma_wait3A_111 = tpu.memref_squeeze %dma_wait3A_110 : memref<1x40xi32, #tpu.memory_space<vmem>> -> memref<40xi32, #tpu.memory_space<vmem>>
    %dma_wait3A_112 = arith.constant 0 : i32
    %dma_wait3A_113 = arith.constant 0 : i32
    %dma_wait3A_114 = tpu.memref_slice %arg34[%dma_wait3A_112, %dma_wait3A_113] : memref<10000x8xf32, #tpu.memory_space<vmem_shared>> -> memref<10000x8xf32, #tpu.memory_space<vmem_shared>>
    tpu.wait_indirect_dma semaphore(%arg32 : memref<!tpu.dma_semaphore, #tpu.memory_space<semaphore_mem>>) src(%arg33 : memref<40x8xf32, #tpu.memory_space<vmem>>) dst(%dma_wait3A_114 : memref<10000x8xf32, #tpu.memory_space<vmem_shared>>)
    %dma_start3A_115 = arith.constant 249 : i32
    %dma_start3A_116 = arith.constant 0 : i32
    %dma_start3A_117 = tpu.memref_slice %arg10[%dma_start3A_115, %dma_start3A_116] : memref<250x40xi32, #tpu.memory_space<vmem>> -> memref<1x40xi32, #tpu.memory_space<vmem>>
    %dma_start3A_118 = tpu.memref_squeeze %dma_start3A_117 : memref<1x40xi32, #tpu.memory_space<vmem>> -> memref<40xi32, #tpu.memory_space<vmem>>
    %dma_start3A_119 = arith.constant 0 : i32
    %dma_start3A_120 = arith.constant 0 : i32
    %dma_start3A_121 = tpu.memref_slice %arg2[%dma_start3A_119, %dma_start3A_120] : memref<10000x128xf32, #tpu.memory_space<hbm>> -> memref<10000x128xf32, #tpu.memory_space<hbm>>
    tpu.enqueue_indirect_dma source(%dma_start3A_121 : memref<10000x128xf32, #tpu.memory_space<hbm>>) target(%arg16 : memref<40x128xf32, #tpu.memory_space<vmem>>) offsets(%dma_start3A_118 : memref<40xi32, #tpu.memory_space<vmem>>) semaphore(%arg21 : memref<!tpu.dma_semaphore, #tpu.memory_space<semaphore_mem>>)
    %dma_wait3A_122 = arith.constant 246 : i32
    %dma_wait3A_123 = arith.constant 0 : i32
    %dma_wait3A_124 = tpu.memref_slice %arg10[%dma_wait3A_122, %dma_wait3A_123] : memref<250x40xi32, #tpu.memory_space<vmem>> -> memref<1x40xi32, #tpu.memory_space<vmem>>
    %dma_wait3A_125 = tpu.memref_squeeze %dma_wait3A_124 : memref<1x40xi32, #tpu.memory_space<vmem>> -> memref<40xi32, #tpu.memory_space<vmem>>
    %dma_wait3A_126 = arith.constant 0 : i32
    %dma_wait3A_127 = arith.constant 0 : i32
    %dma_wait3A_128 = tpu.memref_slice %arg2[%dma_wait3A_126, %dma_wait3A_127] : memref<10000x128xf32, #tpu.memory_space<hbm>> -> memref<10000x128xf32, #tpu.memory_space<hbm>>
    tpu.wait_indirect_dma semaphore(%arg18 : memref<!tpu.dma_semaphore, #tpu.memory_space<semaphore_mem>>) src(%dma_wait3A_128 : memref<10000x128xf32, #tpu.memory_space<hbm>>) dst(%arg13 : memref<40x128xf32, #tpu.memory_space<vmem>>)
    %dma_start3A_129 = arith.constant 246 : i32
    %dma_start3A_130 = arith.constant 0 : i32
    %dma_start3A_131 = tpu.memref_slice %arg11[%dma_start3A_129, %dma_start3A_130] : memref<250x40xi32, #tpu.memory_space<vmem>> -> memref<1x40xi32, #tpu.memory_space<vmem>>
    %dma_start3A_132 = tpu.memref_squeeze %dma_start3A_131 : memref<1x40xi32, #tpu.memory_space<vmem>> -> memref<40xi32, #tpu.memory_space<vmem>>
    %dma_start3A_133 = arith.constant 0 : i32
    %dma_start3A_134 = arith.constant 0 : i32
    %dma_start3A_135 = tpu.memref_slice %arg27[%dma_start3A_133, %dma_start3A_134] : memref<10000x128xf32, #tpu.memory_space<vmem_shared>> -> memref<10000x128xf32, #tpu.memory_space<vmem_shared>>
    tpu.enqueue_indirect_dma source(%arg13 : memref<40x128xf32, #tpu.memory_space<vmem>>) target(%dma_start3A_135 : memref<10000x128xf32, #tpu.memory_space<vmem_shared>>) offsets(%dma_start3A_132 : memref<40xi32, #tpu.memory_space<vmem>>) semaphore(%arg23 : memref<!tpu.dma_semaphore, #tpu.memory_space<semaphore_mem>>) {add = true}
    %dma_start3A_136 = arith.constant 246 : i32
    %dma_start3A_137 = arith.constant 0 : i32
    %dma_start3A_138 = tpu.memref_slice %arg11[%dma_start3A_136, %dma_start3A_137] : memref<250x40xi32, #tpu.memory_space<vmem>> -> memref<1x40xi32, #tpu.memory_space<vmem>>
    %dma_start3A_139 = tpu.memref_squeeze %dma_start3A_138 : memref<1x40xi32, #tpu.memory_space<vmem>> -> memref<40xi32, #tpu.memory_space<vmem>>
    %dma_start3A_140 = arith.constant 0 : i32
    %dma_start3A_141 = arith.constant 0 : i32
    %dma_start3A_142 = tpu.memref_slice %arg34[%dma_start3A_140, %dma_start3A_141] : memref<10000x8xf32, #tpu.memory_space<vmem_shared>> -> memref<10000x8xf32, #tpu.memory_space<vmem_shared>>
    tpu.enqueue_indirect_dma source(%arg33 : memref<40x8xf32, #tpu.memory_space<vmem>>) target(%dma_start3A_142 : memref<10000x8xf32, #tpu.memory_space<vmem_shared>>) offsets(%dma_start3A_139 : memref<40xi32, #tpu.memory_space<vmem>>) semaphore(%arg29 : memref<!tpu.dma_semaphore, #tpu.memory_space<semaphore_mem>>) {add = true}
    %dma_wait3A_143 = arith.constant 247 : i32
    %dma_wait3A_144 = arith.constant 0 : i32
    %dma_wait3A_145 = tpu.memref_slice %arg10[%dma_wait3A_143, %dma_wait3A_144] : memref<250x40xi32, #tpu.memory_space<vmem>> -> memref<1x40xi32, #tpu.memory_space<vmem>>
    %dma_wait3A_146 = tpu.memref_squeeze %dma_wait3A_145 : memref<1x40xi32, #tpu.memory_space<vmem>> -> memref<40xi32, #tpu.memory_space<vmem>>
    %dma_wait3A_147 = arith.constant 0 : i32
    %dma_wait3A_148 = arith.constant 0 : i32
    %dma_wait3A_149 = tpu.memref_slice %arg2[%dma_wait3A_147, %dma_wait3A_148] : memref<10000x128xf32, #tpu.memory_space<hbm>> -> memref<10000x128xf32, #tpu.memory_space<hbm>>
    tpu.wait_indirect_dma semaphore(%arg19 : memref<!tpu.dma_semaphore, #tpu.memory_space<semaphore_mem>>) src(%dma_wait3A_149 : memref<10000x128xf32, #tpu.memory_space<hbm>>) dst(%arg14 : memref<40x128xf32, #tpu.memory_space<vmem>>)
    %dma_start3A_150 = arith.constant 247 : i32
    %dma_start3A_151 = arith.constant 0 : i32
    %dma_start3A_152 = tpu.memref_slice %arg11[%dma_start3A_150, %dma_start3A_151] : memref<250x40xi32, #tpu.memory_space<vmem>> -> memref<1x40xi32, #tpu.memory_space<vmem>>
    %dma_start3A_153 = tpu.memref_squeeze %dma_start3A_152 : memref<1x40xi32, #tpu.memory_space<vmem>> -> memref<40xi32, #tpu.memory_space<vmem>>
    %dma_start3A_154 = arith.constant 0 : i32
    %dma_start3A_155 = arith.constant 0 : i32
    %dma_start3A_156 = tpu.memref_slice %arg27[%dma_start3A_154, %dma_start3A_155] : memref<10000x128xf32, #tpu.memory_space<vmem_shared>> -> memref<10000x128xf32, #tpu.memory_space<vmem_shared>>
    tpu.enqueue_indirect_dma source(%arg14 : memref<40x128xf32, #tpu.memory_space<vmem>>) target(%dma_start3A_156 : memref<10000x128xf32, #tpu.memory_space<vmem_shared>>) offsets(%dma_start3A_153 : memref<40xi32, #tpu.memory_space<vmem>>) semaphore(%arg24 : memref<!tpu.dma_semaphore, #tpu.memory_space<semaphore_mem>>) {add = true}
    %dma_start3A_157 = arith.constant 247 : i32
    %dma_start3A_158 = arith.constant 0 : i32
    %dma_start3A_159 = tpu.memref_slice %arg11[%dma_start3A_157, %dma_start3A_158] : memref<250x40xi32, #tpu.memory_space<vmem>> -> memref<1x40xi32, #tpu.memory_space<vmem>>
    %dma_start3A_160 = tpu.memref_squeeze %dma_start3A_159 : memref<1x40xi32, #tpu.memory_space<vmem>> -> memref<40xi32, #tpu.memory_space<vmem>>
    %dma_start3A_161 = arith.constant 0 : i32
    %dma_start3A_162 = arith.constant 0 : i32
    %dma_start3A_163 = tpu.memref_slice %arg34[%dma_start3A_161, %dma_start3A_162] : memref<10000x8xf32, #tpu.memory_space<vmem_shared>> -> memref<10000x8xf32, #tpu.memory_space<vmem_shared>>
    tpu.enqueue_indirect_dma source(%arg33 : memref<40x8xf32, #tpu.memory_space<vmem>>) target(%dma_start3A_163 : memref<10000x8xf32, #tpu.memory_space<vmem_shared>>) offsets(%dma_start3A_160 : memref<40xi32, #tpu.memory_space<vmem>>) semaphore(%arg30 : memref<!tpu.dma_semaphore, #tpu.memory_space<semaphore_mem>>) {add = true}
    %dma_wait3A_164 = arith.constant 248 : i32
    %dma_wait3A_165 = arith.constant 0 : i32
    %dma_wait3A_166 = tpu.memref_slice %arg10[%dma_wait3A_164, %dma_wait3A_165] : memref<250x40xi32, #tpu.memory_space<vmem>> -> memref<1x40xi32, #tpu.memory_space<vmem>>
    %dma_wait3A_167 = tpu.memref_squeeze %dma_wait3A_166 : memref<1x40xi32, #tpu.memory_space<vmem>> -> memref<40xi32, #tpu.memory_space<vmem>>
    %dma_wait3A_168 = arith.constant 0 : i32
    %dma_wait3A_169 = arith.constant 0 : i32
    %dma_wait3A_170 = tpu.memref_slice %arg2[%dma_wait3A_168, %dma_wait3A_169] : memref<10000x128xf32, #tpu.memory_space<hbm>> -> memref<10000x128xf32, #tpu.memory_space<hbm>>
    tpu.wait_indirect_dma semaphore(%arg20 : memref<!tpu.dma_semaphore, #tpu.memory_space<semaphore_mem>>) src(%dma_wait3A_170 : memref<10000x128xf32, #tpu.memory_space<hbm>>) dst(%arg15 : memref<40x128xf32, #tpu.memory_space<vmem>>)
    %dma_start3A_171 = arith.constant 248 : i32
    %dma_start3A_172 = arith.constant 0 : i32
    %dma_start3A_173 = tpu.memref_slice %arg11[%dma_start3A_171, %dma_start3A_172] : memref<250x40xi32, #tpu.memory_space<vmem>> -> memref<1x40xi32, #tpu.memory_space<vmem>>
    %dma_start3A_174 = tpu.memref_squeeze %dma_start3A_173 : memref<1x40xi32, #tpu.memory_space<vmem>> -> memref<40xi32, #tpu.memory_space<vmem>>
    %dma_start3A_175 = arith.constant 0 : i32
    %dma_start3A_176 = arith.constant 0 : i32
    %dma_start3A_177 = tpu.memref_slice %arg27[%dma_start3A_175, %dma_start3A_176] : memref<10000x128xf32, #tpu.memory_space<vmem_shared>> -> memref<10000x128xf32, #tpu.memory_space<vmem_shared>>
    tpu.enqueue_indirect_dma source(%arg15 : memref<40x128xf32, #tpu.memory_space<vmem>>) target(%dma_start3A_177 : memref<10000x128xf32, #tpu.memory_space<vmem_shared>>) offsets(%dma_start3A_174 : memref<40xi32, #tpu.memory_space<vmem>>) semaphore(%arg25 : memref<!tpu.dma_semaphore, #tpu.memory_space<semaphore_mem>>) {add = true}
    %dma_start3A_178 = arith.constant 248 : i32
    %dma_start3A_179 = arith.constant 0 : i32
    %dma_start3A_180 = tpu.memref_slice %arg11[%dma_start3A_178, %dma_start3A_179] : memref<250x40xi32, #tpu.memory_space<vmem>> -> memref<1x40xi32, #tpu.memory_space<vmem>>
    %dma_start3A_181 = tpu.memref_squeeze %dma_start3A_180 : memref<1x40xi32, #tpu.memory_space<vmem>> -> memref<40xi32, #tpu.memory_space<vmem>>
    %dma_start3A_182 = arith.constant 0 : i32
    %dma_start3A_183 = arith.constant 0 : i32
    %dma_start3A_184 = tpu.memref_slice %arg34[%dma_start3A_182, %dma_start3A_183] : memref<10000x8xf32, #tpu.memory_space<vmem_shared>> -> memref<10000x8xf32, #tpu.memory_space<vmem_shared>>
    tpu.enqueue_indirect_dma source(%arg33 : memref<40x8xf32, #tpu.memory_space<vmem>>) target(%dma_start3A_184 : memref<10000x8xf32, #tpu.memory_space<vmem_shared>>) offsets(%dma_start3A_181 : memref<40xi32, #tpu.memory_space<vmem>>) semaphore(%arg31 : memref<!tpu.dma_semaphore, #tpu.memory_space<semaphore_mem>>) {add = true}
    %dma_wait3A_185 = arith.constant 249 : i32
    %dma_wait3A_186 = arith.constant 0 : i32
    %dma_wait3A_187 = tpu.memref_slice %arg10[%dma_wait3A_185, %dma_wait3A_186] : memref<250x40xi32, #tpu.memory_space<vmem>> -> memref<1x40xi32, #tpu.memory_space<vmem>>
    %dma_wait3A_188 = tpu.memref_squeeze %dma_wait3A_187 : memref<1x40xi32, #tpu.memory_space<vmem>> -> memref<40xi32, #tpu.memory_space<vmem>>
    %dma_wait3A_189 = arith.constant 0 : i32
    %dma_wait3A_190 = arith.constant 0 : i32
    %dma_wait3A_191 = tpu.memref_slice %arg2[%dma_wait3A_189, %dma_wait3A_190] : memref<10000x128xf32, #tpu.memory_space<hbm>> -> memref<10000x128xf32, #tpu.memory_space<hbm>>
    tpu.wait_indirect_dma semaphore(%arg21 : memref<!tpu.dma_semaphore, #tpu.memory_space<semaphore_mem>>) src(%dma_wait3A_191 : memref<10000x128xf32, #tpu.memory_space<hbm>>) dst(%arg16 : memref<40x128xf32, #tpu.memory_space<vmem>>)
    %dma_start3A_192 = arith.constant 249 : i32
    %dma_start3A_193 = arith.constant 0 : i32
    %dma_start3A_194 = tpu.memref_slice %arg11[%dma_start3A_192, %dma_start3A_193] : memref<250x40xi32, #tpu.memory_space<vmem>> -> memref<1x40xi32, #tpu.memory_space<vmem>>
    %dma_start3A_195 = tpu.memref_squeeze %dma_start3A_194 : memref<1x40xi32, #tpu.memory_space<vmem>> -> memref<40xi32, #tpu.memory_space<vmem>>
    %dma_start3A_196 = arith.constant 0 : i32
    %dma_start3A_197 = arith.constant 0 : i32
    %dma_start3A_198 = tpu.memref_slice %arg27[%dma_start3A_196, %dma_start3A_197] : memref<10000x128xf32, #tpu.memory_space<vmem_shared>> -> memref<10000x128xf32, #tpu.memory_space<vmem_shared>>
    tpu.enqueue_indirect_dma source(%arg16 : memref<40x128xf32, #tpu.memory_space<vmem>>) target(%dma_start3A_198 : memref<10000x128xf32, #tpu.memory_space<vmem_shared>>) offsets(%dma_start3A_195 : memref<40xi32, #tpu.memory_space<vmem>>) semaphore(%arg26 : memref<!tpu.dma_semaphore, #tpu.memory_space<semaphore_mem>>) {add = true}
    %dma_start3A_199 = arith.constant 249 : i32
    %dma_start3A_200 = arith.constant 0 : i32
    %dma_start3A_201 = tpu.memref_slice %arg11[%dma_start3A_199, %dma_start3A_200] : memref<250x40xi32, #tpu.memory_space<vmem>> -> memref<1x40xi32, #tpu.memory_space<vmem>>
    %dma_start3A_202 = tpu.memref_squeeze %dma_start3A_201 : memref<1x40xi32, #tpu.memory_space<vmem>> -> memref<40xi32, #tpu.memory_space<vmem>>
    %dma_start3A_203 = arith.constant 0 : i32
    %dma_start3A_204 = arith.constant 0 : i32
    %dma_start3A_205 = tpu.memref_slice %arg34[%dma_start3A_203, %dma_start3A_204] : memref<10000x8xf32, #tpu.memory_space<vmem_shared>> -> memref<10000x8xf32, #tpu.memory_space<vmem_shared>>
    tpu.enqueue_indirect_dma source(%arg33 : memref<40x8xf32, #tpu.memory_space<vmem>>) target(%dma_start3A_205 : memref<10000x8xf32, #tpu.memory_space<vmem_shared>>) offsets(%dma_start3A_202 : memref<40xi32, #tpu.memory_space<vmem>>) semaphore(%arg32 : memref<!tpu.dma_semaphore, #tpu.memory_space<semaphore_mem>>) {add = true}
    %dma_wait3A_206 = arith.constant 0 : i32
    %dma_wait3A_207 = arith.constant 0 : i32
    %dma_wait3A_208 = tpu.memref_slice %arg11[%dma_wait3A_206, %dma_wait3A_207] : memref<250x40xi32, #tpu.memory_space<vmem>> -> memref<1x40xi32, #tpu.memory_space<vmem>>
    %dma_wait3A_209 = tpu.memref_squeeze %dma_wait3A_208 : memref<1x40xi32, #tpu.memory_space<vmem>> -> memref<40xi32, #tpu.memory_space<vmem>>
    %dma_wait3A_210 = arith.constant 0 : i32
    %dma_wait3A_211 = arith.constant 0 : i32
    %dma_wait3A_212 = tpu.memref_slice %arg27[%dma_wait3A_210, %dma_wait3A_211] : memref<10000x128xf32, #tpu.memory_space<vmem_shared>> -> memref<10000x128xf32, #tpu.memory_space<vmem_shared>>
    tpu.wait_indirect_dma semaphore(%arg22 : memref<!tpu.dma_semaphore, #tpu.memory_space<semaphore_mem>>) src(%arg12 : memref<40x128xf32, #tpu.memory_space<vmem>>) dst(%dma_wait3A_212 : memref<10000x128xf32, #tpu.memory_space<vmem_shared>>)
    %dma_wait3A_213 = arith.constant 0 : i32
    %dma_wait3A_214 = arith.constant 0 : i32
    %dma_wait3A_215 = tpu.memref_slice %arg11[%dma_wait3A_213, %dma_wait3A_214] : memref<250x40xi32, #tpu.memory_space<vmem>> -> memref<1x40xi32, #tpu.memory_space<vmem>>
    %dma_wait3A_216 = tpu.memref_squeeze %dma_wait3A_215 : memref<1x40xi32, #tpu.memory_space<vmem>> -> memref<40xi32, #tpu.memory_space<vmem>>
    %dma_wait3A_217 = arith.constant 0 : i32
    %dma_wait3A_218 = arith.constant 0 : i32
    %dma_wait3A_219 = tpu.memref_slice %arg34[%dma_wait3A_217, %dma_wait3A_218] : memref<10000x8xf32, #tpu.memory_space<vmem_shared>> -> memref<10000x8xf32, #tpu.memory_space<vmem_shared>>
    tpu.wait_indirect_dma semaphore(%arg28 : memref<!tpu.dma_semaphore, #tpu.memory_space<semaphore_mem>>) src(%arg33 : memref<40x8xf32, #tpu.memory_space<vmem>>) dst(%dma_wait3A_219 : memref<10000x8xf32, #tpu.memory_space<vmem_shared>>)
    %dma_wait3A_220 = arith.constant 0 : i32
    %dma_wait3A_221 = arith.constant 0 : i32
    %dma_wait3A_222 = tpu.memref_slice %arg11[%dma_wait3A_220, %dma_wait3A_221] : memref<250x40xi32, #tpu.memory_space<vmem>> -> memref<1x40xi32, #tpu.memory_space<vmem>>
    %dma_wait3A_223 = tpu.memref_squeeze %dma_wait3A_222 : memref<1x40xi32, #tpu.memory_space<vmem>> -> memref<40xi32, #tpu.memory_space<vmem>>
    %dma_wait3A_224 = arith.constant 0 : i32
    %dma_wait3A_225 = arith.constant 0 : i32
    %dma_wait3A_226 = tpu.memref_slice %arg27[%dma_wait3A_224, %dma_wait3A_225] : memref<10000x128xf32, #tpu.memory_space<vmem_shared>> -> memref<10000x128xf32, #tpu.memory_space<vmem_shared>>
    tpu.wait_indirect_dma semaphore(%arg23 : memref<!tpu.dma_semaphore, #tpu.memory_space<semaphore_mem>>) src(%arg13 : memref<40x128xf32, #tpu.memory_space<vmem>>) dst(%dma_wait3A_226 : memref<10000x128xf32, #tpu.memory_space<vmem_shared>>)
    %dma_wait3A_227 = arith.constant 0 : i32
    %dma_wait3A_228 = arith.constant 0 : i32
    %dma_wait3A_229 = tpu.memref_slice %arg11[%dma_wait3A_227, %dma_wait3A_228] : memref<250x40xi32, #tpu.memory_space<vmem>> -> memref<1x40xi32, #tpu.memory_space<vmem>>
    %dma_wait3A_230 = tpu.memref_squeeze %dma_wait3A_229 : memref<1x40xi32, #tpu.memory_space<vmem>> -> memref<40xi32, #tpu.memory_space<vmem>>
    %dma_wait3A_231 = arith.constant 0 : i32
    %dma_wait3A_232 = arith.constant 0 : i32
    %dma_wait3A_233 = tpu.memref_slice %arg34[%dma_wait3A_231, %dma_wait3A_232] : memref<10000x8xf32, #tpu.memory_space<vmem_shared>> -> memref<10000x8xf32, #tpu.memory_space<vmem_shared>>
    tpu.wait_indirect_dma semaphore(%arg29 : memref<!tpu.dma_semaphore, #tpu.memory_space<semaphore_mem>>) src(%arg33 : memref<40x8xf32, #tpu.memory_space<vmem>>) dst(%dma_wait3A_233 : memref<10000x8xf32, #tpu.memory_space<vmem_shared>>)
    %dma_wait3A_234 = arith.constant 0 : i32
    %dma_wait3A_235 = arith.constant 0 : i32
    %dma_wait3A_236 = tpu.memref_slice %arg11[%dma_wait3A_234, %dma_wait3A_235] : memref<250x40xi32, #tpu.memory_space<vmem>> -> memref<1x40xi32, #tpu.memory_space<vmem>>
    %dma_wait3A_237 = tpu.memref_squeeze %dma_wait3A_236 : memref<1x40xi32, #tpu.memory_space<vmem>> -> memref<40xi32, #tpu.memory_space<vmem>>
    %dma_wait3A_238 = arith.constant 0 : i32
    %dma_wait3A_239 = arith.constant 0 : i32
    %dma_wait3A_240 = tpu.memref_slice %arg27[%dma_wait3A_238, %dma_wait3A_239] : memref<10000x128xf32, #tpu.memory_space<vmem_shared>> -> memref<10000x128xf32, #tpu.memory_space<vmem_shared>>
    tpu.wait_indirect_dma semaphore(%arg24 : memref<!tpu.dma_semaphore, #tpu.memory_space<semaphore_mem>>) src(%arg14 : memref<40x128xf32, #tpu.memory_space<vmem>>) dst(%dma_wait3A_240 : memref<10000x128xf32, #tpu.memory_space<vmem_shared>>)
    %dma_wait3A_241 = arith.constant 0 : i32
    %dma_wait3A_242 = arith.constant 0 : i32
    %dma_wait3A_243 = tpu.memref_slice %arg11[%dma_wait3A_241, %dma_wait3A_242] : memref<250x40xi32, #tpu.memory_space<vmem>> -> memref<1x40xi32, #tpu.memory_space<vmem>>
    %dma_wait3A_244 = tpu.memref_squeeze %dma_wait3A_243 : memref<1x40xi32, #tpu.memory_space<vmem>> -> memref<40xi32, #tpu.memory_space<vmem>>
    %dma_wait3A_245 = arith.constant 0 : i32
    %dma_wait3A_246 = arith.constant 0 : i32
    %dma_wait3A_247 = tpu.memref_slice %arg34[%dma_wait3A_245, %dma_wait3A_246] : memref<10000x8xf32, #tpu.memory_space<vmem_shared>> -> memref<10000x8xf32, #tpu.memory_space<vmem_shared>>
    tpu.wait_indirect_dma semaphore(%arg30 : memref<!tpu.dma_semaphore, #tpu.memory_space<semaphore_mem>>) src(%arg33 : memref<40x8xf32, #tpu.memory_space<vmem>>) dst(%dma_wait3A_247 : memref<10000x8xf32, #tpu.memory_space<vmem_shared>>)
    %dma_wait3A_248 = arith.constant 0 : i32
    %dma_wait3A_249 = arith.constant 0 : i32
    %dma_wait3A_250 = tpu.memref_slice %arg11[%dma_wait3A_248, %dma_wait3A_249] : memref<250x40xi32, #tpu.memory_space<vmem>> -> memref<1x40xi32, #tpu.memory_space<vmem>>
    %dma_wait3A_251 = tpu.memref_squeeze %dma_wait3A_250 : memref<1x40xi32, #tpu.memory_space<vmem>> -> memref<40xi32, #tpu.memory_space<vmem>>
    %dma_wait3A_252 = arith.constant 0 : i32
    %dma_wait3A_253 = arith.constant 0 : i32
    %dma_wait3A_254 = tpu.memref_slice %arg27[%dma_wait3A_252, %dma_wait3A_253] : memref<10000x128xf32, #tpu.memory_space<vmem_shared>> -> memref<10000x128xf32, #tpu.memory_space<vmem_shared>>
    tpu.wait_indirect_dma semaphore(%arg25 : memref<!tpu.dma_semaphore, #tpu.memory_space<semaphore_mem>>) src(%arg15 : memref<40x128xf32, #tpu.memory_space<vmem>>) dst(%dma_wait3A_254 : memref<10000x128xf32, #tpu.memory_space<vmem_shared>>)
    %dma_wait3A_255 = arith.constant 0 : i32
    %dma_wait3A_256 = arith.constant 0 : i32
    %dma_wait3A_257 = tpu.memref_slice %arg11[%dma_wait3A_255, %dma_wait3A_256] : memref<250x40xi32, #tpu.memory_space<vmem>> -> memref<1x40xi32, #tpu.memory_space<vmem>>
    %dma_wait3A_258 = tpu.memref_squeeze %dma_wait3A_257 : memref<1x40xi32, #tpu.memory_space<vmem>> -> memref<40xi32, #tpu.memory_space<vmem>>
    %dma_wait3A_259 = arith.constant 0 : i32
    %dma_wait3A_260 = arith.constant 0 : i32
    %dma_wait3A_261 = tpu.memref_slice %arg34[%dma_wait3A_259, %dma_wait3A_260] : memref<10000x8xf32, #tpu.memory_space<vmem_shared>> -> memref<10000x8xf32, #tpu.memory_space<vmem_shared>>
    tpu.wait_indirect_dma semaphore(%arg31 : memref<!tpu.dma_semaphore, #tpu.memory_space<semaphore_mem>>) src(%arg33 : memref<40x8xf32, #tpu.memory_space<vmem>>) dst(%dma_wait3A_261 : memref<10000x8xf32, #tpu.memory_space<vmem_shared>>)
    %dma_wait3A_262 = arith.constant 0 : i32
    %dma_wait3A_263 = arith.constant 0 : i32
    %dma_wait3A_264 = tpu.memref_slice %arg11[%dma_wait3A_262, %dma_wait3A_263] : memref<250x40xi32, #tpu.memory_space<vmem>> -> memref<1x40xi32, #tpu.memory_space<vmem>>
    %dma_wait3A_265 = tpu.memref_squeeze %dma_wait3A_264 : memref<1x40xi32, #tpu.memory_space<vmem>> -> memref<40xi32, #tpu.memory_space<vmem>>
    %dma_wait3A_266 = arith.constant 0 : i32
    %dma_wait3A_267 = arith.constant 0 : i32
    %dma_wait3A_268 = tpu.memref_slice %arg27[%dma_wait3A_266, %dma_wait3A_267] : memref<10000x128xf32, #tpu.memory_space<vmem_shared>> -> memref<10000x128xf32, #tpu.memory_space<vmem_shared>>
    tpu.wait_indirect_dma semaphore(%arg26 : memref<!tpu.dma_semaphore, #tpu.memory_space<semaphore_mem>>) src(%arg16 : memref<40x128xf32, #tpu.memory_space<vmem>>) dst(%dma_wait3A_268 : memref<10000x128xf32, #tpu.memory_space<vmem_shared>>)
    %dma_wait3A_269 = arith.constant 0 : i32
    %dma_wait3A_270 = arith.constant 0 : i32
    %dma_wait3A_271 = tpu.memref_slice %arg11[%dma_wait3A_269, %dma_wait3A_270] : memref<250x40xi32, #tpu.memory_space<vmem>> -> memref<1x40xi32, #tpu.memory_space<vmem>>
    %dma_wait3A_272 = tpu.memref_squeeze %dma_wait3A_271 : memref<1x40xi32, #tpu.memory_space<vmem>> -> memref<40xi32, #tpu.memory_space<vmem>>
    %dma_wait3A_273 = arith.constant 0 : i32
    %dma_wait3A_274 = arith.constant 0 : i32
    %dma_wait3A_275 = tpu.memref_slice %arg34[%dma_wait3A_273, %dma_wait3A_274] : memref<10000x8xf32, #tpu.memory_space<vmem_shared>> -> memref<10000x8xf32, #tpu.memory_space<vmem_shared>>
    tpu.wait_indirect_dma semaphore(%arg32 : memref<!tpu.dma_semaphore, #tpu.memory_space<semaphore_mem>>) src(%arg33 : memref<40x8xf32, #tpu.memory_space<vmem>>) dst(%dma_wait3A_275 : memref<10000x8xf32, #tpu.memory_space<vmem_shared>>)
    %barrier3A_276 = arith.constant 0 : index
    tpu.barrier barrier_id(%barrier3A_276)
    %lt3A_277 = arith.constant 15 : i32
    %lt3A_278 = arith.cmpi slt, %arg1, %lt3A_277 : i32
    %convert_element_type3A_279 = arith.extui %lt3A_278 : i1 to i32
    %cond3A_280 = arith.constant 0 : i32
    %cond3A_281 = arith.cmpi ne, %convert_element_type3A_279, %cond3A_280 : i32
    scf.if %cond3A_281 {
      %mul3A_292 = arith.constant 624 : i32
      %mul3A_293 = arith.muli %arg1, %mul3A_292 : i32
      %mul3A_294 = arith.constant 624 : i32
      %mul3A_295 = arith.muli %arg1, %mul3A_294 : i32
      "tpu.region"() ({
        %run_scoped3A = tpu.sem_alloc : memref<!tpu.dma_semaphore, #tpu.memory_space<semaphore_mem>>
        %dma_start3A_296 = arith.constant 0 : i32
        %dma_start3A_297 = arith.constant 0 : i32
        %dma_start3A_298 = tpu.memref_slice %arg8[%arg0, %dma_start3A_296, %dma_start3A_297] : memref<2x10000x128xf32, #tpu.memory_space<hbm>> -> memref<1x10000x128xf32, #tpu.memory_space<hbm>>
        %dma_start3A_299 = tpu.memref_squeeze %dma_start3A_298 : memref<1x10000x128xf32, #tpu.memory_space<hbm>> -> memref<10000x128xf32, #tpu.memory_space<hbm>>
        %dma_start3A_300 = arith.constant 0 : i32
        %dma_start3A_301 = tpu.memref_slice %dma_start3A_299[%mul3A_295, %dma_start3A_300] : memref<10000x128xf32, #tpu.memory_space<hbm>> -> memref<624x128xf32, #tpu.memory_space<hbm>>
        %dma_start3A_302 = arith.constant 0 : i32
        %dma_start3A_303 = tpu.memref_slice %arg27[%mul3A_293, %dma_start3A_302] : memref<10000x128xf32, #tpu.memory_space<vmem_shared>> -> memref<624x128xf32, #tpu.memory_space<vmem_shared>>
        tpu.enqueue_dma source(%dma_start3A_303 : memref<624x128xf32, #tpu.memory_space<vmem_shared>>) target(%dma_start3A_301 : memref<624x128xf32, #tpu.memory_space<hbm>>) target_semaphore(%run_scoped3A : memref<!tpu.dma_semaphore, #tpu.memory_space<semaphore_mem>>)
        %dma_wait3A_304 = arith.constant 0 : i32
        %dma_wait3A_305 = arith.constant 0 : i32
        %dma_wait3A_306 = tpu.memref_slice %arg8[%arg0, %dma_wait3A_304, %dma_wait3A_305] : memref<2x10000x128xf32, #tpu.memory_space<hbm>> -> memref<1x10000x128xf32, #tpu.memory_space<hbm>>
        %dma_wait3A_307 = tpu.memref_squeeze %dma_wait3A_306 : memref<1x10000x128xf32, #tpu.memory_space<hbm>> -> memref<10000x128xf32, #tpu.memory_space<hbm>>
        %dma_wait3A_308 = arith.constant 0 : i32
        %dma_wait3A_309 = tpu.memref_slice %dma_wait3A_307[%mul3A_295, %dma_wait3A_308] : memref<10000x128xf32, #tpu.memory_space<hbm>> -> memref<624x128xf32, #tpu.memory_space<hbm>>
        %dma_wait3A_310 = arith.constant 0 : i32
        %dma_wait3A_311 = tpu.memref_slice %arg27[%mul3A_293, %dma_wait3A_310] : memref<10000x128xf32, #tpu.memory_space<vmem_shared>> -> memref<624x128xf32, #tpu.memory_space<vmem_shared>>
        tpu.wait_dma2 semaphore(%run_scoped3A : memref<!tpu.dma_semaphore, #tpu.memory_space<semaphore_mem>>) src(%dma_wait3A_311 : memref<624x128xf32, #tpu.memory_space<vmem_shared>>) dst(%dma_wait3A_309 : memref<624x128xf32, #tpu.memory_space<hbm>>)
        tpu.yield
      }) : () -> ()
    } else {
    }
    %eq3A_282 = arith.constant 15 : i32
    %eq3A_283 = arith.cmpi eq, %arg1, %eq3A_282 : i32
    %convert_element_type3A_284 = arith.extui %eq3A_283 : i1 to i32
    %cond3A_285 = arith.constant 0 : i32
    %cond3A_286 = arith.cmpi ne, %convert_element_type3A_284, %cond3A_285 : i32
    scf.if %cond3A_286 {
      "tpu.region"() ({
        %run_scoped3A = tpu.sem_alloc : memref<!tpu.dma_semaphore, #tpu.memory_space<semaphore_mem>>
        %dma_start3A_292 = arith.constant 0 : i32
        %dma_start3A_293 = arith.constant 0 : i32
        %dma_start3A_294 = tpu.memref_slice %arg8[%arg0, %dma_start3A_292, %dma_start3A_293] : memref<2x10000x128xf32, #tpu.memory_space<hbm>> -> memref<1x10000x128xf32, #tpu.memory_space<hbm>>
        %dma_start3A_295 = tpu.memref_squeeze %dma_start3A_294 : memref<1x10000x128xf32, #tpu.memory_space<hbm>> -> memref<10000x128xf32, #tpu.memory_space<hbm>>
        %dma_start3A_296 = arith.constant 9360 : i32
        %dma_start3A_297 = arith.constant 0 : i32
        %dma_start3A_298 = tpu.memref_slice %dma_start3A_295[%dma_start3A_296, %dma_start3A_297] : memref<10000x128xf32, #tpu.memory_space<hbm>> -> memref<640x128xf32, #tpu.memory_space<hbm>>
        %dma_start3A_299 = arith.constant 9360 : i32
        %dma_start3A_300 = arith.constant 0 : i32
        %dma_start3A_301 = tpu.memref_slice %arg27[%dma_start3A_299, %dma_start3A_300] : memref<10000x128xf32, #tpu.memory_space<vmem_shared>> -> memref<640x128xf32, #tpu.memory_space<vmem_shared>>
        tpu.enqueue_dma source(%dma_start3A_301 : memref<640x128xf32, #tpu.memory_space<vmem_shared>>) target(%dma_start3A_298 : memref<640x128xf32, #tpu.memory_space<hbm>>) target_semaphore(%run_scoped3A : memref<!tpu.dma_semaphore, #tpu.memory_space<semaphore_mem>>)
        %dma_wait3A_302 = arith.constant 0 : i32
        %dma_wait3A_303 = arith.constant 0 : i32
        %dma_wait3A_304 = tpu.memref_slice %arg8[%arg0, %dma_wait3A_302, %dma_wait3A_303] : memref<2x10000x128xf32, #tpu.memory_space<hbm>> -> memref<1x10000x128xf32, #tpu.memory_space<hbm>>
        %dma_wait3A_305 = tpu.memref_squeeze %dma_wait3A_304 : memref<1x10000x128xf32, #tpu.memory_space<hbm>> -> memref<10000x128xf32, #tpu.memory_space<hbm>>
        %dma_wait3A_306 = arith.constant 9360 : i32
        %dma_wait3A_307 = arith.constant 0 : i32
        %dma_wait3A_308 = tpu.memref_slice %dma_wait3A_305[%dma_wait3A_306, %dma_wait3A_307] : memref<10000x128xf32, #tpu.memory_space<hbm>> -> memref<640x128xf32, #tpu.memory_space<hbm>>
        %dma_wait3A_309 = arith.constant 9360 : i32
        %dma_wait3A_310 = arith.constant 0 : i32
        %dma_wait3A_311 = tpu.memref_slice %arg27[%dma_wait3A_309, %dma_wait3A_310] : memref<10000x128xf32, #tpu.memory_space<vmem_shared>> -> memref<640x128xf32, #tpu.memory_space<vmem_shared>>
        tpu.wait_dma2 semaphore(%run_scoped3A : memref<!tpu.dma_semaphore, #tpu.memory_space<semaphore_mem>>) src(%dma_wait3A_311 : memref<640x128xf32, #tpu.memory_space<vmem_shared>>) dst(%dma_wait3A_308 : memref<640x128xf32, #tpu.memory_space<hbm>>)
        tpu.yield
      }) : () -> ()
    } else {
    }
    %eq3A_287 = arith.constant 0 : i32
    %eq3A_288 = arith.cmpi eq, %arg1, %eq3A_287 : i32
    %convert_element_type3A_289 = arith.extui %eq3A_288 : i1 to i32
    %cond3A_290 = arith.constant 0 : i32
    %cond3A_291 = arith.cmpi ne, %convert_element_type3A_289, %cond3A_290 : i32
    scf.if %cond3A_291 {
      "tpu.region"() ({
        %run_scoped3A = tpu.sem_alloc : memref<!tpu.dma_semaphore, #tpu.memory_space<semaphore_mem>>
        %dma_start3A_292 = arith.constant 0 : i32
        %dma_start3A_293 = arith.constant 0 : i32
        %dma_start3A_294 = tpu.memref_slice %arg9[%arg0, %dma_start3A_292, %dma_start3A_293] : memref<2x10000x8xf32, #tpu.memory_space<hbm>> -> memref<1x10000x8xf32, #tpu.memory_space<hbm>>
        %dma_start3A_295 = tpu.memref_squeeze %dma_start3A_294 : memref<1x10000x8xf32, #tpu.memory_space<hbm>> -> memref<10000x8xf32, #tpu.memory_space<hbm>>
        tpu.enqueue_dma source(%arg34 : memref<10000x8xf32, #tpu.memory_space<vmem_shared>>) target(%dma_start3A_295 : memref<10000x8xf32, #tpu.memory_space<hbm>>) target_semaphore(%run_scoped3A : memref<!tpu.dma_semaphore, #tpu.memory_space<semaphore_mem>>)
        %dma_wait3A_296 = arith.constant 0 : i32
        %dma_wait3A_297 = arith.constant 0 : i32
        %dma_wait3A_298 = tpu.memref_slice %arg9[%arg0, %dma_wait3A_296, %dma_wait3A_297] : memref<2x10000x8xf32, #tpu.memory_space<hbm>> -> memref<1x10000x8xf32, #tpu.memory_space<hbm>>
        %dma_wait3A_299 = tpu.memref_squeeze %dma_wait3A_298 : memref<1x10000x8xf32, #tpu.memory_space<hbm>> -> memref<10000x8xf32, #tpu.memory_space<hbm>>
        tpu.wait_dma2 semaphore(%run_scoped3A : memref<!tpu.dma_semaphore, #tpu.memory_space<semaphore_mem>>) src(%arg34 : memref<10000x8xf32, #tpu.memory_space<vmem_shared>>) dst(%dma_wait3A_299 : memref<10000x8xf32, #tpu.memory_space<hbm>>)
        tpu.yield
      }) : () -> ()
    } else {
    }
    return
  }
}

#map = affine_map<(d0, d1) -> (0, 0)>
#map1 = affine_map<(d0, d1) -> (0, 0, 0)>
module attributes {stable_mosaic.version = 14 : i64} {
  func.func @agg(%arg0: i32, %arg1: i32, %arg2: memref<10000x128xf32, #tpu.memory_space<hbm>>, %arg3: memref<32x250x40xi32, #tpu.memory_space<hbm>>, %arg4: memref<32x250x40xi32, #tpu.memory_space<hbm>>, %arg5: memref<640x128xf32, #tpu.memory_space<hbm>>, %arg6: memref<2x10000x128xf32, #tpu.memory_space<hbm>>, %arg7: memref<250x40xi32, #tpu.memory_space<vmem>>, %arg8: memref<250x40xi32, #tpu.memory_space<vmem>>, %arg9: memref<40x128xf32, #tpu.memory_space<vmem>>, %arg10: memref<40x128xf32, #tpu.memory_space<vmem>>, %arg11: memref<40x128xf32, #tpu.memory_space<vmem>>, %arg12: memref<40x128xf32, #tpu.memory_space<vmem>>, %arg13: memref<40x128xf32, #tpu.memory_space<vmem>>, %arg14: memref<!tpu.dma_semaphore, #tpu.memory_space<semaphore_mem>>, %arg15: memref<!tpu.dma_semaphore, #tpu.memory_space<semaphore_mem>>, %arg16: memref<!tpu.dma_semaphore, #tpu.memory_space<semaphore_mem>>, %arg17: memref<!tpu.dma_semaphore, #tpu.memory_space<semaphore_mem>>, %arg18: memref<!tpu.dma_semaphore, #tpu.memory_space<semaphore_mem>>, %arg19: memref<!tpu.dma_semaphore, #tpu.memory_space<semaphore_mem>>, %arg20: memref<!tpu.dma_semaphore, #tpu.memory_space<semaphore_mem>>, %arg21: memref<!tpu.dma_semaphore, #tpu.memory_space<semaphore_mem>>, %arg22: memref<!tpu.dma_semaphore, #tpu.memory_space<semaphore_mem>>, %arg23: memref<!tpu.dma_semaphore, #tpu.memory_space<semaphore_mem>>, %arg24: memref<10000x128xf32, #tpu.memory_space<vmem_shared>>) attributes {dimension_semantics = [#tpu.dimension_semantics<core_parallel>, #tpu.dimension_semantics<subcore_parallel>], iteration_bounds = array<i64: 2, 16>, scalar_prefetch = 0 : i64, scratch_operands = 18 : i64, tpu.core_type = #tpu.core_type<sc_vector_subcore>, window_params = [{transform_indices = #map}, {transform_indices = #map1}, {transform_indices = #map1}, {transform_indices = #map}, {transform_indices = #map1}]} {
    %mul3A = arith.constant 2 : i32
    %mul3A_0 = arith.muli %arg1, %mul3A : i32
    %add3A = arith.addi %mul3A_0, %arg0 : i32
    %lt3A = arith.constant 15 : i32
    %lt3A_1 = arith.cmpi slt, %arg1, %lt3A : i32
    %convert_element_type3A = arith.extui %lt3A_1 : i1 to i32
    %cond3A = arith.constant 0 : i32
    %cond3A_2 = arith.cmpi ne, %convert_element_type3A, %cond3A : i32
    scf.if %cond3A_2 {
      %mul3A_210 = arith.constant 624 : i32
      %mul3A_211 = arith.muli %arg1, %mul3A_210 : i32
      %dma_start3A_212 = arith.constant 0 : i32
      %dma_start3A_213 = tpu.memref_slice %arg24[%mul3A_211, %dma_start3A_212] : memref<10000x128xf32, #tpu.memory_space<vmem_shared>> -> memref<624x128xf32, #tpu.memory_space<vmem_shared>>
      %dma_start3A_214 = arith.constant 0 : i32
      %dma_start3A_215 = arith.constant 0 : i32
      %dma_start3A_216 = tpu.memref_slice %arg5[%dma_start3A_214, %dma_start3A_215] : memref<640x128xf32, #tpu.memory_space<hbm>> -> memref<624x128xf32, #tpu.memory_space<hbm>>
      tpu.enqueue_dma source(%dma_start3A_216 : memref<624x128xf32, #tpu.memory_space<hbm>>) target(%dma_start3A_213 : memref<624x128xf32, #tpu.memory_space<vmem_shared>>) target_semaphore(%arg19 : memref<!tpu.dma_semaphore, #tpu.memory_space<semaphore_mem>>)
    } else {
    }
    %eq3A = arith.constant 15 : i32
    %eq3A_3 = arith.cmpi eq, %arg1, %eq3A : i32
    %convert_element_type3A_4 = arith.extui %eq3A_3 : i1 to i32
    %cond3A_5 = arith.constant 0 : i32
    %cond3A_6 = arith.cmpi ne, %convert_element_type3A_4, %cond3A_5 : i32
    scf.if %cond3A_6 {
      %dma_start3A_210 = arith.constant 9360 : i32
      %dma_start3A_211 = arith.constant 0 : i32
      %dma_start3A_212 = tpu.memref_slice %arg24[%dma_start3A_210, %dma_start3A_211] : memref<10000x128xf32, #tpu.memory_space<vmem_shared>> -> memref<640x128xf32, #tpu.memory_space<vmem_shared>>
      tpu.enqueue_dma source(%arg5 : memref<640x128xf32, #tpu.memory_space<hbm>>) target(%dma_start3A_212 : memref<640x128xf32, #tpu.memory_space<vmem_shared>>) target_semaphore(%arg19 : memref<!tpu.dma_semaphore, #tpu.memory_space<semaphore_mem>>)
    } else {
    }
    %dma_start3A = arith.constant 0 : i32
    %dma_start3A_7 = arith.constant 0 : i32
    %dma_start3A_8 = tpu.memref_slice %arg3[%add3A, %dma_start3A, %dma_start3A_7] : memref<32x250x40xi32, #tpu.memory_space<hbm>> -> memref<1x250x40xi32, #tpu.memory_space<hbm>>
    %dma_start3A_9 = tpu.memref_squeeze %dma_start3A_8 : memref<1x250x40xi32, #tpu.memory_space<hbm>> -> memref<250x40xi32, #tpu.memory_space<hbm>>
    %dma_start3A_10 = arith.constant 0 : i32
    %dma_start3A_11 = arith.constant 0 : i32
    %dma_start3A_12 = tpu.memref_slice %arg3[%add3A, %dma_start3A_10, %dma_start3A_11] : memref<32x250x40xi32, #tpu.memory_space<hbm>> -> memref<1x250x40xi32, #tpu.memory_space<hbm>>
    %dma_start3A_13 = tpu.memref_squeeze %dma_start3A_12 : memref<1x250x40xi32, #tpu.memory_space<hbm>> -> memref<250x40xi32, #tpu.memory_space<hbm>>
    tpu.enqueue_dma source(%dma_start3A_13 : memref<250x40xi32, #tpu.memory_space<hbm>>) target(%arg7 : memref<250x40xi32, #tpu.memory_space<vmem>>) target_semaphore(%arg22 : memref<!tpu.dma_semaphore, #tpu.memory_space<semaphore_mem>>)
    %dma_start3A_14 = arith.constant 0 : i32
    %dma_start3A_15 = arith.constant 0 : i32
    %dma_start3A_16 = tpu.memref_slice %arg4[%add3A, %dma_start3A_14, %dma_start3A_15] : memref<32x250x40xi32, #tpu.memory_space<hbm>> -> memref<1x250x40xi32, #tpu.memory_space<hbm>>
    %dma_start3A_17 = tpu.memref_squeeze %dma_start3A_16 : memref<1x250x40xi32, #tpu.memory_space<hbm>> -> memref<250x40xi32, #tpu.memory_space<hbm>>
    %dma_start3A_18 = arith.constant 0 : i32
    %dma_start3A_19 = arith.constant 0 : i32
    %dma_start3A_20 = tpu.memref_slice %arg4[%add3A, %dma_start3A_18, %dma_start3A_19] : memref<32x250x40xi32, #tpu.memory_space<hbm>> -> memref<1x250x40xi32, #tpu.memory_space<hbm>>
    %dma_start3A_21 = tpu.memref_squeeze %dma_start3A_20 : memref<1x250x40xi32, #tpu.memory_space<hbm>> -> memref<250x40xi32, #tpu.memory_space<hbm>>
    tpu.enqueue_dma source(%dma_start3A_21 : memref<250x40xi32, #tpu.memory_space<hbm>>) target(%arg8 : memref<250x40xi32, #tpu.memory_space<vmem>>) target_semaphore(%arg23 : memref<!tpu.dma_semaphore, #tpu.memory_space<semaphore_mem>>)
    %lt3A_22 = arith.constant 15 : i32
    %lt3A_23 = arith.cmpi slt, %arg1, %lt3A_22 : i32
    %convert_element_type3A_24 = arith.extui %lt3A_23 : i1 to i32
    %cond3A_25 = arith.constant 0 : i32
    %cond3A_26 = arith.cmpi ne, %convert_element_type3A_24, %cond3A_25 : i32
    scf.if %cond3A_26 {
      %mul3A_210 = arith.constant 624 : i32
      %mul3A_211 = arith.muli %arg1, %mul3A_210 : i32
      %dma_wait3A_212 = arith.constant 0 : i32
      %dma_wait3A_213 = tpu.memref_slice %arg24[%mul3A_211, %dma_wait3A_212] : memref<10000x128xf32, #tpu.memory_space<vmem_shared>> -> memref<624x128xf32, #tpu.memory_space<vmem_shared>>
      %dma_wait3A_214 = arith.constant 0 : i32
      %dma_wait3A_215 = arith.constant 0 : i32
      %dma_wait3A_216 = tpu.memref_slice %arg5[%dma_wait3A_214, %dma_wait3A_215] : memref<640x128xf32, #tpu.memory_space<hbm>> -> memref<624x128xf32, #tpu.memory_space<hbm>>
      tpu.wait_dma2 semaphore(%arg19 : memref<!tpu.dma_semaphore, #tpu.memory_space<semaphore_mem>>) src(%dma_wait3A_216 : memref<624x128xf32, #tpu.memory_space<hbm>>) dst(%dma_wait3A_213 : memref<624x128xf32, #tpu.memory_space<vmem_shared>>)
    } else {
    }
    %eq3A_27 = arith.constant 15 : i32
    %eq3A_28 = arith.cmpi eq, %arg1, %eq3A_27 : i32
    %convert_element_type3A_29 = arith.extui %eq3A_28 : i1 to i32
    %cond3A_30 = arith.constant 0 : i32
    %cond3A_31 = arith.cmpi ne, %convert_element_type3A_29, %cond3A_30 : i32
    scf.if %cond3A_31 {
      %dma_wait3A_210 = arith.constant 9360 : i32
      %dma_wait3A_211 = arith.constant 0 : i32
      %dma_wait3A_212 = tpu.memref_slice %arg24[%dma_wait3A_210, %dma_wait3A_211] : memref<10000x128xf32, #tpu.memory_space<vmem_shared>> -> memref<640x128xf32, #tpu.memory_space<vmem_shared>>
      tpu.wait_dma2 semaphore(%arg19 : memref<!tpu.dma_semaphore, #tpu.memory_space<semaphore_mem>>) src(%arg5 : memref<640x128xf32, #tpu.memory_space<hbm>>) dst(%dma_wait3A_212 : memref<640x128xf32, #tpu.memory_space<vmem_shared>>)
    } else {
    }
    %dma_wait3A = arith.constant 0 : i32
    %dma_wait3A_32 = arith.constant 0 : i32
    %dma_wait3A_33 = tpu.memref_slice %arg3[%add3A, %dma_wait3A, %dma_wait3A_32] : memref<32x250x40xi32, #tpu.memory_space<hbm>> -> memref<1x250x40xi32, #tpu.memory_space<hbm>>
    %dma_wait3A_34 = tpu.memref_squeeze %dma_wait3A_33 : memref<1x250x40xi32, #tpu.memory_space<hbm>> -> memref<250x40xi32, #tpu.memory_space<hbm>>
    %dma_wait3A_35 = arith.constant 0 : i32
    %dma_wait3A_36 = arith.constant 0 : i32
    %dma_wait3A_37 = tpu.memref_slice %arg3[%add3A, %dma_wait3A_35, %dma_wait3A_36] : memref<32x250x40xi32, #tpu.memory_space<hbm>> -> memref<1x250x40xi32, #tpu.memory_space<hbm>>
    %dma_wait3A_38 = tpu.memref_squeeze %dma_wait3A_37 : memref<1x250x40xi32, #tpu.memory_space<hbm>> -> memref<250x40xi32, #tpu.memory_space<hbm>>
    tpu.wait_dma2 semaphore(%arg22 : memref<!tpu.dma_semaphore, #tpu.memory_space<semaphore_mem>>) src(%dma_wait3A_38 : memref<250x40xi32, #tpu.memory_space<hbm>>) dst(%arg7 : memref<250x40xi32, #tpu.memory_space<vmem>>)
    %dma_wait3A_39 = arith.constant 0 : i32
    %dma_wait3A_40 = arith.constant 0 : i32
    %dma_wait3A_41 = tpu.memref_slice %arg4[%add3A, %dma_wait3A_39, %dma_wait3A_40] : memref<32x250x40xi32, #tpu.memory_space<hbm>> -> memref<1x250x40xi32, #tpu.memory_space<hbm>>
    %dma_wait3A_42 = tpu.memref_squeeze %dma_wait3A_41 : memref<1x250x40xi32, #tpu.memory_space<hbm>> -> memref<250x40xi32, #tpu.memory_space<hbm>>
    %dma_wait3A_43 = arith.constant 0 : i32
    %dma_wait3A_44 = arith.constant 0 : i32
    %dma_wait3A_45 = tpu.memref_slice %arg4[%add3A, %dma_wait3A_43, %dma_wait3A_44] : memref<32x250x40xi32, #tpu.memory_space<hbm>> -> memref<1x250x40xi32, #tpu.memory_space<hbm>>
    %dma_wait3A_46 = tpu.memref_squeeze %dma_wait3A_45 : memref<1x250x40xi32, #tpu.memory_space<hbm>> -> memref<250x40xi32, #tpu.memory_space<hbm>>
    tpu.wait_dma2 semaphore(%arg23 : memref<!tpu.dma_semaphore, #tpu.memory_space<semaphore_mem>>) src(%dma_wait3A_46 : memref<250x40xi32, #tpu.memory_space<hbm>>) dst(%arg8 : memref<250x40xi32, #tpu.memory_space<vmem>>)
    %barrier3A = arith.constant 0 : index
    tpu.barrier barrier_id(%barrier3A)
    %dma_start3A_47 = arith.constant 0 : i32
    %dma_start3A_48 = arith.constant 0 : i32
    %dma_start3A_49 = tpu.memref_slice %arg7[%dma_start3A_47, %dma_start3A_48] : memref<250x40xi32, #tpu.memory_space<vmem>> -> memref<1x40xi32, #tpu.memory_space<vmem>>
    %dma_start3A_50 = tpu.memref_squeeze %dma_start3A_49 : memref<1x40xi32, #tpu.memory_space<vmem>> -> memref<40xi32, #tpu.memory_space<vmem>>
    %dma_start3A_51 = arith.constant 0 : i32
    %dma_start3A_52 = arith.constant 0 : i32
    %dma_start3A_53 = tpu.memref_slice %arg2[%dma_start3A_51, %dma_start3A_52] : memref<10000x128xf32, #tpu.memory_space<hbm>> -> memref<10000x128xf32, #tpu.memory_space<hbm>>
    tpu.enqueue_indirect_dma source(%dma_start3A_53 : memref<10000x128xf32, #tpu.memory_space<hbm>>) target(%arg9 : memref<40x128xf32, #tpu.memory_space<vmem>>) offsets(%dma_start3A_50 : memref<40xi32, #tpu.memory_space<vmem>>) semaphore(%arg14 : memref<!tpu.dma_semaphore, #tpu.memory_space<semaphore_mem>>)
    %dma_start3A_54 = arith.constant 1 : i32
    %dma_start3A_55 = arith.constant 0 : i32
    %dma_start3A_56 = tpu.memref_slice %arg7[%dma_start3A_54, %dma_start3A_55] : memref<250x40xi32, #tpu.memory_space<vmem>> -> memref<1x40xi32, #tpu.memory_space<vmem>>
    %dma_start3A_57 = tpu.memref_squeeze %dma_start3A_56 : memref<1x40xi32, #tpu.memory_space<vmem>> -> memref<40xi32, #tpu.memory_space<vmem>>
    %dma_start3A_58 = arith.constant 0 : i32
    %dma_start3A_59 = arith.constant 0 : i32
    %dma_start3A_60 = tpu.memref_slice %arg2[%dma_start3A_58, %dma_start3A_59] : memref<10000x128xf32, #tpu.memory_space<hbm>> -> memref<10000x128xf32, #tpu.memory_space<hbm>>
    tpu.enqueue_indirect_dma source(%dma_start3A_60 : memref<10000x128xf32, #tpu.memory_space<hbm>>) target(%arg10 : memref<40x128xf32, #tpu.memory_space<vmem>>) offsets(%dma_start3A_57 : memref<40xi32, #tpu.memory_space<vmem>>) semaphore(%arg15 : memref<!tpu.dma_semaphore, #tpu.memory_space<semaphore_mem>>)
    %dma_start3A_61 = arith.constant 2 : i32
    %dma_start3A_62 = arith.constant 0 : i32
    %dma_start3A_63 = tpu.memref_slice %arg7[%dma_start3A_61, %dma_start3A_62] : memref<250x40xi32, #tpu.memory_space<vmem>> -> memref<1x40xi32, #tpu.memory_space<vmem>>
    %dma_start3A_64 = tpu.memref_squeeze %dma_start3A_63 : memref<1x40xi32, #tpu.memory_space<vmem>> -> memref<40xi32, #tpu.memory_space<vmem>>
    %dma_start3A_65 = arith.constant 0 : i32
    %dma_start3A_66 = arith.constant 0 : i32
    %dma_start3A_67 = tpu.memref_slice %arg2[%dma_start3A_65, %dma_start3A_66] : memref<10000x128xf32, #tpu.memory_space<hbm>> -> memref<10000x128xf32, #tpu.memory_space<hbm>>
    tpu.enqueue_indirect_dma source(%dma_start3A_67 : memref<10000x128xf32, #tpu.memory_space<hbm>>) target(%arg11 : memref<40x128xf32, #tpu.memory_space<vmem>>) offsets(%dma_start3A_64 : memref<40xi32, #tpu.memory_space<vmem>>) semaphore(%arg16 : memref<!tpu.dma_semaphore, #tpu.memory_space<semaphore_mem>>)
    %dma_start3A_68 = arith.constant 3 : i32
    %dma_start3A_69 = arith.constant 0 : i32
    %dma_start3A_70 = tpu.memref_slice %arg7[%dma_start3A_68, %dma_start3A_69] : memref<250x40xi32, #tpu.memory_space<vmem>> -> memref<1x40xi32, #tpu.memory_space<vmem>>
    %dma_start3A_71 = tpu.memref_squeeze %dma_start3A_70 : memref<1x40xi32, #tpu.memory_space<vmem>> -> memref<40xi32, #tpu.memory_space<vmem>>
    %dma_start3A_72 = arith.constant 0 : i32
    %dma_start3A_73 = arith.constant 0 : i32
    %dma_start3A_74 = tpu.memref_slice %arg2[%dma_start3A_72, %dma_start3A_73] : memref<10000x128xf32, #tpu.memory_space<hbm>> -> memref<10000x128xf32, #tpu.memory_space<hbm>>
    tpu.enqueue_indirect_dma source(%dma_start3A_74 : memref<10000x128xf32, #tpu.memory_space<hbm>>) target(%arg12 : memref<40x128xf32, #tpu.memory_space<vmem>>) offsets(%dma_start3A_71 : memref<40xi32, #tpu.memory_space<vmem>>) semaphore(%arg17 : memref<!tpu.dma_semaphore, #tpu.memory_space<semaphore_mem>>)
    %scan3A = arith.constant 0 : i32
    %scan3A_75 = arith.constant 0 : i32
    %scan3A_76 = arith.constant 49 : i32
    %scan3A_77 = arith.addi %scan3A_75, %scan3A_76 : i32
    %scan3A_78 = arith.constant 1 : i32
    scf.for %scan3A_210 = %scan3A_75 to %scan3A_77 step %scan3A_78  : i32 {
      %mul3A_211 = arith.constant 5 : i32
      %mul3A_212 = arith.muli %scan3A_210, %mul3A_211 : i32
      %add3A_213 = arith.constant 0 : i32
      %add3A_214 = arith.addi %mul3A_212, %add3A_213 : i32
      %dma_wait3A_215 = arith.constant 0 : i32
      %dma_wait3A_216 = tpu.memref_slice %arg7[%add3A_214, %dma_wait3A_215] : memref<250x40xi32, #tpu.memory_space<vmem>> -> memref<1x40xi32, #tpu.memory_space<vmem>>
      %dma_wait3A_217 = tpu.memref_squeeze %dma_wait3A_216 : memref<1x40xi32, #tpu.memory_space<vmem>> -> memref<40xi32, #tpu.memory_space<vmem>>
      %dma_wait3A_218 = arith.constant 0 : i32
      %dma_wait3A_219 = arith.constant 0 : i32
      %dma_wait3A_220 = tpu.memref_slice %arg2[%dma_wait3A_218, %dma_wait3A_219] : memref<10000x128xf32, #tpu.memory_space<hbm>> -> memref<10000x128xf32, #tpu.memory_space<hbm>>
      tpu.wait_indirect_dma semaphore(%arg14 : memref<!tpu.dma_semaphore, #tpu.memory_space<semaphore_mem>>) src(%dma_wait3A_220 : memref<10000x128xf32, #tpu.memory_space<hbm>>) dst(%arg9 : memref<40x128xf32, #tpu.memory_space<vmem>>)
      %dma_start3A_221 = arith.constant 0 : i32
      %dma_start3A_222 = tpu.memref_slice %arg8[%add3A_214, %dma_start3A_221] : memref<250x40xi32, #tpu.memory_space<vmem>> -> memref<1x40xi32, #tpu.memory_space<vmem>>
      %dma_start3A_223 = tpu.memref_squeeze %dma_start3A_222 : memref<1x40xi32, #tpu.memory_space<vmem>> -> memref<40xi32, #tpu.memory_space<vmem>>
      %dma_start3A_224 = arith.constant 0 : i32
      %dma_start3A_225 = arith.constant 0 : i32
      %dma_start3A_226 = tpu.memref_slice %arg24[%dma_start3A_224, %dma_start3A_225] : memref<10000x128xf32, #tpu.memory_space<vmem_shared>> -> memref<10000x128xf32, #tpu.memory_space<vmem_shared>>
      tpu.enqueue_indirect_dma source(%arg9 : memref<40x128xf32, #tpu.memory_space<vmem>>) target(%dma_start3A_226 : memref<10000x128xf32, #tpu.memory_space<vmem_shared>>) offsets(%dma_start3A_223 : memref<40xi32, #tpu.memory_space<vmem>>) semaphore(%arg19 : memref<!tpu.dma_semaphore, #tpu.memory_space<semaphore_mem>>) {add = true}
      %ge3A = arith.constant 1 : i32
      %ge3A_227 = arith.cmpi sge, %add3A_214, %ge3A : i32
      %convert_element_type3A_228 = arith.extui %ge3A_227 : i1 to i32
      %cond3A_229 = arith.constant 0 : i32
      %cond3A_230 = arith.cmpi ne, %convert_element_type3A_228, %cond3A_229 : i32
      scf.if %cond3A_230 {
        %dma_wait3A_355 = arith.constant 0 : i32
        %dma_wait3A_356 = arith.constant 0 : i32
        %dma_wait3A_357 = tpu.memref_slice %arg8[%dma_wait3A_355, %dma_wait3A_356] : memref<250x40xi32, #tpu.memory_space<vmem>> -> memref<1x40xi32, #tpu.memory_space<vmem>>
        %dma_wait3A_358 = tpu.memref_squeeze %dma_wait3A_357 : memref<1x40xi32, #tpu.memory_space<vmem>> -> memref<40xi32, #tpu.memory_space<vmem>>
        %dma_wait3A_359 = arith.constant 0 : i32
        %dma_wait3A_360 = arith.constant 0 : i32
        %dma_wait3A_361 = tpu.memref_slice %arg24[%dma_wait3A_359, %dma_wait3A_360] : memref<10000x128xf32, #tpu.memory_space<vmem_shared>> -> memref<10000x128xf32, #tpu.memory_space<vmem_shared>>
        tpu.wait_indirect_dma semaphore(%arg23 : memref<!tpu.dma_semaphore, #tpu.memory_space<semaphore_mem>>) src(%arg13 : memref<40x128xf32, #tpu.memory_space<vmem>>) dst(%dma_wait3A_361 : memref<10000x128xf32, #tpu.memory_space<vmem_shared>>)
      } else {
      }
      %add3A_231 = arith.constant 4 : i32
      %add3A_232 = arith.addi %add3A_214, %add3A_231 : i32
      %dma_start3A_233 = arith.constant 0 : i32
      %dma_start3A_234 = tpu.memref_slice %arg7[%add3A_232, %dma_start3A_233] : memref<250x40xi32, #tpu.memory_space<vmem>> -> memref<1x40xi32, #tpu.memory_space<vmem>>
      %dma_start3A_235 = tpu.memref_squeeze %dma_start3A_234 : memref<1x40xi32, #tpu.memory_space<vmem>> -> memref<40xi32, #tpu.memory_space<vmem>>
      %dma_start3A_236 = arith.constant 0 : i32
      %dma_start3A_237 = arith.constant 0 : i32
      %dma_start3A_238 = tpu.memref_slice %arg2[%dma_start3A_236, %dma_start3A_237] : memref<10000x128xf32, #tpu.memory_space<hbm>> -> memref<10000x128xf32, #tpu.memory_space<hbm>>
      tpu.enqueue_indirect_dma source(%dma_start3A_238 : memref<10000x128xf32, #tpu.memory_space<hbm>>) target(%arg13 : memref<40x128xf32, #tpu.memory_space<vmem>>) offsets(%dma_start3A_235 : memref<40xi32, #tpu.memory_space<vmem>>) semaphore(%arg18 : memref<!tpu.dma_semaphore, #tpu.memory_space<semaphore_mem>>)
      %mul3A_239 = arith.constant 5 : i32
      %mul3A_240 = arith.muli %scan3A_210, %mul3A_239 : i32
      %add3A_241 = arith.constant 1 : i32
      %add3A_242 = arith.addi %mul3A_240, %add3A_241 : i32
      %dma_wait3A_243 = arith.constant 0 : i32
      %dma_wait3A_244 = tpu.memref_slice %arg7[%add3A_242, %dma_wait3A_243] : memref<250x40xi32, #tpu.memory_space<vmem>> -> memref<1x40xi32, #tpu.memory_space<vmem>>
      %dma_wait3A_245 = tpu.memref_squeeze %dma_wait3A_244 : memref<1x40xi32, #tpu.memory_space<vmem>> -> memref<40xi32, #tpu.memory_space<vmem>>
      %dma_wait3A_246 = arith.constant 0 : i32
      %dma_wait3A_247 = arith.constant 0 : i32
      %dma_wait3A_248 = tpu.memref_slice %arg2[%dma_wait3A_246, %dma_wait3A_247] : memref<10000x128xf32, #tpu.memory_space<hbm>> -> memref<10000x128xf32, #tpu.memory_space<hbm>>
      tpu.wait_indirect_dma semaphore(%arg15 : memref<!tpu.dma_semaphore, #tpu.memory_space<semaphore_mem>>) src(%dma_wait3A_248 : memref<10000x128xf32, #tpu.memory_space<hbm>>) dst(%arg10 : memref<40x128xf32, #tpu.memory_space<vmem>>)
      %dma_start3A_249 = arith.constant 0 : i32
      %dma_start3A_250 = tpu.memref_slice %arg8[%add3A_242, %dma_start3A_249] : memref<250x40xi32, #tpu.memory_space<vmem>> -> memref<1x40xi32, #tpu.memory_space<vmem>>
      %dma_start3A_251 = tpu.memref_squeeze %dma_start3A_250 : memref<1x40xi32, #tpu.memory_space<vmem>> -> memref<40xi32, #tpu.memory_space<vmem>>
      %dma_start3A_252 = arith.constant 0 : i32
      %dma_start3A_253 = arith.constant 0 : i32
      %dma_start3A_254 = tpu.memref_slice %arg24[%dma_start3A_252, %dma_start3A_253] : memref<10000x128xf32, #tpu.memory_space<vmem_shared>> -> memref<10000x128xf32, #tpu.memory_space<vmem_shared>>
      tpu.enqueue_indirect_dma source(%arg10 : memref<40x128xf32, #tpu.memory_space<vmem>>) target(%dma_start3A_254 : memref<10000x128xf32, #tpu.memory_space<vmem_shared>>) offsets(%dma_start3A_251 : memref<40xi32, #tpu.memory_space<vmem>>) semaphore(%arg20 : memref<!tpu.dma_semaphore, #tpu.memory_space<semaphore_mem>>) {add = true}
      %ge3A_255 = arith.constant 1 : i32
      %ge3A_256 = arith.cmpi sge, %add3A_242, %ge3A_255 : i32
      %convert_element_type3A_257 = arith.extui %ge3A_256 : i1 to i32
      %cond3A_258 = arith.constant 0 : i32
      %cond3A_259 = arith.cmpi ne, %convert_element_type3A_257, %cond3A_258 : i32
      scf.if %cond3A_259 {
        %dma_wait3A_355 = arith.constant 0 : i32
        %dma_wait3A_356 = arith.constant 0 : i32
        %dma_wait3A_357 = tpu.memref_slice %arg8[%dma_wait3A_355, %dma_wait3A_356] : memref<250x40xi32, #tpu.memory_space<vmem>> -> memref<1x40xi32, #tpu.memory_space<vmem>>
        %dma_wait3A_358 = tpu.memref_squeeze %dma_wait3A_357 : memref<1x40xi32, #tpu.memory_space<vmem>> -> memref<40xi32, #tpu.memory_space<vmem>>
        %dma_wait3A_359 = arith.constant 0 : i32
        %dma_wait3A_360 = arith.constant 0 : i32
        %dma_wait3A_361 = tpu.memref_slice %arg24[%dma_wait3A_359, %dma_wait3A_360] : memref<10000x128xf32, #tpu.memory_space<vmem_shared>> -> memref<10000x128xf32, #tpu.memory_space<vmem_shared>>
        tpu.wait_indirect_dma semaphore(%arg19 : memref<!tpu.dma_semaphore, #tpu.memory_space<semaphore_mem>>) src(%arg9 : memref<40x128xf32, #tpu.memory_space<vmem>>) dst(%dma_wait3A_361 : memref<10000x128xf32, #tpu.memory_space<vmem_shared>>)
      } else {
      }
      %add3A_260 = arith.constant 4 : i32
      %add3A_261 = arith.addi %add3A_242, %add3A_260 : i32
      %dma_start3A_262 = arith.constant 0 : i32
      %dma_start3A_263 = tpu.memref_slice %arg7[%add3A_261, %dma_start3A_262] : memref<250x40xi32, #tpu.memory_space<vmem>> -> memref<1x40xi32, #tpu.memory_space<vmem>>
      %dma_start3A_264 = tpu.memref_squeeze %dma_start3A_263 : memref<1x40xi32, #tpu.memory_space<vmem>> -> memref<40xi32, #tpu.memory_space<vmem>>
      %dma_start3A_265 = arith.constant 0 : i32
      %dma_start3A_266 = arith.constant 0 : i32
      %dma_start3A_267 = tpu.memref_slice %arg2[%dma_start3A_265, %dma_start3A_266] : memref<10000x128xf32, #tpu.memory_space<hbm>> -> memref<10000x128xf32, #tpu.memory_space<hbm>>
      tpu.enqueue_indirect_dma source(%dma_start3A_267 : memref<10000x128xf32, #tpu.memory_space<hbm>>) target(%arg9 : memref<40x128xf32, #tpu.memory_space<vmem>>) offsets(%dma_start3A_264 : memref<40xi32, #tpu.memory_space<vmem>>) semaphore(%arg14 : memref<!tpu.dma_semaphore, #tpu.memory_space<semaphore_mem>>)
      %mul3A_268 = arith.constant 5 : i32
      %mul3A_269 = arith.muli %scan3A_210, %mul3A_268 : i32
      %add3A_270 = arith.constant 2 : i32
      %add3A_271 = arith.addi %mul3A_269, %add3A_270 : i32
      %dma_wait3A_272 = arith.constant 0 : i32
      %dma_wait3A_273 = tpu.memref_slice %arg7[%add3A_271, %dma_wait3A_272] : memref<250x40xi32, #tpu.memory_space<vmem>> -> memref<1x40xi32, #tpu.memory_space<vmem>>
      %dma_wait3A_274 = tpu.memref_squeeze %dma_wait3A_273 : memref<1x40xi32, #tpu.memory_space<vmem>> -> memref<40xi32, #tpu.memory_space<vmem>>
      %dma_wait3A_275 = arith.constant 0 : i32
      %dma_wait3A_276 = arith.constant 0 : i32
      %dma_wait3A_277 = tpu.memref_slice %arg2[%dma_wait3A_275, %dma_wait3A_276] : memref<10000x128xf32, #tpu.memory_space<hbm>> -> memref<10000x128xf32, #tpu.memory_space<hbm>>
      tpu.wait_indirect_dma semaphore(%arg16 : memref<!tpu.dma_semaphore, #tpu.memory_space<semaphore_mem>>) src(%dma_wait3A_277 : memref<10000x128xf32, #tpu.memory_space<hbm>>) dst(%arg11 : memref<40x128xf32, #tpu.memory_space<vmem>>)
      %dma_start3A_278 = arith.constant 0 : i32
      %dma_start3A_279 = tpu.memref_slice %arg8[%add3A_271, %dma_start3A_278] : memref<250x40xi32, #tpu.memory_space<vmem>> -> memref<1x40xi32, #tpu.memory_space<vmem>>
      %dma_start3A_280 = tpu.memref_squeeze %dma_start3A_279 : memref<1x40xi32, #tpu.memory_space<vmem>> -> memref<40xi32, #tpu.memory_space<vmem>>
      %dma_start3A_281 = arith.constant 0 : i32
      %dma_start3A_282 = arith.constant 0 : i32
      %dma_start3A_283 = tpu.memref_slice %arg24[%dma_start3A_281, %dma_start3A_282] : memref<10000x128xf32, #tpu.memory_space<vmem_shared>> -> memref<10000x128xf32, #tpu.memory_space<vmem_shared>>
      tpu.enqueue_indirect_dma source(%arg11 : memref<40x128xf32, #tpu.memory_space<vmem>>) target(%dma_start3A_283 : memref<10000x128xf32, #tpu.memory_space<vmem_shared>>) offsets(%dma_start3A_280 : memref<40xi32, #tpu.memory_space<vmem>>) semaphore(%arg21 : memref<!tpu.dma_semaphore, #tpu.memory_space<semaphore_mem>>) {add = true}
      %ge3A_284 = arith.constant 1 : i32
      %ge3A_285 = arith.cmpi sge, %add3A_271, %ge3A_284 : i32
      %convert_element_type3A_286 = arith.extui %ge3A_285 : i1 to i32
      %cond3A_287 = arith.constant 0 : i32
      %cond3A_288 = arith.cmpi ne, %convert_element_type3A_286, %cond3A_287 : i32
      scf.if %cond3A_288 {
        %dma_wait3A_355 = arith.constant 0 : i32
        %dma_wait3A_356 = arith.constant 0 : i32
        %dma_wait3A_357 = tpu.memref_slice %arg8[%dma_wait3A_355, %dma_wait3A_356] : memref<250x40xi32, #tpu.memory_space<vmem>> -> memref<1x40xi32, #tpu.memory_space<vmem>>
        %dma_wait3A_358 = tpu.memref_squeeze %dma_wait3A_357 : memref<1x40xi32, #tpu.memory_space<vmem>> -> memref<40xi32, #tpu.memory_space<vmem>>
        %dma_wait3A_359 = arith.constant 0 : i32
        %dma_wait3A_360 = arith.constant 0 : i32
        %dma_wait3A_361 = tpu.memref_slice %arg24[%dma_wait3A_359, %dma_wait3A_360] : memref<10000x128xf32, #tpu.memory_space<vmem_shared>> -> memref<10000x128xf32, #tpu.memory_space<vmem_shared>>
        tpu.wait_indirect_dma semaphore(%arg20 : memref<!tpu.dma_semaphore, #tpu.memory_space<semaphore_mem>>) src(%arg10 : memref<40x128xf32, #tpu.memory_space<vmem>>) dst(%dma_wait3A_361 : memref<10000x128xf32, #tpu.memory_space<vmem_shared>>)
      } else {
      }
      %add3A_289 = arith.constant 4 : i32
      %add3A_290 = arith.addi %add3A_271, %add3A_289 : i32
      %dma_start3A_291 = arith.constant 0 : i32
      %dma_start3A_292 = tpu.memref_slice %arg7[%add3A_290, %dma_start3A_291] : memref<250x40xi32, #tpu.memory_space<vmem>> -> memref<1x40xi32, #tpu.memory_space<vmem>>
      %dma_start3A_293 = tpu.memref_squeeze %dma_start3A_292 : memref<1x40xi32, #tpu.memory_space<vmem>> -> memref<40xi32, #tpu.memory_space<vmem>>
      %dma_start3A_294 = arith.constant 0 : i32
      %dma_start3A_295 = arith.constant 0 : i32
      %dma_start3A_296 = tpu.memref_slice %arg2[%dma_start3A_294, %dma_start3A_295] : memref<10000x128xf32, #tpu.memory_space<hbm>> -> memref<10000x128xf32, #tpu.memory_space<hbm>>
      tpu.enqueue_indirect_dma source(%dma_start3A_296 : memref<10000x128xf32, #tpu.memory_space<hbm>>) target(%arg10 : memref<40x128xf32, #tpu.memory_space<vmem>>) offsets(%dma_start3A_293 : memref<40xi32, #tpu.memory_space<vmem>>) semaphore(%arg15 : memref<!tpu.dma_semaphore, #tpu.memory_space<semaphore_mem>>)
      %mul3A_297 = arith.constant 5 : i32
      %mul3A_298 = arith.muli %scan3A_210, %mul3A_297 : i32
      %add3A_299 = arith.constant 3 : i32
      %add3A_300 = arith.addi %mul3A_298, %add3A_299 : i32
      %dma_wait3A_301 = arith.constant 0 : i32
      %dma_wait3A_302 = tpu.memref_slice %arg7[%add3A_300, %dma_wait3A_301] : memref<250x40xi32, #tpu.memory_space<vmem>> -> memref<1x40xi32, #tpu.memory_space<vmem>>
      %dma_wait3A_303 = tpu.memref_squeeze %dma_wait3A_302 : memref<1x40xi32, #tpu.memory_space<vmem>> -> memref<40xi32, #tpu.memory_space<vmem>>
      %dma_wait3A_304 = arith.constant 0 : i32
      %dma_wait3A_305 = arith.constant 0 : i32
      %dma_wait3A_306 = tpu.memref_slice %arg2[%dma_wait3A_304, %dma_wait3A_305] : memref<10000x128xf32, #tpu.memory_space<hbm>> -> memref<10000x128xf32, #tpu.memory_space<hbm>>
      tpu.wait_indirect_dma semaphore(%arg17 : memref<!tpu.dma_semaphore, #tpu.memory_space<semaphore_mem>>) src(%dma_wait3A_306 : memref<10000x128xf32, #tpu.memory_space<hbm>>) dst(%arg12 : memref<40x128xf32, #tpu.memory_space<vmem>>)
      %dma_start3A_307 = arith.constant 0 : i32
      %dma_start3A_308 = tpu.memref_slice %arg8[%add3A_300, %dma_start3A_307] : memref<250x40xi32, #tpu.memory_space<vmem>> -> memref<1x40xi32, #tpu.memory_space<vmem>>
      %dma_start3A_309 = tpu.memref_squeeze %dma_start3A_308 : memref<1x40xi32, #tpu.memory_space<vmem>> -> memref<40xi32, #tpu.memory_space<vmem>>
      %dma_start3A_310 = arith.constant 0 : i32
      %dma_start3A_311 = arith.constant 0 : i32
      %dma_start3A_312 = tpu.memref_slice %arg24[%dma_start3A_310, %dma_start3A_311] : memref<10000x128xf32, #tpu.memory_space<vmem_shared>> -> memref<10000x128xf32, #tpu.memory_space<vmem_shared>>
      tpu.enqueue_indirect_dma source(%arg12 : memref<40x128xf32, #tpu.memory_space<vmem>>) target(%dma_start3A_312 : memref<10000x128xf32, #tpu.memory_space<vmem_shared>>) offsets(%dma_start3A_309 : memref<40xi32, #tpu.memory_space<vmem>>) semaphore(%arg22 : memref<!tpu.dma_semaphore, #tpu.memory_space<semaphore_mem>>) {add = true}
      %ge3A_313 = arith.constant 1 : i32
      %ge3A_314 = arith.cmpi sge, %add3A_300, %ge3A_313 : i32
      %convert_element_type3A_315 = arith.extui %ge3A_314 : i1 to i32
      %cond3A_316 = arith.constant 0 : i32
      %cond3A_317 = arith.cmpi ne, %convert_element_type3A_315, %cond3A_316 : i32
      scf.if %cond3A_317 {
        %dma_wait3A_355 = arith.constant 0 : i32
        %dma_wait3A_356 = arith.constant 0 : i32
        %dma_wait3A_357 = tpu.memref_slice %arg8[%dma_wait3A_355, %dma_wait3A_356] : memref<250x40xi32, #tpu.memory_space<vmem>> -> memref<1x40xi32, #tpu.memory_space<vmem>>
        %dma_wait3A_358 = tpu.memref_squeeze %dma_wait3A_357 : memref<1x40xi32, #tpu.memory_space<vmem>> -> memref<40xi32, #tpu.memory_space<vmem>>
        %dma_wait3A_359 = arith.constant 0 : i32
        %dma_wait3A_360 = arith.constant 0 : i32
        %dma_wait3A_361 = tpu.memref_slice %arg24[%dma_wait3A_359, %dma_wait3A_360] : memref<10000x128xf32, #tpu.memory_space<vmem_shared>> -> memref<10000x128xf32, #tpu.memory_space<vmem_shared>>
        tpu.wait_indirect_dma semaphore(%arg21 : memref<!tpu.dma_semaphore, #tpu.memory_space<semaphore_mem>>) src(%arg11 : memref<40x128xf32, #tpu.memory_space<vmem>>) dst(%dma_wait3A_361 : memref<10000x128xf32, #tpu.memory_space<vmem_shared>>)
      } else {
      }
      %add3A_318 = arith.constant 4 : i32
      %add3A_319 = arith.addi %add3A_300, %add3A_318 : i32
      %dma_start3A_320 = arith.constant 0 : i32
      %dma_start3A_321 = tpu.memref_slice %arg7[%add3A_319, %dma_start3A_320] : memref<250x40xi32, #tpu.memory_space<vmem>> -> memref<1x40xi32, #tpu.memory_space<vmem>>
      %dma_start3A_322 = tpu.memref_squeeze %dma_start3A_321 : memref<1x40xi32, #tpu.memory_space<vmem>> -> memref<40xi32, #tpu.memory_space<vmem>>
      %dma_start3A_323 = arith.constant 0 : i32
      %dma_start3A_324 = arith.constant 0 : i32
      %dma_start3A_325 = tpu.memref_slice %arg2[%dma_start3A_323, %dma_start3A_324] : memref<10000x128xf32, #tpu.memory_space<hbm>> -> memref<10000x128xf32, #tpu.memory_space<hbm>>
      tpu.enqueue_indirect_dma source(%dma_start3A_325 : memref<10000x128xf32, #tpu.memory_space<hbm>>) target(%arg11 : memref<40x128xf32, #tpu.memory_space<vmem>>) offsets(%dma_start3A_322 : memref<40xi32, #tpu.memory_space<vmem>>) semaphore(%arg16 : memref<!tpu.dma_semaphore, #tpu.memory_space<semaphore_mem>>)
      %mul3A_326 = arith.constant 5 : i32
      %mul3A_327 = arith.muli %scan3A_210, %mul3A_326 : i32
      %add3A_328 = arith.constant 4 : i32
      %add3A_329 = arith.addi %mul3A_327, %add3A_328 : i32
      %dma_wait3A_330 = arith.constant 0 : i32
      %dma_wait3A_331 = tpu.memref_slice %arg7[%add3A_329, %dma_wait3A_330] : memref<250x40xi32, #tpu.memory_space<vmem>> -> memref<1x40xi32, #tpu.memory_space<vmem>>
      %dma_wait3A_332 = tpu.memref_squeeze %dma_wait3A_331 : memref<1x40xi32, #tpu.memory_space<vmem>> -> memref<40xi32, #tpu.memory_space<vmem>>
      %dma_wait3A_333 = arith.constant 0 : i32
      %dma_wait3A_334 = arith.constant 0 : i32
      %dma_wait3A_335 = tpu.memref_slice %arg2[%dma_wait3A_333, %dma_wait3A_334] : memref<10000x128xf32, #tpu.memory_space<hbm>> -> memref<10000x128xf32, #tpu.memory_space<hbm>>
      tpu.wait_indirect_dma semaphore(%arg18 : memref<!tpu.dma_semaphore, #tpu.memory_space<semaphore_mem>>) src(%dma_wait3A_335 : memref<10000x128xf32, #tpu.memory_space<hbm>>) dst(%arg13 : memref<40x128xf32, #tpu.memory_space<vmem>>)
      %dma_start3A_336 = arith.constant 0 : i32
      %dma_start3A_337 = tpu.memref_slice %arg8[%add3A_329, %dma_start3A_336] : memref<250x40xi32, #tpu.memory_space<vmem>> -> memref<1x40xi32, #tpu.memory_space<vmem>>
      %dma_start3A_338 = tpu.memref_squeeze %dma_start3A_337 : memref<1x40xi32, #tpu.memory_space<vmem>> -> memref<40xi32, #tpu.memory_space<vmem>>
      %dma_start3A_339 = arith.constant 0 : i32
      %dma_start3A_340 = arith.constant 0 : i32
      %dma_start3A_341 = tpu.memref_slice %arg24[%dma_start3A_339, %dma_start3A_340] : memref<10000x128xf32, #tpu.memory_space<vmem_shared>> -> memref<10000x128xf32, #tpu.memory_space<vmem_shared>>
      tpu.enqueue_indirect_dma source(%arg13 : memref<40x128xf32, #tpu.memory_space<vmem>>) target(%dma_start3A_341 : memref<10000x128xf32, #tpu.memory_space<vmem_shared>>) offsets(%dma_start3A_338 : memref<40xi32, #tpu.memory_space<vmem>>) semaphore(%arg23 : memref<!tpu.dma_semaphore, #tpu.memory_space<semaphore_mem>>) {add = true}
      %ge3A_342 = arith.constant 1 : i32
      %ge3A_343 = arith.cmpi sge, %add3A_329, %ge3A_342 : i32
      %convert_element_type3A_344 = arith.extui %ge3A_343 : i1 to i32
      %cond3A_345 = arith.constant 0 : i32
      %cond3A_346 = arith.cmpi ne, %convert_element_type3A_344, %cond3A_345 : i32
      scf.if %cond3A_346 {
        %dma_wait3A_355 = arith.constant 0 : i32
        %dma_wait3A_356 = arith.constant 0 : i32
        %dma_wait3A_357 = tpu.memref_slice %arg8[%dma_wait3A_355, %dma_wait3A_356] : memref<250x40xi32, #tpu.memory_space<vmem>> -> memref<1x40xi32, #tpu.memory_space<vmem>>
        %dma_wait3A_358 = tpu.memref_squeeze %dma_wait3A_357 : memref<1x40xi32, #tpu.memory_space<vmem>> -> memref<40xi32, #tpu.memory_space<vmem>>
        %dma_wait3A_359 = arith.constant 0 : i32
        %dma_wait3A_360 = arith.constant 0 : i32
        %dma_wait3A_361 = tpu.memref_slice %arg24[%dma_wait3A_359, %dma_wait3A_360] : memref<10000x128xf32, #tpu.memory_space<vmem_shared>> -> memref<10000x128xf32, #tpu.memory_space<vmem_shared>>
        tpu.wait_indirect_dma semaphore(%arg22 : memref<!tpu.dma_semaphore, #tpu.memory_space<semaphore_mem>>) src(%arg12 : memref<40x128xf32, #tpu.memory_space<vmem>>) dst(%dma_wait3A_361 : memref<10000x128xf32, #tpu.memory_space<vmem_shared>>)
      } else {
      }
      %add3A_347 = arith.constant 4 : i32
      %add3A_348 = arith.addi %add3A_329, %add3A_347 : i32
      %dma_start3A_349 = arith.constant 0 : i32
      %dma_start3A_350 = tpu.memref_slice %arg7[%add3A_348, %dma_start3A_349] : memref<250x40xi32, #tpu.memory_space<vmem>> -> memref<1x40xi32, #tpu.memory_space<vmem>>
      %dma_start3A_351 = tpu.memref_squeeze %dma_start3A_350 : memref<1x40xi32, #tpu.memory_space<vmem>> -> memref<40xi32, #tpu.memory_space<vmem>>
      %dma_start3A_352 = arith.constant 0 : i32
      %dma_start3A_353 = arith.constant 0 : i32
      %dma_start3A_354 = tpu.memref_slice %arg2[%dma_start3A_352, %dma_start3A_353] : memref<10000x128xf32, #tpu.memory_space<hbm>> -> memref<10000x128xf32, #tpu.memory_space<hbm>>
      tpu.enqueue_indirect_dma source(%dma_start3A_354 : memref<10000x128xf32, #tpu.memory_space<hbm>>) target(%arg12 : memref<40x128xf32, #tpu.memory_space<vmem>>) offsets(%dma_start3A_351 : memref<40xi32, #tpu.memory_space<vmem>>) semaphore(%arg17 : memref<!tpu.dma_semaphore, #tpu.memory_space<semaphore_mem>>)
    }
    %scan3A_79 = arith.constant 49 : i32
    %dma_wait3A_80 = arith.constant 245 : i32
    %dma_wait3A_81 = arith.constant 0 : i32
    %dma_wait3A_82 = tpu.memref_slice %arg7[%dma_wait3A_80, %dma_wait3A_81] : memref<250x40xi32, #tpu.memory_space<vmem>> -> memref<1x40xi32, #tpu.memory_space<vmem>>
    %dma_wait3A_83 = tpu.memref_squeeze %dma_wait3A_82 : memref<1x40xi32, #tpu.memory_space<vmem>> -> memref<40xi32, #tpu.memory_space<vmem>>
    %dma_wait3A_84 = arith.constant 0 : i32
    %dma_wait3A_85 = arith.constant 0 : i32
    %dma_wait3A_86 = tpu.memref_slice %arg2[%dma_wait3A_84, %dma_wait3A_85] : memref<10000x128xf32, #tpu.memory_space<hbm>> -> memref<10000x128xf32, #tpu.memory_space<hbm>>
    tpu.wait_indirect_dma semaphore(%arg14 : memref<!tpu.dma_semaphore, #tpu.memory_space<semaphore_mem>>) src(%dma_wait3A_86 : memref<10000x128xf32, #tpu.memory_space<hbm>>) dst(%arg9 : memref<40x128xf32, #tpu.memory_space<vmem>>)
    %dma_start3A_87 = arith.constant 245 : i32
    %dma_start3A_88 = arith.constant 0 : i32
    %dma_start3A_89 = tpu.memref_slice %arg8[%dma_start3A_87, %dma_start3A_88] : memref<250x40xi32, #tpu.memory_space<vmem>> -> memref<1x40xi32, #tpu.memory_space<vmem>>
    %dma_start3A_90 = tpu.memref_squeeze %dma_start3A_89 : memref<1x40xi32, #tpu.memory_space<vmem>> -> memref<40xi32, #tpu.memory_space<vmem>>
    %dma_start3A_91 = arith.constant 0 : i32
    %dma_start3A_92 = arith.constant 0 : i32
    %dma_start3A_93 = tpu.memref_slice %arg24[%dma_start3A_91, %dma_start3A_92] : memref<10000x128xf32, #tpu.memory_space<vmem_shared>> -> memref<10000x128xf32, #tpu.memory_space<vmem_shared>>
    tpu.enqueue_indirect_dma source(%arg9 : memref<40x128xf32, #tpu.memory_space<vmem>>) target(%dma_start3A_93 : memref<10000x128xf32, #tpu.memory_space<vmem_shared>>) offsets(%dma_start3A_90 : memref<40xi32, #tpu.memory_space<vmem>>) semaphore(%arg19 : memref<!tpu.dma_semaphore, #tpu.memory_space<semaphore_mem>>) {add = true}
    %dma_wait3A_94 = arith.constant 0 : i32
    %dma_wait3A_95 = arith.constant 0 : i32
    %dma_wait3A_96 = tpu.memref_slice %arg8[%dma_wait3A_94, %dma_wait3A_95] : memref<250x40xi32, #tpu.memory_space<vmem>> -> memref<1x40xi32, #tpu.memory_space<vmem>>
    %dma_wait3A_97 = tpu.memref_squeeze %dma_wait3A_96 : memref<1x40xi32, #tpu.memory_space<vmem>> -> memref<40xi32, #tpu.memory_space<vmem>>
    %dma_wait3A_98 = arith.constant 0 : i32
    %dma_wait3A_99 = arith.constant 0 : i32
    %dma_wait3A_100 = tpu.memref_slice %arg24[%dma_wait3A_98, %dma_wait3A_99] : memref<10000x128xf32, #tpu.memory_space<vmem_shared>> -> memref<10000x128xf32, #tpu.memory_space<vmem_shared>>
    tpu.wait_indirect_dma semaphore(%arg23 : memref<!tpu.dma_semaphore, #tpu.memory_space<semaphore_mem>>) src(%arg13 : memref<40x128xf32, #tpu.memory_space<vmem>>) dst(%dma_wait3A_100 : memref<10000x128xf32, #tpu.memory_space<vmem_shared>>)
    %dma_start3A_101 = arith.constant 249 : i32
    %dma_start3A_102 = arith.constant 0 : i32
    %dma_start3A_103 = tpu.memref_slice %arg7[%dma_start3A_101, %dma_start3A_102] : memref<250x40xi32, #tpu.memory_space<vmem>> -> memref<1x40xi32, #tpu.memory_space<vmem>>
    %dma_start3A_104 = tpu.memref_squeeze %dma_start3A_103 : memref<1x40xi32, #tpu.memory_space<vmem>> -> memref<40xi32, #tpu.memory_space<vmem>>
    %dma_start3A_105 = arith.constant 0 : i32
    %dma_start3A_106 = arith.constant 0 : i32
    %dma_start3A_107 = tpu.memref_slice %arg2[%dma_start3A_105, %dma_start3A_106] : memref<10000x128xf32, #tpu.memory_space<hbm>> -> memref<10000x128xf32, #tpu.memory_space<hbm>>
    tpu.enqueue_indirect_dma source(%dma_start3A_107 : memref<10000x128xf32, #tpu.memory_space<hbm>>) target(%arg13 : memref<40x128xf32, #tpu.memory_space<vmem>>) offsets(%dma_start3A_104 : memref<40xi32, #tpu.memory_space<vmem>>) semaphore(%arg18 : memref<!tpu.dma_semaphore, #tpu.memory_space<semaphore_mem>>)
    %dma_wait3A_108 = arith.constant 246 : i32
    %dma_wait3A_109 = arith.constant 0 : i32
    %dma_wait3A_110 = tpu.memref_slice %arg7[%dma_wait3A_108, %dma_wait3A_109] : memref<250x40xi32, #tpu.memory_space<vmem>> -> memref<1x40xi32, #tpu.memory_space<vmem>>
    %dma_wait3A_111 = tpu.memref_squeeze %dma_wait3A_110 : memref<1x40xi32, #tpu.memory_space<vmem>> -> memref<40xi32, #tpu.memory_space<vmem>>
    %dma_wait3A_112 = arith.constant 0 : i32
    %dma_wait3A_113 = arith.constant 0 : i32
    %dma_wait3A_114 = tpu.memref_slice %arg2[%dma_wait3A_112, %dma_wait3A_113] : memref<10000x128xf32, #tpu.memory_space<hbm>> -> memref<10000x128xf32, #tpu.memory_space<hbm>>
    tpu.wait_indirect_dma semaphore(%arg15 : memref<!tpu.dma_semaphore, #tpu.memory_space<semaphore_mem>>) src(%dma_wait3A_114 : memref<10000x128xf32, #tpu.memory_space<hbm>>) dst(%arg10 : memref<40x128xf32, #tpu.memory_space<vmem>>)
    %dma_start3A_115 = arith.constant 246 : i32
    %dma_start3A_116 = arith.constant 0 : i32
    %dma_start3A_117 = tpu.memref_slice %arg8[%dma_start3A_115, %dma_start3A_116] : memref<250x40xi32, #tpu.memory_space<vmem>> -> memref<1x40xi32, #tpu.memory_space<vmem>>
    %dma_start3A_118 = tpu.memref_squeeze %dma_start3A_117 : memref<1x40xi32, #tpu.memory_space<vmem>> -> memref<40xi32, #tpu.memory_space<vmem>>
    %dma_start3A_119 = arith.constant 0 : i32
    %dma_start3A_120 = arith.constant 0 : i32
    %dma_start3A_121 = tpu.memref_slice %arg24[%dma_start3A_119, %dma_start3A_120] : memref<10000x128xf32, #tpu.memory_space<vmem_shared>> -> memref<10000x128xf32, #tpu.memory_space<vmem_shared>>
    tpu.enqueue_indirect_dma source(%arg10 : memref<40x128xf32, #tpu.memory_space<vmem>>) target(%dma_start3A_121 : memref<10000x128xf32, #tpu.memory_space<vmem_shared>>) offsets(%dma_start3A_118 : memref<40xi32, #tpu.memory_space<vmem>>) semaphore(%arg20 : memref<!tpu.dma_semaphore, #tpu.memory_space<semaphore_mem>>) {add = true}
    %dma_wait3A_122 = arith.constant 247 : i32
    %dma_wait3A_123 = arith.constant 0 : i32
    %dma_wait3A_124 = tpu.memref_slice %arg7[%dma_wait3A_122, %dma_wait3A_123] : memref<250x40xi32, #tpu.memory_space<vmem>> -> memref<1x40xi32, #tpu.memory_space<vmem>>
    %dma_wait3A_125 = tpu.memref_squeeze %dma_wait3A_124 : memref<1x40xi32, #tpu.memory_space<vmem>> -> memref<40xi32, #tpu.memory_space<vmem>>
    %dma_wait3A_126 = arith.constant 0 : i32
    %dma_wait3A_127 = arith.constant 0 : i32
    %dma_wait3A_128 = tpu.memref_slice %arg2[%dma_wait3A_126, %dma_wait3A_127] : memref<10000x128xf32, #tpu.memory_space<hbm>> -> memref<10000x128xf32, #tpu.memory_space<hbm>>
    tpu.wait_indirect_dma semaphore(%arg16 : memref<!tpu.dma_semaphore, #tpu.memory_space<semaphore_mem>>) src(%dma_wait3A_128 : memref<10000x128xf32, #tpu.memory_space<hbm>>) dst(%arg11 : memref<40x128xf32, #tpu.memory_space<vmem>>)
    %dma_start3A_129 = arith.constant 247 : i32
    %dma_start3A_130 = arith.constant 0 : i32
    %dma_start3A_131 = tpu.memref_slice %arg8[%dma_start3A_129, %dma_start3A_130] : memref<250x40xi32, #tpu.memory_space<vmem>> -> memref<1x40xi32, #tpu.memory_space<vmem>>
    %dma_start3A_132 = tpu.memref_squeeze %dma_start3A_131 : memref<1x40xi32, #tpu.memory_space<vmem>> -> memref<40xi32, #tpu.memory_space<vmem>>
    %dma_start3A_133 = arith.constant 0 : i32
    %dma_start3A_134 = arith.constant 0 : i32
    %dma_start3A_135 = tpu.memref_slice %arg24[%dma_start3A_133, %dma_start3A_134] : memref<10000x128xf32, #tpu.memory_space<vmem_shared>> -> memref<10000x128xf32, #tpu.memory_space<vmem_shared>>
    tpu.enqueue_indirect_dma source(%arg11 : memref<40x128xf32, #tpu.memory_space<vmem>>) target(%dma_start3A_135 : memref<10000x128xf32, #tpu.memory_space<vmem_shared>>) offsets(%dma_start3A_132 : memref<40xi32, #tpu.memory_space<vmem>>) semaphore(%arg21 : memref<!tpu.dma_semaphore, #tpu.memory_space<semaphore_mem>>) {add = true}
    %dma_wait3A_136 = arith.constant 248 : i32
    %dma_wait3A_137 = arith.constant 0 : i32
    %dma_wait3A_138 = tpu.memref_slice %arg7[%dma_wait3A_136, %dma_wait3A_137] : memref<250x40xi32, #tpu.memory_space<vmem>> -> memref<1x40xi32, #tpu.memory_space<vmem>>
    %dma_wait3A_139 = tpu.memref_squeeze %dma_wait3A_138 : memref<1x40xi32, #tpu.memory_space<vmem>> -> memref<40xi32, #tpu.memory_space<vmem>>
    %dma_wait3A_140 = arith.constant 0 : i32
    %dma_wait3A_141 = arith.constant 0 : i32
    %dma_wait3A_142 = tpu.memref_slice %arg2[%dma_wait3A_140, %dma_wait3A_141] : memref<10000x128xf32, #tpu.memory_space<hbm>> -> memref<10000x128xf32, #tpu.memory_space<hbm>>
    tpu.wait_indirect_dma semaphore(%arg17 : memref<!tpu.dma_semaphore, #tpu.memory_space<semaphore_mem>>) src(%dma_wait3A_142 : memref<10000x128xf32, #tpu.memory_space<hbm>>) dst(%arg12 : memref<40x128xf32, #tpu.memory_space<vmem>>)
    %dma_start3A_143 = arith.constant 248 : i32
    %dma_start3A_144 = arith.constant 0 : i32
    %dma_start3A_145 = tpu.memref_slice %arg8[%dma_start3A_143, %dma_start3A_144] : memref<250x40xi32, #tpu.memory_space<vmem>> -> memref<1x40xi32, #tpu.memory_space<vmem>>
    %dma_start3A_146 = tpu.memref_squeeze %dma_start3A_145 : memref<1x40xi32, #tpu.memory_space<vmem>> -> memref<40xi32, #tpu.memory_space<vmem>>
    %dma_start3A_147 = arith.constant 0 : i32
    %dma_start3A_148 = arith.constant 0 : i32
    %dma_start3A_149 = tpu.memref_slice %arg24[%dma_start3A_147, %dma_start3A_148] : memref<10000x128xf32, #tpu.memory_space<vmem_shared>> -> memref<10000x128xf32, #tpu.memory_space<vmem_shared>>
    tpu.enqueue_indirect_dma source(%arg12 : memref<40x128xf32, #tpu.memory_space<vmem>>) target(%dma_start3A_149 : memref<10000x128xf32, #tpu.memory_space<vmem_shared>>) offsets(%dma_start3A_146 : memref<40xi32, #tpu.memory_space<vmem>>) semaphore(%arg22 : memref<!tpu.dma_semaphore, #tpu.memory_space<semaphore_mem>>) {add = true}
    %dma_wait3A_150 = arith.constant 249 : i32
    %dma_wait3A_151 = arith.constant 0 : i32
    %dma_wait3A_152 = tpu.memref_slice %arg7[%dma_wait3A_150, %dma_wait3A_151] : memref<250x40xi32, #tpu.memory_space<vmem>> -> memref<1x40xi32, #tpu.memory_space<vmem>>
    %dma_wait3A_153 = tpu.memref_squeeze %dma_wait3A_152 : memref<1x40xi32, #tpu.memory_space<vmem>> -> memref<40xi32, #tpu.memory_space<vmem>>
    %dma_wait3A_154 = arith.constant 0 : i32
    %dma_wait3A_155 = arith.constant 0 : i32
    %dma_wait3A_156 = tpu.memref_slice %arg2[%dma_wait3A_154, %dma_wait3A_155] : memref<10000x128xf32, #tpu.memory_space<hbm>> -> memref<10000x128xf32, #tpu.memory_space<hbm>>
    tpu.wait_indirect_dma semaphore(%arg18 : memref<!tpu.dma_semaphore, #tpu.memory_space<semaphore_mem>>) src(%dma_wait3A_156 : memref<10000x128xf32, #tpu.memory_space<hbm>>) dst(%arg13 : memref<40x128xf32, #tpu.memory_space<vmem>>)
    %dma_start3A_157 = arith.constant 249 : i32
    %dma_start3A_158 = arith.constant 0 : i32
    %dma_start3A_159 = tpu.memref_slice %arg8[%dma_start3A_157, %dma_start3A_158] : memref<250x40xi32, #tpu.memory_space<vmem>> -> memref<1x40xi32, #tpu.memory_space<vmem>>
    %dma_start3A_160 = tpu.memref_squeeze %dma_start3A_159 : memref<1x40xi32, #tpu.memory_space<vmem>> -> memref<40xi32, #tpu.memory_space<vmem>>
    %dma_start3A_161 = arith.constant 0 : i32
    %dma_start3A_162 = arith.constant 0 : i32
    %dma_start3A_163 = tpu.memref_slice %arg24[%dma_start3A_161, %dma_start3A_162] : memref<10000x128xf32, #tpu.memory_space<vmem_shared>> -> memref<10000x128xf32, #tpu.memory_space<vmem_shared>>
    tpu.enqueue_indirect_dma source(%arg13 : memref<40x128xf32, #tpu.memory_space<vmem>>) target(%dma_start3A_163 : memref<10000x128xf32, #tpu.memory_space<vmem_shared>>) offsets(%dma_start3A_160 : memref<40xi32, #tpu.memory_space<vmem>>) semaphore(%arg23 : memref<!tpu.dma_semaphore, #tpu.memory_space<semaphore_mem>>) {add = true}
    %dma_wait3A_164 = arith.constant 0 : i32
    %dma_wait3A_165 = arith.constant 0 : i32
    %dma_wait3A_166 = tpu.memref_slice %arg8[%dma_wait3A_164, %dma_wait3A_165] : memref<250x40xi32, #tpu.memory_space<vmem>> -> memref<1x40xi32, #tpu.memory_space<vmem>>
    %dma_wait3A_167 = tpu.memref_squeeze %dma_wait3A_166 : memref<1x40xi32, #tpu.memory_space<vmem>> -> memref<40xi32, #tpu.memory_space<vmem>>
    %dma_wait3A_168 = arith.constant 0 : i32
    %dma_wait3A_169 = arith.constant 0 : i32
    %dma_wait3A_170 = tpu.memref_slice %arg24[%dma_wait3A_168, %dma_wait3A_169] : memref<10000x128xf32, #tpu.memory_space<vmem_shared>> -> memref<10000x128xf32, #tpu.memory_space<vmem_shared>>
    tpu.wait_indirect_dma semaphore(%arg19 : memref<!tpu.dma_semaphore, #tpu.memory_space<semaphore_mem>>) src(%arg9 : memref<40x128xf32, #tpu.memory_space<vmem>>) dst(%dma_wait3A_170 : memref<10000x128xf32, #tpu.memory_space<vmem_shared>>)
    %dma_wait3A_171 = arith.constant 0 : i32
    %dma_wait3A_172 = arith.constant 0 : i32
    %dma_wait3A_173 = tpu.memref_slice %arg8[%dma_wait3A_171, %dma_wait3A_172] : memref<250x40xi32, #tpu.memory_space<vmem>> -> memref<1x40xi32, #tpu.memory_space<vmem>>
    %dma_wait3A_174 = tpu.memref_squeeze %dma_wait3A_173 : memref<1x40xi32, #tpu.memory_space<vmem>> -> memref<40xi32, #tpu.memory_space<vmem>>
    %dma_wait3A_175 = arith.constant 0 : i32
    %dma_wait3A_176 = arith.constant 0 : i32
    %dma_wait3A_177 = tpu.memref_slice %arg24[%dma_wait3A_175, %dma_wait3A_176] : memref<10000x128xf32, #tpu.memory_space<vmem_shared>> -> memref<10000x128xf32, #tpu.memory_space<vmem_shared>>
    tpu.wait_indirect_dma semaphore(%arg20 : memref<!tpu.dma_semaphore, #tpu.memory_space<semaphore_mem>>) src(%arg10 : memref<40x128xf32, #tpu.memory_space<vmem>>) dst(%dma_wait3A_177 : memref<10000x128xf32, #tpu.memory_space<vmem_shared>>)
    %dma_wait3A_178 = arith.constant 0 : i32
    %dma_wait3A_179 = arith.constant 0 : i32
    %dma_wait3A_180 = tpu.memref_slice %arg8[%dma_wait3A_178, %dma_wait3A_179] : memref<250x40xi32, #tpu.memory_space<vmem>> -> memref<1x40xi32, #tpu.memory_space<vmem>>
    %dma_wait3A_181 = tpu.memref_squeeze %dma_wait3A_180 : memref<1x40xi32, #tpu.memory_space<vmem>> -> memref<40xi32, #tpu.memory_space<vmem>>
    %dma_wait3A_182 = arith.constant 0 : i32
    %dma_wait3A_183 = arith.constant 0 : i32
    %dma_wait3A_184 = tpu.memref_slice %arg24[%dma_wait3A_182, %dma_wait3A_183] : memref<10000x128xf32, #tpu.memory_space<vmem_shared>> -> memref<10000x128xf32, #tpu.memory_space<vmem_shared>>
    tpu.wait_indirect_dma semaphore(%arg21 : memref<!tpu.dma_semaphore, #tpu.memory_space<semaphore_mem>>) src(%arg11 : memref<40x128xf32, #tpu.memory_space<vmem>>) dst(%dma_wait3A_184 : memref<10000x128xf32, #tpu.memory_space<vmem_shared>>)
    %dma_wait3A_185 = arith.constant 0 : i32
    %dma_wait3A_186 = arith.constant 0 : i32
    %dma_wait3A_187 = tpu.memref_slice %arg8[%dma_wait3A_185, %dma_wait3A_186] : memref<250x40xi32, #tpu.memory_space<vmem>> -> memref<1x40xi32, #tpu.memory_space<vmem>>
    %dma_wait3A_188 = tpu.memref_squeeze %dma_wait3A_187 : memref<1x40xi32, #tpu.memory_space<vmem>> -> memref<40xi32, #tpu.memory_space<vmem>>
    %dma_wait3A_189 = arith.constant 0 : i32
    %dma_wait3A_190 = arith.constant 0 : i32
    %dma_wait3A_191 = tpu.memref_slice %arg24[%dma_wait3A_189, %dma_wait3A_190] : memref<10000x128xf32, #tpu.memory_space<vmem_shared>> -> memref<10000x128xf32, #tpu.memory_space<vmem_shared>>
    tpu.wait_indirect_dma semaphore(%arg22 : memref<!tpu.dma_semaphore, #tpu.memory_space<semaphore_mem>>) src(%arg12 : memref<40x128xf32, #tpu.memory_space<vmem>>) dst(%dma_wait3A_191 : memref<10000x128xf32, #tpu.memory_space<vmem_shared>>)
    %dma_wait3A_192 = arith.constant 0 : i32
    %dma_wait3A_193 = arith.constant 0 : i32
    %dma_wait3A_194 = tpu.memref_slice %arg8[%dma_wait3A_192, %dma_wait3A_193] : memref<250x40xi32, #tpu.memory_space<vmem>> -> memref<1x40xi32, #tpu.memory_space<vmem>>
    %dma_wait3A_195 = tpu.memref_squeeze %dma_wait3A_194 : memref<1x40xi32, #tpu.memory_space<vmem>> -> memref<40xi32, #tpu.memory_space<vmem>>
    %dma_wait3A_196 = arith.constant 0 : i32
    %dma_wait3A_197 = arith.constant 0 : i32
    %dma_wait3A_198 = tpu.memref_slice %arg24[%dma_wait3A_196, %dma_wait3A_197] : memref<10000x128xf32, #tpu.memory_space<vmem_shared>> -> memref<10000x128xf32, #tpu.memory_space<vmem_shared>>
    tpu.wait_indirect_dma semaphore(%arg23 : memref<!tpu.dma_semaphore, #tpu.memory_space<semaphore_mem>>) src(%arg13 : memref<40x128xf32, #tpu.memory_space<vmem>>) dst(%dma_wait3A_198 : memref<10000x128xf32, #tpu.memory_space<vmem_shared>>)
    %barrier3A_199 = arith.constant 0 : index
    tpu.barrier barrier_id(%barrier3A_199)
    %lt3A_200 = arith.constant 15 : i32
    %lt3A_201 = arith.cmpi slt, %arg1, %lt3A_200 : i32
    %convert_element_type3A_202 = arith.extui %lt3A_201 : i1 to i32
    %cond3A_203 = arith.constant 0 : i32
    %cond3A_204 = arith.cmpi ne, %convert_element_type3A_202, %cond3A_203 : i32
    scf.if %cond3A_204 {
      %mul3A_210 = arith.constant 624 : i32
      %mul3A_211 = arith.muli %arg1, %mul3A_210 : i32
      %mul3A_212 = arith.constant 624 : i32
      %mul3A_213 = arith.muli %arg1, %mul3A_212 : i32
      "tpu.region"() ({
        %run_scoped3A = tpu.sem_alloc : memref<!tpu.dma_semaphore, #tpu.memory_space<semaphore_mem>>
        %dma_start3A_214 = arith.constant 0 : i32
        %dma_start3A_215 = arith.constant 0 : i32
        %dma_start3A_216 = tpu.memref_slice %arg6[%arg0, %dma_start3A_214, %dma_start3A_215] : memref<2x10000x128xf32, #tpu.memory_space<hbm>> -> memref<1x10000x128xf32, #tpu.memory_space<hbm>>
        %dma_start3A_217 = tpu.memref_squeeze %dma_start3A_216 : memref<1x10000x128xf32, #tpu.memory_space<hbm>> -> memref<10000x128xf32, #tpu.memory_space<hbm>>
        %dma_start3A_218 = arith.constant 0 : i32
        %dma_start3A_219 = tpu.memref_slice %dma_start3A_217[%mul3A_213, %dma_start3A_218] : memref<10000x128xf32, #tpu.memory_space<hbm>> -> memref<624x128xf32, #tpu.memory_space<hbm>>
        %dma_start3A_220 = arith.constant 0 : i32
        %dma_start3A_221 = tpu.memref_slice %arg24[%mul3A_211, %dma_start3A_220] : memref<10000x128xf32, #tpu.memory_space<vmem_shared>> -> memref<624x128xf32, #tpu.memory_space<vmem_shared>>
        tpu.enqueue_dma source(%dma_start3A_221 : memref<624x128xf32, #tpu.memory_space<vmem_shared>>) target(%dma_start3A_219 : memref<624x128xf32, #tpu.memory_space<hbm>>) target_semaphore(%run_scoped3A : memref<!tpu.dma_semaphore, #tpu.memory_space<semaphore_mem>>)
        %dma_wait3A_222 = arith.constant 0 : i32
        %dma_wait3A_223 = arith.constant 0 : i32
        %dma_wait3A_224 = tpu.memref_slice %arg6[%arg0, %dma_wait3A_222, %dma_wait3A_223] : memref<2x10000x128xf32, #tpu.memory_space<hbm>> -> memref<1x10000x128xf32, #tpu.memory_space<hbm>>
        %dma_wait3A_225 = tpu.memref_squeeze %dma_wait3A_224 : memref<1x10000x128xf32, #tpu.memory_space<hbm>> -> memref<10000x128xf32, #tpu.memory_space<hbm>>
        %dma_wait3A_226 = arith.constant 0 : i32
        %dma_wait3A_227 = tpu.memref_slice %dma_wait3A_225[%mul3A_213, %dma_wait3A_226] : memref<10000x128xf32, #tpu.memory_space<hbm>> -> memref<624x128xf32, #tpu.memory_space<hbm>>
        %dma_wait3A_228 = arith.constant 0 : i32
        %dma_wait3A_229 = tpu.memref_slice %arg24[%mul3A_211, %dma_wait3A_228] : memref<10000x128xf32, #tpu.memory_space<vmem_shared>> -> memref<624x128xf32, #tpu.memory_space<vmem_shared>>
        tpu.wait_dma2 semaphore(%run_scoped3A : memref<!tpu.dma_semaphore, #tpu.memory_space<semaphore_mem>>) src(%dma_wait3A_229 : memref<624x128xf32, #tpu.memory_space<vmem_shared>>) dst(%dma_wait3A_227 : memref<624x128xf32, #tpu.memory_space<hbm>>)
        tpu.yield
      }) : () -> ()
    } else {
    }
    %eq3A_205 = arith.constant 15 : i32
    %eq3A_206 = arith.cmpi eq, %arg1, %eq3A_205 : i32
    %convert_element_type3A_207 = arith.extui %eq3A_206 : i1 to i32
    %cond3A_208 = arith.constant 0 : i32
    %cond3A_209 = arith.cmpi ne, %convert_element_type3A_207, %cond3A_208 : i32
    scf.if %cond3A_209 {
      "tpu.region"() ({
        %run_scoped3A = tpu.sem_alloc : memref<!tpu.dma_semaphore, #tpu.memory_space<semaphore_mem>>
        %dma_start3A_210 = arith.constant 0 : i32
        %dma_start3A_211 = arith.constant 0 : i32
        %dma_start3A_212 = tpu.memref_slice %arg6[%arg0, %dma_start3A_210, %dma_start3A_211] : memref<2x10000x128xf32, #tpu.memory_space<hbm>> -> memref<1x10000x128xf32, #tpu.memory_space<hbm>>
        %dma_start3A_213 = tpu.memref_squeeze %dma_start3A_212 : memref<1x10000x128xf32, #tpu.memory_space<hbm>> -> memref<10000x128xf32, #tpu.memory_space<hbm>>
        %dma_start3A_214 = arith.constant 9360 : i32
        %dma_start3A_215 = arith.constant 0 : i32
        %dma_start3A_216 = tpu.memref_slice %dma_start3A_213[%dma_start3A_214, %dma_start3A_215] : memref<10000x128xf32, #tpu.memory_space<hbm>> -> memref<640x128xf32, #tpu.memory_space<hbm>>
        %dma_start3A_217 = arith.constant 9360 : i32
        %dma_start3A_218 = arith.constant 0 : i32
        %dma_start3A_219 = tpu.memref_slice %arg24[%dma_start3A_217, %dma_start3A_218] : memref<10000x128xf32, #tpu.memory_space<vmem_shared>> -> memref<640x128xf32, #tpu.memory_space<vmem_shared>>
        tpu.enqueue_dma source(%dma_start3A_219 : memref<640x128xf32, #tpu.memory_space<vmem_shared>>) target(%dma_start3A_216 : memref<640x128xf32, #tpu.memory_space<hbm>>) target_semaphore(%run_scoped3A : memref<!tpu.dma_semaphore, #tpu.memory_space<semaphore_mem>>)
        %dma_wait3A_220 = arith.constant 0 : i32
        %dma_wait3A_221 = arith.constant 0 : i32
        %dma_wait3A_222 = tpu.memref_slice %arg6[%arg0, %dma_wait3A_220, %dma_wait3A_221] : memref<2x10000x128xf32, #tpu.memory_space<hbm>> -> memref<1x10000x128xf32, #tpu.memory_space<hbm>>
        %dma_wait3A_223 = tpu.memref_squeeze %dma_wait3A_222 : memref<1x10000x128xf32, #tpu.memory_space<hbm>> -> memref<10000x128xf32, #tpu.memory_space<hbm>>
        %dma_wait3A_224 = arith.constant 9360 : i32
        %dma_wait3A_225 = arith.constant 0 : i32
        %dma_wait3A_226 = tpu.memref_slice %dma_wait3A_223[%dma_wait3A_224, %dma_wait3A_225] : memref<10000x128xf32, #tpu.memory_space<hbm>> -> memref<640x128xf32, #tpu.memory_space<hbm>>
        %dma_wait3A_227 = arith.constant 9360 : i32
        %dma_wait3A_228 = arith.constant 0 : i32
        %dma_wait3A_229 = tpu.memref_slice %arg24[%dma_wait3A_227, %dma_wait3A_228] : memref<10000x128xf32, #tpu.memory_space<vmem_shared>> -> memref<640x128xf32, #tpu.memory_space<vmem_shared>>
        tpu.wait_dma2 semaphore(%run_scoped3A : memref<!tpu.dma_semaphore, #tpu.memory_space<semaphore_mem>>) src(%dma_wait3A_229 : memref<640x128xf32, #tpu.memory_space<vmem_shared>>) dst(%dma_wait3A_226 : memref<640x128xf32, #tpu.memory_space<hbm>>)
        tpu.yield
      }) : () -> ()
    } else {
    }
    return
  }
}

module attributes {stable_mosaic.version = 14 : i64} {
  func.func @_dense_body(%arg0: i32, %arg1: memref<2x1000x128xf32, #tpu.memory_space<vmem>>, %arg2: memref<2x1000x1xf32, #tpu.memory_space<vmem>>, %arg3: memref<1000x128xf32, #tpu.memory_space<vmem>>, %arg4: memref<128x128xf32, #tpu.memory_space<vmem>>, %arg5: memref<128x128xf32, #tpu.memory_space<vmem>>, %arg6: memref<1x128xf32, #tpu.memory_space<vmem>>, %arg7: memref<1x128xf32, #tpu.memory_space<vmem>>, %arg8: memref<1000x128xf32, #tpu.memory_space<vmem>>) attributes {dimension_semantics = [#tpu.dimension_semantics<arbitrary>], iteration_bounds = array<i64: 10>, scalar_prefetch = 0 : i64, scratch_operands = 0 : i64, tpu.core_type = #tpu.core_type<tc>, window_params = [{transform_indices = @transform_0, window_bounds = array<i64: 2, 1000, 128>}, {transform_indices = @transform_1, window_bounds = array<i64: 2, 1000, 1>}, {transform_indices = @transform_2, window_bounds = array<i64: 1000, 128>}, {pipeline_mode = #tpu.pipeline_mode<synchronous>, transform_indices = @transform_3, window_bounds = array<i64: 128, 128>}, {pipeline_mode = #tpu.pipeline_mode<synchronous>, transform_indices = @transform_4, window_bounds = array<i64: 128, 128>}, {pipeline_mode = #tpu.pipeline_mode<synchronous>, transform_indices = @transform_5, window_bounds = array<i64: 1, 128>}, {pipeline_mode = #tpu.pipeline_mode<synchronous>, transform_indices = @transform_6, window_bounds = array<i64: 1, 128>}, {transform_indices = @transform_7, window_bounds = array<i64: 1000, 128>}]} {
    %get3A = arith.constant 0 : index
    %get3A_0 = arith.constant 0 : index
    %get3A_1 = arith.constant 0 : index
    %get3A_2 = vector.load %arg2[%get3A, %get3A_0, %get3A_1] : memref<2x1000x1xf32, #tpu.memory_space<vmem>>, vector<1x1000x1xf32>
    %get3A_3 = vector.shape_cast %get3A_2 : vector<1x1000x1xf32> to vector<1000x1xf32>
    %get3A_4 = arith.constant 1 : index
    %get3A_5 = arith.constant 0 : index
    %get3A_6 = arith.constant 0 : index
    %get3A_7 = vector.load %arg2[%get3A_4, %get3A_5, %get3A_6] : memref<2x1000x1xf32, #tpu.memory_space<vmem>>, vector<1x1000x1xf32>
    %get3A_8 = vector.shape_cast %get3A_7 : vector<1x1000x1xf32> to vector<1000x1xf32>
    %add3A = arith.addf %get3A_3, %get3A_8 : vector<1000x1xf32>
    %max3A = arith.constant 1.000000e+00 : f32
    %max3A_9 = vector.broadcast %max3A : f32 to vector<1000x1xf32>
    %max3A_10 = arith.maximumf %add3A, %max3A_9 : vector<1000x1xf32>
    %get3A_11 = arith.constant 0 : index
    %get3A_12 = arith.constant 0 : index
    %get3A_13 = arith.constant 0 : index
    %get3A_14 = vector.load %arg1[%get3A_11, %get3A_12, %get3A_13] : memref<2x1000x128xf32, #tpu.memory_space<vmem>>, vector<1x1000x128xf32>
    %get3A_15 = vector.shape_cast %get3A_14 : vector<1x1000x128xf32> to vector<1000x128xf32>
    %get3A_16 = arith.constant 1 : index
    %get3A_17 = arith.constant 0 : index
    %get3A_18 = arith.constant 0 : index
    %get3A_19 = vector.load %arg1[%get3A_16, %get3A_17, %get3A_18] : memref<2x1000x128xf32, #tpu.memory_space<vmem>>, vector<1x1000x128xf32>
    %get3A_20 = vector.shape_cast %get3A_19 : vector<1x1000x128xf32> to vector<1000x128xf32>
    %add3A_21 = arith.addf %get3A_15, %get3A_20 : vector<1000x128xf32>
    %div3A = vector.broadcast %max3A_10 : vector<1000x1xf32> to vector<1000x128xf32>
    %div3A_22 = arith.divf %add3A_21, %div3A : vector<1000x128xf32>
    %get3A_23 = arith.constant 0 : index
    %get3A_24 = arith.constant 0 : index
    %get3A_25 = vector.load %arg4[%get3A_23, %get3A_24] : memref<128x128xf32, #tpu.memory_space<vmem>>, vector<128x128xf32>
    %dot_general3A = arith.constant dense<0.000000e+00> : vector<1000x128xf32>
    %dot_general3A_26 = tpu.matmul %div3A_22, %get3A_25, %dot_general3A {dimension_numbers = #tpu.dot_dimension_numbers<[1], [0], [0], [1], [0, 0, 1, 1], [], []>, transpose_lhs_hint = false} : vector<1000x128xf32>, vector<128x128xf32>, vector<1000x128xf32> -> vector<1000x128xf32>
    %get3A_27 = arith.constant 0 : index
    %get3A_28 = arith.constant 0 : index
    %get3A_29 = vector.load %arg3[%get3A_27, %get3A_28] : memref<1000x128xf32, #tpu.memory_space<vmem>>, vector<1000x128xf32>
    %get3A_30 = arith.constant 0 : index
    %get3A_31 = arith.constant 0 : index
    %get3A_32 = vector.load %arg5[%get3A_30, %get3A_31] : memref<128x128xf32, #tpu.memory_space<vmem>>, vector<128x128xf32>
    %dot_general3A_33 = arith.constant dense<0.000000e+00> : vector<1000x128xf32>
    %dot_general3A_34 = tpu.matmul %get3A_29, %get3A_32, %dot_general3A_33 {dimension_numbers = #tpu.dot_dimension_numbers<[1], [0], [0], [1], [0, 0, 1, 1], [], []>, transpose_lhs_hint = false} : vector<1000x128xf32>, vector<128x128xf32>, vector<1000x128xf32> -> vector<1000x128xf32>
    %add3A_35 = arith.addf %dot_general3A_26, %dot_general3A_34 : vector<1000x128xf32>
    %get3A_36 = arith.constant 0 : index
    %get3A_37 = arith.constant 0 : index
    %get3A_38 = vector.load %arg6[%get3A_36, %get3A_37] : memref<1x128xf32, #tpu.memory_space<vmem>>, vector<1x128xf32>
    %mul3A = vector.broadcast %get3A_38 : vector<1x128xf32> to vector<1000x128xf32>
    %mul3A_39 = arith.mulf %add3A_35, %mul3A : vector<1000x128xf32>
    %get3A_40 = arith.constant 0 : index
    %get3A_41 = arith.constant 0 : index
    %get3A_42 = vector.load %arg7[%get3A_40, %get3A_41] : memref<1x128xf32, #tpu.memory_space<vmem>>, vector<1x128xf32>
    %add3A_43 = vector.broadcast %get3A_42 : vector<1x128xf32> to vector<1000x128xf32>
    %add3A_44 = arith.addf %mul3A_39, %add3A_43 : vector<1000x128xf32>
    %max3A_45 = arith.constant 0.000000e+00 : f32
    %max3A_46 = vector.broadcast %max3A_45 : f32 to vector<1000x128xf32>
    %max3A_47 = arith.maximumf %add3A_44, %max3A_46 : vector<1000x128xf32>
    %swap3A = arith.constant 0 : index
    %swap3A_48 = arith.constant 0 : index
    %swap3A_49 = vector.load %arg8[%swap3A, %swap3A_48] : memref<1000x128xf32, #tpu.memory_space<vmem>>, vector<1000x128xf32>
    tpu.vector_store %arg8[%swap3A, %swap3A_48], %max3A_47 {strides = array<i32>} : memref<1000x128xf32, #tpu.memory_space<vmem>>, vector<1000x128xf32>,
    return
  }
  func.func @transform_0(%arg0: i32) -> (i32, i32, i32) {
    %c0_i32 = arith.constant 0 : i32
    %c0_i32_0 = arith.constant 0 : i32
    %c0_i32_1 = arith.constant 0 : i32
    return %c0_i32, %arg0, %c0_i32_0 : i32, i32, i32
  }
  func.func @transform_1(%arg0: i32) -> (i32, i32, i32) {
    %c0_i32 = arith.constant 0 : i32
    %c0_i32_0 = arith.constant 0 : i32
    %c0_i32_1 = arith.constant 0 : i32
    return %c0_i32, %arg0, %c0_i32_0 : i32, i32, i32
  }
  func.func @transform_2(%arg0: i32) -> (i32, i32) {
    %c0_i32 = arith.constant 0 : i32
    %c0_i32_0 = arith.constant 0 : i32
    return %arg0, %c0_i32 : i32, i32
  }
  func.func @transform_3(%arg0: i32) -> (i32, i32) {
    %c0_i32 = arith.constant 0 : i32
    %c0_i32_0 = arith.constant 0 : i32
    %c0_i32_1 = arith.constant 0 : i32
    return %c0_i32, %c0_i32_0 : i32, i32
  }
  func.func @transform_4(%arg0: i32) -> (i32, i32) {
    %c0_i32 = arith.constant 0 : i32
    %c0_i32_0 = arith.constant 0 : i32
    %c0_i32_1 = arith.constant 0 : i32
    return %c0_i32, %c0_i32_0 : i32, i32
  }
  func.func @transform_5(%arg0: i32) -> (i32, i32) {
    %c0_i32 = arith.constant 0 : i32
    %c0_i32_0 = arith.constant 0 : i32
    %c0_i32_1 = arith.constant 0 : i32
    return %c0_i32, %c0_i32_0 : i32, i32
  }
  func.func @transform_6(%arg0: i32) -> (i32, i32) {
    %c0_i32 = arith.constant 0 : i32
    %c0_i32_0 = arith.constant 0 : i32
    %c0_i32_1 = arith.constant 0 : i32
    return %c0_i32, %c0_i32_0 : i32, i32
  }
  func.func @transform_7(%arg0: i32) -> (i32, i32) {
    %c0_i32 = arith.constant 0 : i32
    %c0_i32_0 = arith.constant 0 : i32
    return %arg0, %c0_i32 : i32, i32
  }
}

module attributes {stable_mosaic.version = 14 : i64} {
  func.func @_dense_body(%arg0: i32, %arg1: memref<2x1000x128xf32, #tpu.memory_space<vmem>>, %arg2: memref<2x1000x1xf32, #tpu.memory_space<vmem>>, %arg3: memref<1000x128xf32, #tpu.memory_space<vmem>>, %arg4: memref<128x128xf32, #tpu.memory_space<vmem>>, %arg5: memref<128x128xf32, #tpu.memory_space<vmem>>, %arg6: memref<1x128xf32, #tpu.memory_space<vmem>>, %arg7: memref<1x128xf32, #tpu.memory_space<vmem>>, %arg8: memref<1000x128xf32, #tpu.memory_space<vmem>>) attributes {dimension_semantics = [#tpu.dimension_semantics<arbitrary>], iteration_bounds = array<i64: 10>, scalar_prefetch = 0 : i64, scratch_operands = 0 : i64, tpu.core_type = #tpu.core_type<tc>, window_params = [{transform_indices = @transform_0, window_bounds = array<i64: 2, 1000, 128>}, {transform_indices = @transform_1, window_bounds = array<i64: 2, 1000, 1>}, {transform_indices = @transform_2, window_bounds = array<i64: 1000, 128>}, {pipeline_mode = #tpu.pipeline_mode<synchronous>, transform_indices = @transform_3, window_bounds = array<i64: 128, 128>}, {pipeline_mode = #tpu.pipeline_mode<synchronous>, transform_indices = @transform_4, window_bounds = array<i64: 128, 128>}, {pipeline_mode = #tpu.pipeline_mode<synchronous>, transform_indices = @transform_5, window_bounds = array<i64: 1, 128>}, {pipeline_mode = #tpu.pipeline_mode<synchronous>, transform_indices = @transform_6, window_bounds = array<i64: 1, 128>}, {transform_indices = @transform_7, window_bounds = array<i64: 1000, 128>}]} {
    %get3A = arith.constant 0 : index
    %get3A_0 = arith.constant 0 : index
    %get3A_1 = arith.constant 0 : index
    %get3A_2 = vector.load %arg2[%get3A, %get3A_0, %get3A_1] : memref<2x1000x1xf32, #tpu.memory_space<vmem>>, vector<1x1000x1xf32>
    %get3A_3 = vector.shape_cast %get3A_2 : vector<1x1000x1xf32> to vector<1000x1xf32>
    %get3A_4 = arith.constant 1 : index
    %get3A_5 = arith.constant 0 : index
    %get3A_6 = arith.constant 0 : index
    %get3A_7 = vector.load %arg2[%get3A_4, %get3A_5, %get3A_6] : memref<2x1000x1xf32, #tpu.memory_space<vmem>>, vector<1x1000x1xf32>
    %get3A_8 = vector.shape_cast %get3A_7 : vector<1x1000x1xf32> to vector<1000x1xf32>
    %add3A = arith.addf %get3A_3, %get3A_8 : vector<1000x1xf32>
    %max3A = arith.constant 1.000000e+00 : f32
    %max3A_9 = vector.broadcast %max3A : f32 to vector<1000x1xf32>
    %max3A_10 = arith.maximumf %add3A, %max3A_9 : vector<1000x1xf32>
    %get3A_11 = arith.constant 0 : index
    %get3A_12 = arith.constant 0 : index
    %get3A_13 = arith.constant 0 : index
    %get3A_14 = vector.load %arg1[%get3A_11, %get3A_12, %get3A_13] : memref<2x1000x128xf32, #tpu.memory_space<vmem>>, vector<1x1000x128xf32>
    %get3A_15 = vector.shape_cast %get3A_14 : vector<1x1000x128xf32> to vector<1000x128xf32>
    %get3A_16 = arith.constant 1 : index
    %get3A_17 = arith.constant 0 : index
    %get3A_18 = arith.constant 0 : index
    %get3A_19 = vector.load %arg1[%get3A_16, %get3A_17, %get3A_18] : memref<2x1000x128xf32, #tpu.memory_space<vmem>>, vector<1x1000x128xf32>
    %get3A_20 = vector.shape_cast %get3A_19 : vector<1x1000x128xf32> to vector<1000x128xf32>
    %add3A_21 = arith.addf %get3A_15, %get3A_20 : vector<1000x128xf32>
    %div3A = vector.broadcast %max3A_10 : vector<1000x1xf32> to vector<1000x128xf32>
    %div3A_22 = arith.divf %add3A_21, %div3A : vector<1000x128xf32>
    %get3A_23 = arith.constant 0 : index
    %get3A_24 = arith.constant 0 : index
    %get3A_25 = vector.load %arg4[%get3A_23, %get3A_24] : memref<128x128xf32, #tpu.memory_space<vmem>>, vector<128x128xf32>
    %dot_general3A = arith.constant dense<0.000000e+00> : vector<1000x128xf32>
    %dot_general3A_26 = tpu.matmul %div3A_22, %get3A_25, %dot_general3A {dimension_numbers = #tpu.dot_dimension_numbers<[1], [0], [0], [1], [0, 0, 1, 1], [], []>, transpose_lhs_hint = false} : vector<1000x128xf32>, vector<128x128xf32>, vector<1000x128xf32> -> vector<1000x128xf32>
    %get3A_27 = arith.constant 0 : index
    %get3A_28 = arith.constant 0 : index
    %get3A_29 = vector.load %arg3[%get3A_27, %get3A_28] : memref<1000x128xf32, #tpu.memory_space<vmem>>, vector<1000x128xf32>
    %get3A_30 = arith.constant 0 : index
    %get3A_31 = arith.constant 0 : index
    %get3A_32 = vector.load %arg5[%get3A_30, %get3A_31] : memref<128x128xf32, #tpu.memory_space<vmem>>, vector<128x128xf32>
    %dot_general3A_33 = arith.constant dense<0.000000e+00> : vector<1000x128xf32>
    %dot_general3A_34 = tpu.matmul %get3A_29, %get3A_32, %dot_general3A_33 {dimension_numbers = #tpu.dot_dimension_numbers<[1], [0], [0], [1], [0, 0, 1, 1], [], []>, transpose_lhs_hint = false} : vector<1000x128xf32>, vector<128x128xf32>, vector<1000x128xf32> -> vector<1000x128xf32>
    %add3A_35 = arith.addf %dot_general3A_26, %dot_general3A_34 : vector<1000x128xf32>
    %get3A_36 = arith.constant 0 : index
    %get3A_37 = arith.constant 0 : index
    %get3A_38 = vector.load %arg6[%get3A_36, %get3A_37] : memref<1x128xf32, #tpu.memory_space<vmem>>, vector<1x128xf32>
    %mul3A = vector.broadcast %get3A_38 : vector<1x128xf32> to vector<1000x128xf32>
    %mul3A_39 = arith.mulf %add3A_35, %mul3A : vector<1000x128xf32>
    %get3A_40 = arith.constant 0 : index
    %get3A_41 = arith.constant 0 : index
    %get3A_42 = vector.load %arg7[%get3A_40, %get3A_41] : memref<1x128xf32, #tpu.memory_space<vmem>>, vector<1x128xf32>
    %add3A_43 = vector.broadcast %get3A_42 : vector<1x128xf32> to vector<1000x128xf32>
    %add3A_44 = arith.addf %mul3A_39, %add3A_43 : vector<1000x128xf32>
    %swap3A = arith.constant 0 : index
    %swap3A_45 = arith.constant 0 : index
    %swap3A_46 = vector.load %arg8[%swap3A, %swap3A_45] : memref<1000x128xf32, #tpu.memory_space<vmem>>, vector<1000x128xf32>
    tpu.vector_store %arg8[%swap3A, %swap3A_45], %add3A_44 {strides = array<i32>} : memref<1000x128xf32, #tpu.memory_space<vmem>>, vector<1000x128xf32>,
    return
  }
  func.func @transform_0(%arg0: i32) -> (i32, i32, i32) {
    %c0_i32 = arith.constant 0 : i32
    %c0_i32_0 = arith.constant 0 : i32
    %c0_i32_1 = arith.constant 0 : i32
    return %c0_i32, %arg0, %c0_i32_0 : i32, i32, i32
  }
  func.func @transform_1(%arg0: i32) -> (i32, i32, i32) {
    %c0_i32 = arith.constant 0 : i32
    %c0_i32_0 = arith.constant 0 : i32
    %c0_i32_1 = arith.constant 0 : i32
    return %c0_i32, %arg0, %c0_i32_0 : i32, i32, i32
  }
  func.func @transform_2(%arg0: i32) -> (i32, i32) {
    %c0_i32 = arith.constant 0 : i32
    %c0_i32_0 = arith.constant 0 : i32
    return %arg0, %c0_i32 : i32, i32
  }
  func.func @transform_3(%arg0: i32) -> (i32, i32) {
    %c0_i32 = arith.constant 0 : i32
    %c0_i32_0 = arith.constant 0 : i32
    %c0_i32_1 = arith.constant 0 : i32
    return %c0_i32, %c0_i32_0 : i32, i32
  }
  func.func @transform_4(%arg0: i32) -> (i32, i32) {
    %c0_i32 = arith.constant 0 : i32
    %c0_i32_0 = arith.constant 0 : i32
    %c0_i32_1 = arith.constant 0 : i32
    return %c0_i32, %c0_i32_0 : i32, i32
  }
  func.func @transform_5(%arg0: i32) -> (i32, i32) {
    %c0_i32 = arith.constant 0 : i32
    %c0_i32_0 = arith.constant 0 : i32
    %c0_i32_1 = arith.constant 0 : i32
    return %c0_i32, %c0_i32_0 : i32, i32
  }
  func.func @transform_6(%arg0: i32) -> (i32, i32) {
    %c0_i32 = arith.constant 0 : i32
    %c0_i32_0 = arith.constant 0 : i32
    %c0_i32_1 = arith.constant 0 : i32
    return %c0_i32, %c0_i32_0 : i32, i32
  }
  func.func @transform_7(%arg0: i32) -> (i32, i32) {
    %c0_i32 = arith.constant 0 : i32
    %c0_i32_0 = arith.constant 0 : i32
    return %arg0, %c0_i32 : i32, i32
  }
}

</mosaic_0001>

<sc_bundles>
// kernel: kernel.6.cloned.1.call-start
scs
__scs_entry_jumppad:
0x0: {  	(pc) =	sbr.rel $0x88, $3  }
0x1: {  	(tag) =	ssettag $0x0;
	lr =	simm.s32 $0x1  }
0x2: {  	[smem:$0x3F97] =	sst lr;
	_ =	strace $0xD0000000  }
0x3: {  	_ = 	snop  }
0x4: {  	_ = 	snop  }
0x5: {  	_ = 	snop  }
0x6: {  	_ = 	snop  }
0x7: {  	_ = 	snop  }
__scs_overlays_trampoline_lowered:
0x8: {  	[smem:$0x3FA6] =	sst s0  }
0x9: {  	[smem:$0x3FA7] =	sst s1  }
0xa: {  	[smem:$0x3FA8] =	sst s2  }
0xb: {  	[smem:$0x3FA9] =	sst s3  }
0xc: {  	[smem:$0x3FAA] =	sst s4  }
0xd: {  	[smem:$0x3FAB] =	sst s5  }
0xe: {  	[smem:$0x3FAC] =	sst s6  }
0xf: {  	[smem:$0x3FAD] =	sst s7  }
0x10: {  	[smem:$0x3FAE] =	sst s8  }
0x11: {  	[smem:$0x3FAF] =	sst s9;
	s0 =	simm.s32 @!p0 $0x0  }
0x12: {  	s1 =	sld [smem:$0x3F95];
	s0 =	simm.s32 @p0 $0x1  }
0x13: {  	[smem:$0x3FB0] =	sst s0;
	s0 =	simm.s32 @!p1 $0x0  }
0x14: {  	s2 =	sld [smem:$0x3F94];
	s0 =	simm.s32 @p1 $0x1  }
0x15: {  	[smem:$0x3FB1] =	sst s0;
	s0 =	simm.s32 @!p2 $0x0  }
0x16: {  	s3 =	sld [smem:$0x3FDB];
	s0 =	simm.s32 @p2 $0x1  }
0x17: {  	s4 =	simm.s32 $0x1BF5;
	[smem:$0x3FB3] =	sst s0  }
0x18: {  	s0 =	sld [smem:$0x3F96];
	_ =	swait.ge [sflag:s4], $0x0  }
0x19: {  	s7 =	sld [smem:$0x3F97]  }
0x1a: {  	s8 =	sadd.s32 $0xFFFFE003, lr  }
0x1b: {  	s9 =	sadd.s32 $0xFFFFFEF7, lr;
	s5 =	simm.s32 $0xFFFFFFFF;
	p2 =	slt.u32 s8, $0xFFFFF086  }
0x1c: {  	p1 =	slt.u32 s9, $0xF7A;
	s5 =	simm.s32 @!p2 $0x0  }
0x1d: {  	s5 =	simm.s32 @p1 $0x1;
	p0 =	seq.s32 s7, s2  }
0x1e: {  	s7 =	smul.u32 @!p0 $0xF7A, s2;
	p2 =	seq.s32 @!p0 s5, $0x0  }
0x1f: {  	s9 =	smul.u32 $0xF7A, s1;
	s8 =	simm.s32 @!p0 $0x1BF5;
	p2 =	por !p2, p0  }
0x20: {  	[sflag:s8] =	ssyncset.s32 @!p0 $0xFFFFF086;
	s6 =	sadd.s32 @!p0 s3, s7;
	s7 =	simm.s32 @!p0 $0x108  }
0x21: {  	s3 =	sadd.s32 s3, s9;
	s6 =	sadd.s32 @!p0 $0x88, s6;
	s7 =	simm.s32 @p2 $0x1082  }
0x22: {  	[simem:s7], [sflag:s8] =	dma.local @!p0 [hbm:s6], $0xF7A  }
0x23: {  	s9 =	sor.u32 $0xD0000000, s2;
	s6 =	simm.s32 $0x108;
	_ =	swait.ge @!p0 [sflag:s8], $0x0  }
0x24: {  	s3 =	sadd.s32 $0x88, s3;
	s6 =	simm.s32 @!p1 $0x1082;
	[sflag:s4] =	ssyncset.s32 $0xFFFFF086  }
0x25: {  	[simem:s6], [sflag:s4] =	dma.local [hbm:s3], $0xF7A  }
0x26: {  	[smem:$0x3F97] =	sst s1;
	(tag) =	ssettag s2;
	_ =	strace s9  }
0x27: {  	s1 =	sld [smem:$0x3FA7]  }
0x28: {  	s2 =	sld [smem:$0x3FA8]  }
0x29: {  	s4 =	sld [smem:$0x3FAA]  }
0x2a: {  	p0 =	seq.s32 s5, $0x0;
	s5 =	sld [smem:$0x3FAB]  }
0x2b: {  	s6 =	sld [smem:$0x3FAC]  }
0x2c: {  	s7 =	sld [smem:$0x3FAD]  }
0x2d: {  	s3 =	simm.s32 $0x108;
	s8 =	sld [smem:$0x3FAE]  }
0x2e: {  	s3 =	simm.s32 @!p0 $0x1082;
	s9 =	sld [smem:$0x3FAF]  }
0x2f: {  	lr =	sadd.s32 s0, s3;
	s0 =	sld [smem:$0x3FA6]  }
0x30: {  	s3 =	sld [smem:$0x3FA9]  }
0x31: {  	[smem:$0x3FB2] =	sst s10  }
0x32: {  	s10 =	sld [smem:$0x3FB0];
	_ =	sdelay $0x3  }
0x33: {  	p0 =	seq.s32 s10, $0x1;
	s10 =	sld [smem:$0x3FB2];
	_ =	sdelay $0x3  }
0x34: {  	[smem:$0x3FB2] =	sst s10  }
0x35: {  	s10 =	sld [smem:$0x3FB1];
	_ =	sdelay $0x3  }
0x36: {  	p1 =	seq.s32 s10, $0x1;
	s10 =	sld [smem:$0x3FB2];
	_ =	sdelay $0x3  }
0x37: {  	[smem:$0x3FB2] =	sst s10  }
0x38: {  	s10 =	sld [smem:$0x3FB3]  }
0x39: {  	_ = 	snop;
	(pc) =	sbr.ind lr, $3  }
0x3a: {  	_ = 	snop  }
0x3b: {  	_ = 	snop  }
0x3c: {  	p2 =	seq.s32 s10, $0x1;
	s10 =	sld [smem:$0x3FB2]  }
0x3d: {  	_ =	shalt  }
0x3e: {  	_ =	shalt  }
0x3f: {  	_ =	shalt  }
0x40: {  	_ =	shalt  }
0x41: {  	_ =	shalt  }
0x42: {  	_ =	shalt  }
0x43: {  	_ =	shalt  }
0x44: {  	_ =	shalt  }
0x45: {  	_ =	shalt  }
0x46: {  	_ =	shalt  }
0x47: {  	_ =	shalt  }
0x48: {  	_ =	shalt  }
0x49: {  	_ =	shalt  }
0x4a: {  	_ =	shalt  }
0x4b: {  	_ =	shalt  }
0x4c: {  	_ =	shalt  }
0x4d: {  	_ =	shalt  }
0x4e: {  	_ =	shalt  }
0x4f: {  	_ =	shalt  }
0x50: {  	_ =	shalt  }
0x51: {  	_ =	shalt  }
0x52: {  	_ =	shalt  }
0x53: {  	_ =	shalt  }
0x54: {  	_ =	shalt  }
0x55: {  	_ =	shalt  }
0x56: {  	_ =	shalt  }
0x57: {  	_ =	shalt  }
0x58: {  	_ =	shalt  }
0x59: {  	_ =	shalt  }
0x5a: {  	_ =	shalt  }
0x5b: {  	_ =	shalt  }
0x5c: {  	_ =	shalt  }
0x5d: {  	_ =	shalt  }
0x5e: {  	_ =	shalt  }
0x5f: {  	_ =	shalt  }
0x60: {  	_ =	shalt  }
0x61: {  	_ =	shalt  }
0x62: {  	_ =	shalt  }
0x63: {  	_ =	shalt  }
0x64: {  	_ =	shalt  }
0x65: {  	_ =	shalt  }
0x66: {  	_ =	shalt  }
0x67: {  	_ =	shalt  }
0x68: {  	_ =	shalt  }
0x69: {  	_ =	shalt  }
0x6a: {  	_ =	shalt  }
0x6b: {  	_ =	shalt  }
0x6c: {  	_ =	shalt  }
0x6d: {  	_ =	shalt  }
0x6e: {  	_ =	shalt  }
0x6f: {  	_ =	shalt  }
0x70: {  	_ =	shalt  }
0x71: {  	_ =	shalt  }
0x72: {  	_ =	shalt  }
0x73: {  	_ =	shalt  }
0x74: {  	_ =	shalt  }
0x75: {  	_ =	shalt  }
0x76: {  	_ =	shalt  }
0x77: {  	_ =	shalt  }
0x78: {  	_ =	shalt  }
0x79: {  	_ =	shalt  }
0x7a: {  	_ =	shalt  }
0x7b: {  	_ =	shalt  }
0x7c: {  	_ =	shalt  }
0x7d: {  	_ =	shalt  }
0x7e: {  	_ =	shalt  }
0x7f: {  	_ =	shalt  }
0x80: {  	_ =	shalt  }
0x81: {  	_ =	shalt  }
0x82: {  	_ =	shalt  }
0x83: {  	_ =	shalt  }
0x84: {  	_ =	shalt  }
0x85: {  	_ =	shalt  }
0x86: {  	_ =	shalt  }
0x87: {  	_ =	shalt  }
.Lfunc_end0:
.L_simem_size_0:
called_computation_lowered:
.L_overlay_start_0:
0x88: {  	s2 =	sld [smem:$0x3FD9]  }
0x89: {  	s3 =	sld [smem:$0x3FFE];
	_ =	sdelay $0x1  }
0x8a: {  	s1 =	srdreg.scid  }
0x8b: {  	s0 =	sand.u32 $0x1, s1  }
0x8c: {  	s17 =	sshll.u32 s0, $0xA;
	s2 =	sadd.s32 s3, s2  }
0x8d: {  	s2 =	sadd.s32 s2, s17  }
0x8e: {  	[smem:$0x3FBE] =	sst s2  }
0x8f: {  	_ = 	snop  }
0x90: {  	s2 =	sld [smem:$0x3FC9]  }
0x91: {  	s18 =	sld [smem:$0x3FD0];
	(tm) =	ssettm $0x1  }
0x92: {  	s4 =	sld [smem:$0x3FFB];
	_ =	sdelay $0x3  }
0x93: {  	_ =	strace s4  }
0x94: {  	s4 =	sld [smem:$0x3FFC];
	_ =	sdelay $0x3  }
0x95: {  	_ =	strace s4  }
0x96: {  	s4 =	sld [smem:$0x3FFD];
	_ =	sdelay $0x3  }
0x97: {  	_ =	strace s4  }
0x98: {  	_ =	strace $0x8FFFFFFF  }
0x99: {  	s19 =	sld [smem:$0x3FDB];
	_ =	sdelay $0x1  }
0x9a: {  	s5 =	simm.s32 $_scs_section_size  }
0x9b: {  	s6 =	simm.s32 $_size__tile_overlayer_lowered;
	s7 =	simm.s32 $_tile_overlayer_lowered  }
0x9c: {  	s22 =	simm.s32 $0x1BFF;
	s21 =	sshll.u32 s7, $0x1;
	s4 =	sadd.s32 s5, s19  }
0x9d: {  	s8 =	simm.s32 $0x0;
	s20 =	sshll.u32 s6, $0x1;
	s6 =	sadd.s32 s21, s4  }
0x9e: {  	[timem:s8], [sflag:s22] =	dma.local [hbm:s6], s20  }
0x9f: {  	_ =	swait.ge [sflag:s22], s20  }
0xa0: {  	s5 =	ssub.s32 $0x0, s20;
	[sflag:s22] =	ssyncset.done $0x0  }
0xa1: {  	[sflag:s22] =	ssyncadd.s32 s5;
	_ =	sdelay $0x1  }
0xa2: {  	s23 =	simm.s32 $0x1B8B  }
0xa3: {  	_ =	swait.ge [sflag:s23], $0x1  }
0xa4: {  	[sflag:s23] =	ssyncset.done $0x0  }
0xa5: {  	s25 =	simm.s32 $0x1B8E;
	s24 =	sld [smem:$0x3FFE];
	[sflag:s23] =	ssyncadd.s32 $0xFFFFFFFF  }
0xa6: {  	s26 =	simm.s32 $execute0_lowered;
	[smem:$0x3FD2] =	sst s25  }
0xa7: {  	s6 =	sshll.u32 s26, $0x1;
	_ =	strace $0x80000046;
	[dreg:$0x1] =	wrdreg $0xFFFFFFFF  }
0xa8: {  	s28 =	simm.s32 $_size_execute0_lowered;
	s4 =	sadd.s32 s4, s6;
	[dreg:$0x0] =	wrdreg $0x0  }
0xa9: {  	s6 =	sshll.u32 s28, $0x1;
	[dreg:$0x2] =	wrdreg s4  }
0xaa: {  	[dreg:$0x3] =	wrdreg s6  }
0xab: {  	[dreg:$0x4] =	wrdreg $0xC0  }
0xac: {  	_ =	task [dreg:s8], $0x5FFFF  }
0xad: {  	[dreg:$0x1] =	wrdreg $0xFFFFFFFF  }
0xae: {  	[dreg:$0x0] =	wrdreg $0x60  }
0xaf: {  	[dreg:$0x2] =	wrdreg s2  }
0xb0: {  	[dreg:$0x3] =	wrdreg s24  }
0xb1: {  	[dreg:$0x4] =	wrdreg s18  }
0xb2: {  	[dreg:$0x5] =	wrdreg $0xB2200  }
0xb3: {  	[dreg:$0x6] =	wrdreg $0x1EBE00  }
0xb4: {  	[dreg:$0x7] =	wrdreg $0x9  }
0xb5: {  	_ =	task.clear_ibuf [dreg:s8], $0x8FFFF;
	_ =	strace $0x90000046  }
0xb6: {  	s29 =	simm.s32 $0x9;
	_ =	strace $0x80000048  }
0xb7: {  	_ =	swait.ge [sflag:s29], $0x1  }
0xb8: {  	[sflag:s29] =	ssyncadd.s32 $0xFFFFFFFF  }
0xb9: {  	_ =	strace $0x90000048  }
0xba: {  	_ =	sfence  }
0xbb: {  	s30 =	sld [smem:$0x0];
	_ =	sdelay $0x2  }
0xbc: {  	s31 =	sshll.u32 s1, $0xD;
	s1 =	sshrl.u32 s1, $0x2  }
0xbd: {  	s3 =	sand.u32 $0x4000, s31;
	s1 =	sadd.s32 s1, s30  }
0xbe: {  	s0 =	sor.u32 s3, s0;
	s1 =	sshll.u32 s1, $0x11  }
0xbf: {  	s0 =	sor.u32 s1, s0  }
0xc0: {  	s0 =	sadd.s32 $0x8F2B, s0  }
0xc1: {  	[sflag:s0] =	ssyncadd.remote.s32 $0x1  }
0xc2: {  	_ =	sfence.sel $0xFFFF  }
0xc3: {  	[dreg:$0x0] =	wrdreg $0xFFFFFFFF;
	(pc) =	sbr.abs _section_cstart, $3  }
0xc4: {  	[dreg:$0x1] =	wrdreg $0xFFFFFFFF  }
0xc5: {  	_ =	task.clear_ibuf [dreg:s8], $0x2FFFF;
	_ =	strace $0x9FFFFFFF  }
0xc6: {  	(tm) =	ssettm $0x7FFFFFFF  }
0xc7: {  	_ =	shalt  }
tec
execute0_lowered:
.L_overlay_start_1:
0x0: {  	(tag) =	ssettag $0x1  }
0x1: {  	s0 =	rddreg [dreg:$0x0]  }
0x2: {  	s1 =	rddreg [dreg:$0x1]  }
0x3: {  	s2 =	rddreg [dreg:$0x2];
	s4 =	srdreg.scid  }
0x4: {  	s15 =	stileid.u32;
	s3 =	rddreg [dreg:$0x3];
	s21 =	simm.s32 $0x0  }
0x5: {  	s28 =	simm.s32 $0xA;
	s29 =	simm.s32 $0x28;
	s30 =	simm.s32 $0x4E20  }
0x6: {  	s31 =	simm.s32 $0x6220;
	s17 =	simm.s32 $0x7;
	s18 =	simm.s32 $0xC  }
0x7: {  	s19 =	simm.s32 $0x4;
	s8 =	sand.u32 $0x1, s4;
	s4 =	rddreg [dreg:$0x4]  }
0x8: {  	s5 =	sshll.u32 s15, $0x1;
	[smem:$0x7FF] =	sst s21;
	s11 =	smul.u32 $0x4E000, s15  }
0x9: {  	s7 =	sadd.s32 $0x16A00, s1;
	s22 =	sadd.s32 $0x16800, s1;
	s13 =	smul.u32 $0x4E00, s15  }
0xa: {  	s25 =	smul.u32 $0x13800, s15;
	p0 =	seq.s32 s15, $0xF;
	s21 =	simm.s32 $0x1EAA0  }
0xb: {  	p1 =	sne.s32 s15, $0xF;
	s6 =	sor.u32 s8, s5;
	_ =	strace $0x80000047  }
0xc: {  	s10 =	smul.u32 $0x27100, s8;
	[dreg:$0x6] =	wrdreg s22;
	s12 =	ssub.s32 $0x2, s8  }
0xd: {  	s5 =	sadd.s32 $0x124800, s3;
	s14 =	sadd.s32 $0x12480, s4;
	s8 =	smul.u32 $0x2710, s8  }
0xe: {  	p2 =	sne.s32 @p1 s15, $0x0;
	s6 =	smul.u32 $0x4E2, s6;
	s23 =	sshrl.u32 s12, $0x1  }
0xf: {  	s11 =	sshrl.u32 s11, $0x2;
	s24 =	sshrl.u32 s13, $0x2;
	[dreg:$0x7] =	wrdreg s5  }
0x10: {  	p2 =	por p2, !p1;
	s13 =	simm.s32 $0xE;
	s11 =	sadd.s32 s11, s3  }
0x11: {  	s2 =	sadd.s32 s2, s8;
	s8 =	simm.s32 $0x1;
	s9 =	sadd.s32 s6, s1  }
0x12: {  	s6 =	sadd.s32 $0x16E00, s1;
	s1 =	sadd.s32 s10, s1;
	s10 =	ssub.s32 s12, s23  }
0x13: {  	s12 =	sadd.s32 s24, s4;
	[dreg:$0xb] =	wrdreg s2;
	s2 =	sshrl.u32 @p0 s5, $0x3  }
0x14: {  	s5 =	sshrl.u32 @p0 s14, $0x3;
	s23 =	simm.s32 $0x8;
	s14 =	simm.s32 $0x6  }
0x15: {  	s24 =	simm.s32 $0x5;
	s16 =	sadd.s32 $0xCA00, s9;
	[dreg:$0xd] =	wrdreg s2  }
0x16: {  	s9 =	sadd.s32 $0x2C00, s9;
	s26 =	smax.u32 s10, $0x1;
	[dreg:$0xe] =	wrdreg s5  }
0x17: {  	s2 =	sshll.u32 @!p0 s15, $0x6;
	s10 =	simm.s32 $0x9E20;
	[dreg:$0x8] =	wrdreg s16  }
0x18: {  	s15 =	simm.s32 $0xB;
	[dreg:$0x9] =	wrdreg s9;
	s16 =	sadd.s32 $0x19600, s1  }
0x19: {  	s1 =	sshrl.u32 s25, $0x3;
	[dreg:$0xc] =	wrdreg s26;
	s5 =	sor.u32 @!p0 $0x1C06, s2  }
0x1a: {  	s9 =	sadd.s32 s25, s3;
	s2 =	sor.u32 @!p0 $0x1C07, s2;
	[dreg:$0xf] =	wrdreg s5  }
0x1b: {  	s26 =	simm.s32 $0x9;
	s25 =	simm.s32 $0x0;
	[dreg:$0x11] =	wrdreg s2  }
0x1c: {  	s5 =	sshrl.u32 @!p0 s11, $0x3;
	s2 =	sshrl.u32 @!p0 s12, $0x3;
	[dreg:$0xa] =	wrdreg s16  }
0x1d: {  	s1 =	sadd.s32 @p1 s1, s16;
	s11 =	simm.s32 $0x2;
	[dreg:$0x10] =	wrdreg s5  }
0x1e: {  	s16 =	simm.s32 $0x3;
	s12 =	simm.s32 $0xD;
	[dreg:$0x12] =	wrdreg s2  }
0x1f: {  	[dreg:$0x13] =	wrdreg s1;
	s1 =	sshrl.u32 @p1 s9, $0x3;
	s2 =	simm.s32 $0x7620  }
0x20: {  	s9 =	simm.s32 $0xF;
	[dreg:$0x14] =	wrdreg s1;
	s1 =	simm.s32 $0x8A20  }
.LBB2_1:
0x21: {  	s20 =	simm.s32 @p0 $0x1FC6;
	s5 =	rddreg [dreg:$0xd]  }
0x22: {  	[spmem:s5], [sflag:s20] =	dma.local @p0 [hbm:s6], $0x2800  }
0x23: {  	s20 =	simm.s32 @p0 $0x1FC7;
	s5 =	rddreg [dreg:$0xe]  }
0x24: {  	[spmem:s5], [sflag:s20] =	dma.local @p0 [hbm:s7], $0x280  }
0x25: {  	s5 =	rddreg [dreg:$0xf]  }
0x26: {  	s20 =	rddreg [dreg:$0x10]  }
0x27: {  	[spmem:s20], [sflag:s5] =	dma.local @!p0 [hbm:s6], $0x2700  }
0x28: {  	s5 =	rddreg [dreg:$0x11]  }
0x29: {  	s20 =	rddreg [dreg:$0x12]  }
0x2a: {  	[spmem:s20], [sflag:s5] =	dma.local @!p0 [hbm:s7], $0x270  }
0x2b: {  	s5 =	simm.s32 $0x0;
	s20 =	rddreg [dreg:$0x6]  }
0x2c: {  	[tilespmem:s21], [sflag:$0x8] =	stream.linear.gather [hbm4b:s20+s5], $0x140, $0x38;
	[tilespmem:$0x1FF68] =	vst v63  }
0x2d: {  	s22 =	rddreg [dreg:$0x8]  }
0x2e: {  	[tilespmem:s5], [sflag:$0x9] =	stream.linear.gather [hbm4b:s22+s5], $0x2710, $0x38;
	[tilespmem:$0x1FF68] =	vst v63  }
0x2f: {  	s20 =	rddreg [dreg:$0x9];
	s22 =	simm.s32 $0x2710  }
0x30: {  	[tilespmem:s22], [sflag:$0xA] =	stream.linear.gather [hbm4b:s20+s5], $0x2710, $0x38;
	[tilespmem:$0x1FF68] =	vst v63  }
0x31: {  	s20 =	simm.s32 @p0 $0x6  }
0x32: {  	_ =	swait.ge @p0 [sflag:s20], $0x2800  }
0x33: {  	[sflag:s20] =	ssyncset.done @p0 $0x0  }
0x34: {  	[sflag:s20] =	ssyncadd.s32 @p0 $0xFFFFD800;
	s20 =	simm.s32 @p0 $0x7  }
0x35: {  	_ =	swait.ge @p0 [sflag:s20], $0x280  }
0x36: {  	[sflag:s20] =	ssyncset.done @p0 $0x0  }
0x37: {  	[sflag:s20] =	ssyncadd.s32 @p0 $0xFFFFFD80;
	s20 =	simm.s32 @!p0 $0x6  }
0x38: {  	_ =	swait.ge @!p0 [sflag:s20], $0x2700  }
0x39: {  	[sflag:s20] =	ssyncset.done @!p0 $0x0  }
0x3a: {  	[sflag:s20] =	ssyncadd.s32 @!p0 $0xFFFFD900;
	s20 =	simm.s32 @!p0 $0x7  }
0x3b: {  	_ =	swait.ge @!p0 [sflag:s20], $0x270  }
0x3c: {  	[sflag:s20] =	ssyncset.done @!p0 $0x0  }
0x3d: {  	[sflag:s20] =	ssyncadd.s32 @!p0 $0xFFFFFD90  }
0x3e: {  	_ =	swait.ge [sflag:s23], $0x140  }
0x3f: {  	[sflag:s23] =	ssyncset.done $0x0  }
0x40: {  	[sflag:s23] =	ssyncadd.s32 $0xFFFFFEC0  }
0x41: {  	_ =	swait.ge [sflag:s26], $0x2710  }
0x42: {  	[sflag:s26] =	ssyncset.done $0x0  }
0x43: {  	[sflag:s26] =	ssyncadd.s32 $0xFFFFD8F0  }
0x44: {  	_ =	swait.ge [sflag:s28], $0x2710  }
0x45: {  	[sflag:s28] =	ssyncset.done $0x0  }
0x46: {  	[sflag:s28] =	ssyncadd.s32 $0xFFFFD8F0  }
0x47: {  	[bflag:$0x0] =	sbarrier.arrive $0xFFFF  }
0x48: {  	[tilespmem:s30], [sflag:$0x1] =	stream.indirect.gather [hbm4b:s0+s29], $0x80, s5, s29, $0xb8;
	[tilespmem:$0x1FF68] =	vst v63  }
0x49: {  	_ = 	snop  }
0x4a: {  	[tilespmem:s31], [sflag:$0x2] =	stream.indirect.gather [hbm4b:s0+s29], $0x80, s29, s29, $0xb8;
	[tilespmem:$0x1FF68] =	vst v63  }
0x4b: {  	s20 =	simm.s32 $0x50  }
0x4c: {  	[tilespmem:s2], [sflag:$0x3] =	stream.indirect.gather [hbm4b:s0+s29], $0x80, s20, s29, $0xb8;
	[tilespmem:$0x1FF68] =	vst v63  }
0x4d: {  	s20 =	simm.s32 $0x78  }
0x4e: {  	[tilespmem:s1], [sflag:$0x4] =	stream.indirect.gather [hbm4b:s0+s29], $0x80, s20, s29, $0xb8;
	[tilespmem:$0x1FF68] =	vst v63  }
0x4f: {  	_ =	swait.ge [sflag:s8], $0x1400  }
0x50: {  	[sflag:s8] =	ssyncset.done $0x0  }
0x51: {  	[sflag:s8] =	ssyncadd.s32 $0xFFFFEC00  }
0x52: {  	[spmem:s3] =	stream.indirect.scatter.add.f32 [tilespmem:s30], [sflag:$0x6], $0x80, s22, s29, $0xb8;
	[tilespmem:$0x1FF68] =	vst v63  }
0x53: {  	_ = 	snop  }
0x54: {  	[spmem:s4] =	stream.indirect.scatter.add.f32 [tilespmem:s21], [sflag:$0xB], $0x8, s22, s29, $0xb8;
	[tilespmem:$0x1FF68] =	vst v63  }
0x55: {  	s20 =	simm.s32 $0xA0  }
0x56: {  	[tilespmem:s10], [sflag:$0x5] =	stream.indirect.gather [hbm4b:s0+s29], $0x80, s20, s29, $0xb8;
	[tilespmem:$0x1FF68] =	vst v63  }
0x57: {  	_ =	swait.ge [sflag:s11], $0x1400  }
0x58: {  	[sflag:s11] =	ssyncset.done $0x0  }
0x59: {  	s22 =	simm.s32 $0x2738;
	[sflag:s11] =	ssyncadd.s32 $0xFFFFEC00  }
0x5a: {  	[spmem:s3] =	stream.indirect.scatter.add.f32 [tilespmem:s31], [sflag:$0x7], $0x80, s22, s29, $0xb8;
	[tilespmem:$0x1FF68] =	vst v63  }
0x5b: {  	_ = 	snop  }
0x5c: {  	[spmem:s4] =	stream.indirect.scatter.add.f32 [tilespmem:s21], [sflag:$0xC], $0x8, s22, s29, $0xb8;
	[tilespmem:$0x1FF68] =	vst v63  }
0x5d: {  	_ =	swait.ge [sflag:s14], $0x1400  }
0x5e: {  	[sflag:s14] =	ssyncset.done $0x0  }
0x5f: {  	[sflag:s14] =	ssyncadd.s32 $0xFFFFEC00  }
0x60: {  	_ =	swait.ge [sflag:s15], $0x140  }
0x61: {  	[sflag:s15] =	ssyncset.done $0x0  }
0x62: {  	s20 =	simm.s32 $0xC8;
	[sflag:s15] =	ssyncadd.s32 $0xFFFFFEC0  }
0x63: {  	[tilespmem:s30], [sflag:$0x1] =	stream.indirect.gather [hbm4b:s0+s29], $0x80, s20, s29, $0xb8;
	[tilespmem:$0x1FF68] =	vst v63  }
0x64: {  	_ =	swait.ge [sflag:s16], $0x1400  }
0x65: {  	[sflag:s16] =	ssyncset.done $0x0  }
0x66: {  	s22 =	simm.s32 $0x2760;
	[sflag:s16] =	ssyncadd.s32 $0xFFFFEC00  }
0x67: {  	[spmem:s3] =	stream.indirect.scatter.add.f32 [tilespmem:s2], [sflag:$0x8], $0x80, s22, s29, $0xb8;
	[tilespmem:$0x1FF68] =	vst v63  }
0x68: {  	_ = 	snop  }
0x69: {  	[spmem:s4] =	stream.indirect.scatter.add.f32 [tilespmem:s21], [sflag:$0xD], $0x8, s22, s29, $0xb8;
	[tilespmem:$0x1FF68] =	vst v63  }
0x6a: {  	_ =	swait.ge [sflag:s17], $0x1400  }
0x6b: {  	[sflag:s17] =	ssyncset.done $0x0  }
0x6c: {  	[sflag:s17] =	ssyncadd.s32 $0xFFFFEC00  }
0x6d: {  	_ =	swait.ge [sflag:s18], $0x140  }
0x6e: {  	[sflag:s18] =	ssyncset.done $0x0  }
0x6f: {  	s20 =	simm.s32 $0xF0;
	[sflag:s18] =	ssyncadd.s32 $0xFFFFFEC0  }
0x70: {  	[tilespmem:s31], [sflag:$0x2] =	stream.indirect.gather [hbm4b:s0+s29], $0x80, s20, s29, $0xb8;
	[tilespmem:$0x1FF68] =	vst v63  }
0x71: {  	_ =	swait.ge [sflag:s19], $0x1400  }
0x72: {  	[sflag:s19] =	ssyncset.done $0x0  }
0x73: {  	s22 =	simm.s32 $0x2788;
	[sflag:s19] =	ssyncadd.s32 $0xFFFFEC00  }
0x74: {  	[spmem:s3] =	stream.indirect.scatter.add.f32 [tilespmem:s1], [sflag:$0x9], $0x80, s22, s29, $0xb8;
	[tilespmem:$0x1FF68] =	vst v63  }
0x75: {  	_ = 	snop  }
0x76: {  	[spmem:s4] =	stream.indirect.scatter.add.f32 [tilespmem:s21], [sflag:$0xE], $0x8, s22, s29, $0xb8;
	[tilespmem:$0x1FF68] =	vst v63  }
0x77: {  	_ =	swait.ge [sflag:s23], $0x1400  }
0x78: {  	[sflag:s23] =	ssyncset.done $0x0  }
0x79: {  	[sflag:s23] =	ssyncadd.s32 $0xFFFFEC00  }
0x7a: {  	_ =	swait.ge [sflag:s12], $0x140  }
0x7b: {  	[sflag:s12] =	ssyncset.done $0x0  }
0x7c: {  	s20 =	simm.s32 $0x118;
	[sflag:s12] =	ssyncadd.s32 $0xFFFFFEC0  }
0x7d: {  	[tilespmem:s2], [sflag:$0x3] =	stream.indirect.gather [hbm4b:s0+s29], $0x80, s20, s29, $0xb8;
	[tilespmem:$0x1FF68] =	vst v63  }
0x7e: {  	_ =	swait.ge [sflag:s24], $0x1400  }
0x7f: {  	[sflag:s24] =	ssyncset.done $0x0  }
0x80: {  	s22 =	simm.s32 $0x27B0;
	[sflag:s24] =	ssyncadd.s32 $0xFFFFEC00  }
0x81: {  	[spmem:s3] =	stream.indirect.scatter.add.f32 [tilespmem:s10], [sflag:$0xA], $0x80, s22, s29, $0xb8;
	[tilespmem:$0x1FF68] =	vst v63  }
0x82: {  	_ = 	snop  }
0x83: {  	[spmem:s4] =	stream.indirect.scatter.add.f32 [tilespmem:s21], [sflag:$0xF], $0x8, s22, s29, $0xb8;
	[tilespmem:$0x1FF68] =	vst v63  }
0x84: {  	_ =	swait.ge [sflag:s26], $0x1400  }
0x85: {  	[sflag:s26] =	ssyncset.done $0x0  }
0x86: {  	[sflag:s26] =	ssyncadd.s32 $0xFFFFEC00  }
0x87: {  	_ =	swait.ge [sflag:s13], $0x140  }
0x88: {  	[sflag:s13] =	ssyncset.done $0x0  }
0x89: {  	s20 =	simm.s32 $0x140;
	[sflag:s13] =	ssyncadd.s32 $0xFFFFFEC0  }
0x8a: {  	[tilespmem:s1], [sflag:$0x4] =	stream.indirect.gather [hbm4b:s0+s29], $0x80, s20, s29, $0xb8;
	[tilespmem:$0x1FF68] =	vst v63  }
0x8b: {  	_ =	swait.ge [sflag:s8], $0x1400  }
0x8c: {  	[sflag:s8] =	ssyncset.done $0x0  }
0x8d: {  	s22 =	simm.s32 $0x27D8;
	[sflag:s8] =	ssyncadd.s32 $0xFFFFEC00  }
0x8e: {  	[spmem:s3] =	stream.indirect.scatter.add.f32 [tilespmem:s30], [sflag:$0x6], $0x80, s22, s29, $0xb8;
	[tilespmem:$0x1FF68] =	vst v63  }
0x8f: {  	_ = 	snop  }
0x90: {  	[spmem:s4] =	stream.indirect.scatter.add.f32 [tilespmem:s21], [sflag:$0xB], $0x8, s22, s29, $0xb8;
	[tilespmem:$0x1FF68] =	vst v63  }
0x91: {  	_ =	swait.ge [sflag:s28], $0x1400  }
0x92: {  	[sflag:s28] =	ssyncset.done $0x0  }
0x93: {  	[sflag:s28] =	ssyncadd.s32 $0xFFFFEC00  }
0x94: {  	_ =	swait.ge [sflag:s9], $0x140  }
0x95: {  	[sflag:s9] =	ssyncset.done $0x0  }
0x96: {  	s5 =	simm.s32 $0x168;
	[sflag:s9] =	ssyncadd.s32 $0xFFFFFEC0  }
0x97: {  	[tilespmem:s10], [sflag:$0x5] =	stream.indirect.gather [hbm4b:s0+s29], $0x80, s5, s29, $0xb8;
	[tilespmem:$0x1FF68] =	vst v63  }
0x98: {  	_ =	swait.ge [sflag:s11], $0x1400  }
0x99: {  	[sflag:s11] =	ssyncset.done $0x0  }
0x9a: {  	s22 =	simm.s32 $0x2800;
	[sflag:s11] =	ssyncadd.s32 $0xFFFFEC00  }
0x9b: {  	[spmem:s3] =	stream.indirect.scatter.add.f32 [tilespmem:s31], [sflag:$0x7], $0x80, s22, s29, $0xb8;
	[tilespmem:$0x1FF68] =	vst v63  }
0x9c: {  	_ = 	snop  }
0x9d: {  	[spmem:s4] =	stream.indirect.scatter.add.f32 [tilespmem:s21], [sflag:$0xC], $0x8, s22, s29, $0xb8;
	[tilespmem:$0x1FF68] =	vst v63  }
0x9e: {  	_ =	swait.ge [sflag:s14], $0x1400  }
0x9f: {  	[sflag:s14] =	ssyncset.done $0x0  }
0xa0: {  	[sflag:s14] =	ssyncadd.s32 $0xFFFFEC00  }
0xa1: {  	_ =	swait.ge [sflag:s15], $0x140  }
0xa2: {  	[sflag:s15] =	ssyncset.done $0x0  }
0xa3: {  	s5 =	simm.s32 $0x190;
	[sflag:s15] =	ssyncadd.s32 $0xFFFFFEC0  }
0xa4: {  	[tilespmem:s30], [sflag:$0x1] =	stream.indirect.gather [hbm4b:s0+s29], $0x80, s5, s29, $0xb8;
	[tilespmem:$0x1FF68] =	vst v63  }
0xa5: {  	_ =	swait.ge [sflag:s16], $0x1400  }
0xa6: {  	[sflag:s16] =	ssyncset.done $0x0  }
0xa7: {  	s22 =	simm.s32 $0x2828;
	[sflag:s16] =	ssyncadd.s32 $0xFFFFEC00  }
0xa8: {  	[spmem:s3] =	stream.indirect.scatter.add.f32 [tilespmem:s2], [sflag:$0x8], $0x80, s22, s29, $0xb8;
	[tilespmem:$0x1FF68] =	vst v63  }
0xa9: {  	_ = 	snop  }
0xaa: {  	[spmem:s4] =	stream.indirect.scatter.add.f32 [tilespmem:s21], [sflag:$0xD], $0x8, s22, s29, $0xb8;
	[tilespmem:$0x1FF68] =	vst v63  }
0xab: {  	_ =	swait.ge [sflag:s17], $0x1400  }
0xac: {  	[sflag:s17] =	ssyncset.done $0x0  }
0xad: {  	[sflag:s17] =	ssyncadd.s32 $0xFFFFEC00  }
0xae: {  	_ =	swait.ge [sflag:s18], $0x140  }
0xaf: {  	[sflag:s18] =	ssyncset.done $0x0  }
0xb0: {  	s5 =	simm.s32 $0x1B8;
	[sflag:s18] =	ssyncadd.s32 $0xFFFFFEC0  }
0xb1: {  	[tilespmem:s31], [sflag:$0x2] =	stream.indirect.gather [hbm4b:s0+s29], $0x80, s5, s29, $0xb8;
	[tilespmem:$0x1FF68] =	vst v63  }
0xb2: {  	_ =	swait.ge [sflag:s19], $0x1400  }
0xb3: {  	[sflag:s19] =	ssyncset.done $0x0  }
0xb4: {  	s22 =	simm.s32 $0x2850;
	[sflag:s19] =	ssyncadd.s32 $0xFFFFEC00  }
0xb5: {  	[spmem:s3] =	stream.indirect.scatter.add.f32 [tilespmem:s1], [sflag:$0x9], $0x80, s22, s29, $0xb8;
	[tilespmem:$0x1FF68] =	vst v63  }
0xb6: {  	_ = 	snop  }
0xb7: {  	[spmem:s4] =	stream.indirect.scatter.add.f32 [tilespmem:s21], [sflag:$0xE], $0x8, s22, s29, $0xb8;
	[tilespmem:$0x1FF68] =	vst v63  }
0xb8: {  	_ =	swait.ge [sflag:s23], $0x1400  }
0xb9: {  	[sflag:s23] =	ssyncset.done $0x0  }
0xba: {  	[sflag:s23] =	ssyncadd.s32 $0xFFFFEC00  }
0xbb: {  	_ =	swait.ge [sflag:s12], $0x140  }
0xbc: {  	[sflag:s12] =	ssyncset.done $0x0  }
0xbd: {  	s5 =	simm.s32 $0x1E0;
	[sflag:s12] =	ssyncadd.s32 $0xFFFFFEC0  }
0xbe: {  	[tilespmem:s2], [sflag:$0x3] =	stream.indirect.gather [hbm4b:s0+s29], $0x80, s5, s29, $0xb8;
	[tilespmem:$0x1FF68] =	vst v63  }
0xbf: {  	_ =	swait.ge [sflag:s24], $0x1400  }
0xc0: {  	[sflag:s24] =	ssyncset.done $0x0  }
0xc1: {  	s22 =	simm.s32 $0x2878;
	[sflag:s24] =	ssyncadd.s32 $0xFFFFEC00  }
0xc2: {  	[spmem:s3] =	stream.indirect.scatter.add.f32 [tilespmem:s10], [sflag:$0xA], $0x80, s22, s29, $0xb8;
	[tilespmem:$0x1FF68] =	vst v63  }
0xc3: {  	_ = 	snop  }
0xc4: {  	[spmem:s4] =	stream.indirect.scatter.add.f32 [tilespmem:s21], [sflag:$0xF], $0x8, s22, s29, $0xb8;
	[tilespmem:$0x1FF68] =	vst v63  }
0xc5: {  	_ =	swait.ge [sflag:s26], $0x1400  }
0xc6: {  	[sflag:s26] =	ssyncset.done $0x0  }
0xc7: {  	[sflag:s26] =	ssyncadd.s32 $0xFFFFEC00  }
0xc8: {  	_ =	swait.ge [sflag:s13], $0x140  }
0xc9: {  	[sflag:s13] =	ssyncset.done $0x0  }
0xca: {  	s20 =	simm.s32 $0x320;
	s22 =	simm.s32 $0x208;
	[sflag:s13] =	ssyncadd.s32 $0xFFFFFEC0  }
.LBB2_2:
0xcb: {  	[tilespmem:s1], [sflag:$0x4] =	stream.indirect.gather [hbm4b:s0+s29], $0x80, s22, s29, $0xb8;
	[tilespmem:$0x1FF68] =	vst v63  }
0xcc: {  	s22 =	smov.u32 s20  }
0xcd: {  	p3 =	sne.s32 s20, $0x92E0;
	s20 =	sadd.s32 $0x320, s20;
	_ =	swait.ge [sflag:s8], $0x1400  }
0xce: {  	s22 =	sshra.s32 s22, $0x2;
	[sflag:s8] =	ssyncset.done $0x0  }
0xcf: {  	s5 =	sadd.s32 $0x27D8, s22;
	[sflag:s8] =	ssyncadd.s32 $0xFFFFEC00  }
0xd0: {  	[spmem:s3] =	stream.indirect.scatter.add.f32 [tilespmem:s30], [sflag:$0x6], $0x80, s5, s29, $0xb8;
	[tilespmem:$0x1FF68] =	vst v63  }
0xd1: {  	_ = 	snop  }
0xd2: {  	[spmem:s4] =	stream.indirect.scatter.add.f32 [tilespmem:s21], [sflag:$0xB], $0x8, s5, s29, $0xb8;
	[tilespmem:$0x1FF68] =	vst v63  }
0xd3: {  	_ =	swait.ge [sflag:s28], $0x1400  }
0xd4: {  	[sflag:s28] =	ssyncset.done $0x0  }
0xd5: {  	[sflag:s28] =	ssyncadd.s32 $0xFFFFEC00  }
0xd6: {  	_ =	swait.ge [sflag:s9], $0x140  }
0xd7: {  	[sflag:s9] =	ssyncset.done $0x0  }
0xd8: {  	s5 =	sadd.s32 $0x168, s22;
	[sflag:s9] =	ssyncadd.s32 $0xFFFFFEC0  }
0xd9: {  	[tilespmem:s10], [sflag:$0x5] =	stream.indirect.gather [hbm4b:s0+s29], $0x80, s5, s29, $0xb8;
	[tilespmem:$0x1FF68] =	vst v63  }
0xda: {  	_ =	swait.ge [sflag:s11], $0x1400  }
0xdb: {  	[sflag:s11] =	ssyncset.done $0x0  }
0xdc: {  	s5 =	sadd.s32 $0x2800, s22;
	[sflag:s11] =	ssyncadd.s32 $0xFFFFEC00  }
0xdd: {  	[spmem:s3] =	stream.indirect.scatter.add.f32 [tilespmem:s31], [sflag:$0x7], $0x80, s5, s29, $0xb8;
	[tilespmem:$0x1FF68] =	vst v63  }
0xde: {  	_ = 	snop  }
0xdf: {  	[spmem:s4] =	stream.indirect.scatter.add.f32 [tilespmem:s21], [sflag:$0xC], $0x8, s5, s29, $0xb8;
	[tilespmem:$0x1FF68] =	vst v63  }
0xe0: {  	_ =	swait.ge [sflag:s14], $0x1400  }
0xe1: {  	[sflag:s14] =	ssyncset.done $0x0  }
0xe2: {  	[sflag:s14] =	ssyncadd.s32 $0xFFFFEC00  }
0xe3: {  	_ =	swait.ge [sflag:s15], $0x140  }
0xe4: {  	[sflag:s15] =	ssyncset.done $0x0  }
0xe5: {  	s5 =	sadd.s32 $0x190, s22;
	[sflag:s15] =	ssyncadd.s32 $0xFFFFFEC0  }
0xe6: {  	[tilespmem:s30], [sflag:$0x1] =	stream.indirect.gather [hbm4b:s0+s29], $0x80, s5, s29, $0xb8;
	[tilespmem:$0x1FF68] =	vst v63  }
0xe7: {  	_ =	swait.ge [sflag:s16], $0x1400  }
0xe8: {  	[sflag:s16] =	ssyncset.done $0x0  }
0xe9: {  	s5 =	sadd.s32 $0x2828, s22;
	[sflag:s16] =	ssyncadd.s32 $0xFFFFEC00  }
0xea: {  	[spmem:s3] =	stream.indirect.scatter.add.f32 [tilespmem:s2], [sflag:$0x8], $0x80, s5, s29, $0xb8;
	[tilespmem:$0x1FF68] =	vst v63  }
0xeb: {  	_ = 	snop  }
0xec: {  	[spmem:s4] =	stream.indirect.scatter.add.f32 [tilespmem:s21], [sflag:$0xD], $0x8, s5, s29, $0xb8;
	[tilespmem:$0x1FF68] =	vst v63  }
0xed: {  	_ =	swait.ge [sflag:s17], $0x1400  }
0xee: {  	[sflag:s17] =	ssyncset.done $0x0  }
0xef: {  	[sflag:s17] =	ssyncadd.s32 $0xFFFFEC00  }
0xf0: {  	_ =	swait.ge [sflag:s18], $0x140  }
0xf1: {  	[sflag:s18] =	ssyncset.done $0x0  }
0xf2: {  	s5 =	sadd.s32 $0x1B8, s22;
	[sflag:s18] =	ssyncadd.s32 $0xFFFFFEC0  }
0xf3: {  	[tilespmem:s31], [sflag:$0x2] =	stream.indirect.gather [hbm4b:s0+s29], $0x80, s5, s29, $0xb8;
	[tilespmem:$0x1FF68] =	vst v63  }
0xf4: {  	_ =	swait.ge [sflag:s19], $0x1400  }
0xf5: {  	[sflag:s19] =	ssyncset.done $0x0  }
0xf6: {  	s5 =	sadd.s32 $0x2850, s22;
	[sflag:s19] =	ssyncadd.s32 $0xFFFFEC00  }
0xf7: {  	[spmem:s3] =	stream.indirect.scatter.add.f32 [tilespmem:s1], [sflag:$0x9], $0x80, s5, s29, $0xb8;
	[tilespmem:$0x1FF68] =	vst v63  }
0xf8: {  	_ = 	snop  }
0xf9: {  	[spmem:s4] =	stream.indirect.scatter.add.f32 [tilespmem:s21], [sflag:$0xE], $0x8, s5, s29, $0xb8;
	[tilespmem:$0x1FF68] =	vst v63  }
0xfa: {  	_ =	swait.ge [sflag:s23], $0x1400  }
0xfb: {  	[sflag:s23] =	ssyncset.done $0x0  }
0xfc: {  	[sflag:s23] =	ssyncadd.s32 $0xFFFFEC00  }
0xfd: {  	_ =	swait.ge [sflag:s12], $0x140  }
0xfe: {  	[sflag:s12] =	ssyncset.done $0x0  }
0xff: {  	s5 =	sadd.s32 $0x1E0, s22;
	[sflag:s12] =	ssyncadd.s32 $0xFFFFFEC0  }
0x100: {  	[tilespmem:s2], [sflag:$0x3] =	stream.indirect.gather [hbm4b:s0+s29], $0x80, s5, s29, $0xb8;
	[tilespmem:$0x1FF68] =	vst v63  }
0x101: {  	_ =	swait.ge [sflag:s24], $0x1400  }
0x102: {  	[sflag:s24] =	ssyncset.done $0x0  }
0x103: {  	s5 =	sadd.s32 $0x2878, s22;
	[sflag:s24] =	ssyncadd.s32 $0xFFFFEC00  }
0x104: {  	[spmem:s3] =	stream.indirect.scatter.add.f32 [tilespmem:s10], [sflag:$0xA], $0x80, s5, s29, $0xb8;
	[tilespmem:$0x1FF68] =	vst v63  }
0x105: {  	_ = 	snop  }
0x106: {  	[spmem:s4] =	stream.indirect.scatter.add.f32 [tilespmem:s21], [sflag:$0xF], $0x8, s5, s29, $0xb8;
	[tilespmem:$0x1FF68] =	vst v63  }
0x107: {  	_ =	swait.ge [sflag:s26], $0x1400  }
.Ltmp0:
0x108: {  	[sflag:s26] =	ssyncset.done $0x0;
	(pc) =	sbr.rel @p3 .LBB2_2-.Ltmp0, $4  }
0x109: {  	[sflag:s26] =	ssyncadd.s32 $0xFFFFEC00  }
0x10a: {  	_ =	swait.ge [sflag:s13], $0x140  }
0x10b: {  	[sflag:s13] =	ssyncset.done $0x0  }
0x10c: {  	s22 =	sadd.s32 $0x208, s22;
	[sflag:s13] =	ssyncadd.s32 $0xFFFFFEC0  }
0x10d: {  	[tilespmem:s1], [sflag:$0x4] =	stream.indirect.gather [hbm4b:s0+s29], $0x80, s22, s29, $0xb8;
	[tilespmem:$0x1FF68] =	vst v63  }
0x10e: {  	_ =	swait.ge [sflag:s8], $0x1400  }
0x10f: {  	[sflag:s8] =	ssyncset.done $0x0  }
0x110: {  	s5 =	simm.s32 $0x4D58;
	[sflag:s8] =	ssyncadd.s32 $0xFFFFEC00  }
0x111: {  	[spmem:s3] =	stream.indirect.scatter.add.f32 [tilespmem:s30], [sflag:$0x6], $0x80, s5, s29, $0xb8;
	[tilespmem:$0x1FF68] =	vst v63  }
0x112: {  	_ = 	snop  }
0x113: {  	[spmem:s4] =	stream.indirect.scatter.add.f32 [tilespmem:s21], [sflag:$0xB], $0x8, s5, s29, $0xb8;
	[tilespmem:$0x1FF68] =	vst v63  }
0x114: {  	_ =	swait.ge [sflag:s28], $0x1400  }
0x115: {  	[sflag:s28] =	ssyncset.done $0x0  }
0x116: {  	[sflag:s28] =	ssyncadd.s32 $0xFFFFEC00  }
0x117: {  	_ =	swait.ge [sflag:s9], $0x140  }
0x118: {  	[sflag:s9] =	ssyncset.done $0x0  }
0x119: {  	s20 =	simm.s32 $0x26E8;
	[sflag:s9] =	ssyncadd.s32 $0xFFFFFEC0  }
0x11a: {  	[tilespmem:s10], [sflag:$0x5] =	stream.indirect.gather [hbm4b:s0+s29], $0x80, s20, s29, $0xb8;
	[tilespmem:$0x1FF68] =	vst v63  }
0x11b: {  	_ =	swait.ge [sflag:s11], $0x1400  }
0x11c: {  	[sflag:s11] =	ssyncset.done $0x0  }
0x11d: {  	s22 =	simm.s32 $0x4D80;
	[sflag:s11] =	ssyncadd.s32 $0xFFFFEC00  }
0x11e: {  	[spmem:s3] =	stream.indirect.scatter.add.f32 [tilespmem:s31], [sflag:$0x7], $0x80, s22, s29, $0xb8;
	[tilespmem:$0x1FF68] =	vst v63  }
0x11f: {  	_ = 	snop  }
0x120: {  	[spmem:s4] =	stream.indirect.scatter.add.f32 [tilespmem:s21], [sflag:$0xC], $0x8, s22, s29, $0xb8;
	[tilespmem:$0x1FF68] =	vst v63  }
0x121: {  	_ =	swait.ge [sflag:s16], $0x1400  }
0x122: {  	[sflag:s16] =	ssyncset.done $0x0  }
0x123: {  	s20 =	simm.s32 $0x4DA8;
	[sflag:s16] =	ssyncadd.s32 $0xFFFFEC00  }
0x124: {  	[spmem:s3] =	stream.indirect.scatter.add.f32 [tilespmem:s2], [sflag:$0x8], $0x80, s20, s29, $0xb8;
	[tilespmem:$0x1FF68] =	vst v63  }
0x125: {  	_ = 	snop  }
0x126: {  	[spmem:s4] =	stream.indirect.scatter.add.f32 [tilespmem:s21], [sflag:$0xD], $0x8, s20, s29, $0xb8;
	[tilespmem:$0x1FF68] =	vst v63  }
0x127: {  	_ =	swait.ge [sflag:s19], $0x1400  }
0x128: {  	[sflag:s19] =	ssyncset.done $0x0  }
0x129: {  	s22 =	simm.s32 $0x4DD0;
	[sflag:s19] =	ssyncadd.s32 $0xFFFFEC00  }
0x12a: {  	[spmem:s3] =	stream.indirect.scatter.add.f32 [tilespmem:s1], [sflag:$0x9], $0x80, s22, s29, $0xb8;
	[tilespmem:$0x1FF68] =	vst v63  }
0x12b: {  	_ = 	snop  }
0x12c: {  	[spmem:s4] =	stream.indirect.scatter.add.f32 [tilespmem:s21], [sflag:$0xE], $0x8, s22, s29, $0xb8;
	[tilespmem:$0x1FF68] =	vst v63  }
0x12d: {  	_ =	swait.ge [sflag:s24], $0x1400  }
0x12e: {  	[sflag:s24] =	ssyncset.done $0x0  }
0x12f: {  	s20 =	simm.s32 $0x4DF8;
	[sflag:s24] =	ssyncadd.s32 $0xFFFFEC00  }
0x130: {  	[spmem:s3] =	stream.indirect.scatter.add.f32 [tilespmem:s10], [sflag:$0xA], $0x80, s20, s29, $0xb8;
	[tilespmem:$0x1FF68] =	vst v63  }
0x131: {  	_ = 	snop  }
0x132: {  	[spmem:s4] =	stream.indirect.scatter.add.f32 [tilespmem:s21], [sflag:$0xF], $0x8, s20, s29, $0xb8;
	[tilespmem:$0x1FF68] =	vst v63  }
0x133: {  	_ =	swait.ge [sflag:s14], $0x1400  }
0x134: {  	[sflag:s14] =	ssyncset.done $0x0  }
0x135: {  	[sflag:s14] =	ssyncadd.s32 $0xFFFFEC00  }
0x136: {  	_ =	swait.ge [sflag:s15], $0x140  }
0x137: {  	[sflag:s15] =	ssyncset.done $0x0  }
0x138: {  	[sflag:s15] =	ssyncadd.s32 $0xFFFFFEC0  }
0x139: {  	_ =	swait.ge [sflag:s17], $0x1400  }
0x13a: {  	[sflag:s17] =	ssyncset.done $0x0  }
0x13b: {  	[sflag:s17] =	ssyncadd.s32 $0xFFFFEC00  }
0x13c: {  	_ =	swait.ge [sflag:s18], $0x140  }
0x13d: {  	[sflag:s18] =	ssyncset.done $0x0  }
0x13e: {  	[sflag:s18] =	ssyncadd.s32 $0xFFFFFEC0  }
0x13f: {  	_ =	swait.ge [sflag:s23], $0x1400  }
0x140: {  	[sflag:s23] =	ssyncset.done $0x0  }
0x141: {  	[sflag:s23] =	ssyncadd.s32 $0xFFFFEC00  }
0x142: {  	_ =	swait.ge [sflag:s12], $0x140  }
0x143: {  	[sflag:s12] =	ssyncset.done $0x0  }
0x144: {  	[sflag:s12] =	ssyncadd.s32 $0xFFFFFEC0  }
0x145: {  	_ =	swait.ge [sflag:s26], $0x1400  }
0x146: {  	[sflag:s26] =	ssyncset.done $0x0  }
0x147: {  	[sflag:s26] =	ssyncadd.s32 $0xFFFFEC00  }
0x148: {  	_ =	swait.ge [sflag:s13], $0x140  }
0x149: {  	[sflag:s13] =	ssyncset.done $0x0  }
0x14a: {  	[sflag:s13] =	ssyncadd.s32 $0xFFFFFEC0  }
0x14b: {  	_ =	swait.ge [sflag:s28], $0x1400  }
0x14c: {  	[sflag:s28] =	ssyncset.done $0x0  }
0x14d: {  	[sflag:s28] =	ssyncadd.s32 $0xFFFFEC00  }
0x14e: {  	_ =	swait.ge [sflag:s9], $0x140  }
0x14f: {  	[sflag:s9] =	ssyncset.done $0x0  }
0x150: {  	[sflag:s9] =	ssyncadd.s32 $0xFFFFFEC0  }
0x151: {  	s5 =	stileid.u32;
	[bflag:$0x0] =	sbarrier.arrive $0xFFFF  }
0x152: {  	s5 =	sshll.u32 @p1 s5, $0x6;
	s20 =	rddreg [dreg:$0x13]  }
0x153: {  	s5 =	sor.u32 @p1 $0x1C10, s5;
	s22 =	rddreg [dreg:$0x14]  }
0x154: {  	[hbm:s20], [sflag:s5] =	dma.local @p1 [spmem:s22], $0x2700  }
0x155: {  	s5 =	simm.s32 @p1 $0x10  }
0x156: {  	_ =	swait.ge @p1 [sflag:s5], $0x2700  }
0x157: {  	s20 =	simm.s32 @!p2 $0x1C10;
	[sflag:s5] =	ssyncset.done @p1 $0x0  }
0x158: {  	s22 =	rddreg [dreg:$0xb];
	[sflag:s5] =	ssyncadd.s32 @p1 $0xFFFFD900;
	s5 =	sshrl.u32 @!p2 s4, $0x3  }
0x159: {  	[hbm:s22], [sflag:s20] =	dma.local @!p2 [spmem:s5], $0x2710  }
0x15a: {  	s5 =	simm.s32 @!p2 $0x10  }
0x15b: {  	_ =	swait.ge @!p2 [sflag:s5], $0x2710  }
0x15c: {  	[sflag:s5] =	ssyncset.done @!p2 $0x0;
	s20 =	rddreg [dreg:$0x7]  }
0x15d: {  	[sflag:s5] =	ssyncadd.s32 @!p2 $0xFFFFD8F0;
	s5 =	rddreg [dreg:$0xa]  }
0x15e: {  	s22 =	simm.s32 @!p1 $0x1FD0;
	s20 =	sshrl.u32 @!p1 s20, $0x3;
	s5 =	sadd.s32 @!p1 $0x24900, s5  }
0x15f: {  	[hbm:s5], [sflag:s22] =	dma.local @!p1 [spmem:s20], $0x2800  }
0x160: {  	s5 =	simm.s32 @!p1 $0x10  }
0x161: {  	_ =	swait.ge @!p1 [sflag:s5], $0x2800  }
0x162: {  	s25 =	sadd.s32 $0x1, s25;
	s22 =	rddreg [dreg:$0xc]  }
0x163: {  	p3 =	sne.s32 s25, s22  }
.Ltmp1:
0x164: {  	_ = 	snop;
	(pc) =	sbr.rel @p3 .LBB2_1-.Ltmp1, $3  }
0x165: {  	_ =	sdelay $0x1  }
0x166: {  	[sflag:s5] =	ssyncset.done @!p1 $0x0  }
0x167: {  	[sflag:s5] =	ssyncadd.s32 @!p1 $0xFFFFD800  }
0x168: {  	_ =	sfence.sel $0x180000  }
0x169: {  	[bflag:$0x0] =	sbarrier.arrive $0xFFFF  }
0x16a: {  	_ =	strace $0x90000047  }
0x16b: {  	s0 =	stileid.u32;
	[bflag:$0x2] =	sbarrier.arrive $0xFFFF  }
0x16c: {  	p0 =	sne.s32 s0, $0x0;
	s0 =	rddreg [dreg:$0x5]  }
0x16d: {  	s0 =	sadd.s32 @!p0 $0x100000, s0  }
0x16e: {  	[sflag:s0] =	ssyncadd.tile.s32 @!p0 $0x1;
	_ =	shalt  }
.Lfunc_end2:
_tile_overlayer_lowered:
.L_overlay_start_2:
0x16f: {  	(tag) =	ssettag $0x2  }
0x170: {  	s0 =	rddreg [dreg:$0x0];
	s2 =	stileid.u32  }
0x171: {  	s1 =	rddreg [dreg:$0x1];
	p0 =	sne.s32 s2, $0x0  }
0x172: {  	s3 =	rddreg [dreg:$0x2];
	[bflag:$0x3] =	sbarrier.arrive $0xFFFF;
	s2 =	simm.s32 @!p0 $0x1C10  }
0x173: {  	[timem:s3], [sflag:s2] =	dma.local @!p0 [hbm:s0], s1  }
0x174: {  	s0 =	simm.s32 @!p0 $0x10  }
0x175: {  	_ =	swait.ge @!p0 [sflag:s0], s1  }
0x176: {  	s1 =	ssub.s32 @!p0 $0x0, s1;
	[sflag:s0] =	ssyncset.done @!p0 $0x0  }
0x177: {  	[sflag:s0] =	ssyncadd.s32 @!p0 s1  }
0x178: {  	[bflag:$0x3] =	sbarrier.arrive $0xFFFF  }
0x179: {  	_ =	shalt  }

// kernel: kernel.9.cloned.1.call-start
scs
__scs_entry_jumppad:
0x0: {  	(pc) =	sbr.rel $0x88, $3  }
0x1: {  	(tag) =	ssettag $0x0;
	lr =	simm.s32 $0x1  }
0x2: {  	[smem:$0x3F97] =	sst lr;
	_ =	strace $0xD0000000  }
0x3: {  	_ = 	snop  }
0x4: {  	_ = 	snop  }
0x5: {  	_ = 	snop  }
0x6: {  	_ = 	snop  }
0x7: {  	_ = 	snop  }
__scs_overlays_trampoline_lowered:
0x8: {  	[smem:$0x3FA6] =	sst s0  }
0x9: {  	[smem:$0x3FA7] =	sst s1  }
0xa: {  	[smem:$0x3FA8] =	sst s2  }
0xb: {  	[smem:$0x3FA9] =	sst s3  }
0xc: {  	[smem:$0x3FAA] =	sst s4  }
0xd: {  	[smem:$0x3FAB] =	sst s5  }
0xe: {  	[smem:$0x3FAC] =	sst s6  }
0xf: {  	[smem:$0x3FAD] =	sst s7  }
0x10: {  	[smem:$0x3FAE] =	sst s8  }
0x11: {  	[smem:$0x3FAF] =	sst s9;
	s0 =	simm.s32 @!p0 $0x0  }
0x12: {  	s1 =	sld [smem:$0x3F95];
	s0 =	simm.s32 @p0 $0x1  }
0x13: {  	[smem:$0x3FB0] =	sst s0;
	s0 =	simm.s32 @!p1 $0x0  }
0x14: {  	s2 =	sld [smem:$0x3F94];
	s0 =	simm.s32 @p1 $0x1  }
0x15: {  	[smem:$0x3FB1] =	sst s0;
	s0 =	simm.s32 @!p2 $0x0  }
0x16: {  	s3 =	sld [smem:$0x3FDB];
	s0 =	simm.s32 @p2 $0x1  }
0x17: {  	s4 =	simm.s32 $0x1BF5;
	[smem:$0x3FB3] =	sst s0  }
0x18: {  	s0 =	sld [smem:$0x3F96];
	_ =	swait.ge [sflag:s4], $0x0  }
0x19: {  	s7 =	sld [smem:$0x3F97]  }
0x1a: {  	s8 =	sadd.s32 $0xFFFFE003, lr  }
0x1b: {  	s9 =	sadd.s32 $0xFFFFFEF7, lr;
	s5 =	simm.s32 $0xFFFFFFFF;
	p2 =	slt.u32 s8, $0xFFFFF086  }
0x1c: {  	p1 =	slt.u32 s9, $0xF7A;
	s5 =	simm.s32 @!p2 $0x0  }
0x1d: {  	s5 =	simm.s32 @p1 $0x1;
	p0 =	seq.s32 s7, s2  }
0x1e: {  	s7 =	smul.u32 @!p0 $0xF7A, s2;
	p2 =	seq.s32 @!p0 s5, $0x0  }
0x1f: {  	s9 =	smul.u32 $0xF7A, s1;
	s8 =	simm.s32 @!p0 $0x1BF5;
	p2 =	por !p2, p0  }
0x20: {  	[sflag:s8] =	ssyncset.s32 @!p0 $0xFFFFF086;
	s6 =	sadd.s32 @!p0 s3, s7;
	s7 =	simm.s32 @!p0 $0x108  }
0x21: {  	s3 =	sadd.s32 s3, s9;
	s6 =	sadd.s32 @!p0 $0x88, s6;
	s7 =	simm.s32 @p2 $0x1082  }
0x22: {  	[simem:s7], [sflag:s8] =	dma.local @!p0 [hbm:s6], $0xF7A  }
0x23: {  	s9 =	sor.u32 $0xD0000000, s2;
	s6 =	simm.s32 $0x108;
	_ =	swait.ge @!p0 [sflag:s8], $0x0  }
0x24: {  	s3 =	sadd.s32 $0x88, s3;
	s6 =	simm.s32 @!p1 $0x1082;
	[sflag:s4] =	ssyncset.s32 $0xFFFFF086  }
0x25: {  	[simem:s6], [sflag:s4] =	dma.local [hbm:s3], $0xF7A  }
0x26: {  	[smem:$0x3F97] =	sst s1;
	(tag) =	ssettag s2;
	_ =	strace s9  }
0x27: {  	s1 =	sld [smem:$0x3FA7]  }
0x28: {  	s2 =	sld [smem:$0x3FA8]  }
0x29: {  	s4 =	sld [smem:$0x3FAA]  }
0x2a: {  	p0 =	seq.s32 s5, $0x0;
	s5 =	sld [smem:$0x3FAB]  }
0x2b: {  	s6 =	sld [smem:$0x3FAC]  }
0x2c: {  	s7 =	sld [smem:$0x3FAD]  }
0x2d: {  	s3 =	simm.s32 $0x108;
	s8 =	sld [smem:$0x3FAE]  }
0x2e: {  	s3 =	simm.s32 @!p0 $0x1082;
	s9 =	sld [smem:$0x3FAF]  }
0x2f: {  	lr =	sadd.s32 s0, s3;
	s0 =	sld [smem:$0x3FA6]  }
0x30: {  	s3 =	sld [smem:$0x3FA9]  }
0x31: {  	[smem:$0x3FB2] =	sst s10  }
0x32: {  	s10 =	sld [smem:$0x3FB0];
	_ =	sdelay $0x3  }
0x33: {  	p0 =	seq.s32 s10, $0x1;
	s10 =	sld [smem:$0x3FB2];
	_ =	sdelay $0x3  }
0x34: {  	[smem:$0x3FB2] =	sst s10  }
0x35: {  	s10 =	sld [smem:$0x3FB1];
	_ =	sdelay $0x3  }
0x36: {  	p1 =	seq.s32 s10, $0x1;
	s10 =	sld [smem:$0x3FB2];
	_ =	sdelay $0x3  }
0x37: {  	[smem:$0x3FB2] =	sst s10  }
0x38: {  	s10 =	sld [smem:$0x3FB3]  }
0x39: {  	_ = 	snop;
	(pc) =	sbr.ind lr, $3  }
0x3a: {  	_ = 	snop  }
0x3b: {  	_ = 	snop  }
0x3c: {  	p2 =	seq.s32 s10, $0x1;
	s10 =	sld [smem:$0x3FB2]  }
0x3d: {  	_ =	shalt  }
0x3e: {  	_ =	shalt  }
0x3f: {  	_ =	shalt  }
0x40: {  	_ =	shalt  }
0x41: {  	_ =	shalt  }
0x42: {  	_ =	shalt  }
0x43: {  	_ =	shalt  }
0x44: {  	_ =	shalt  }
0x45: {  	_ =	shalt  }
0x46: {  	_ =	shalt  }
0x47: {  	_ =	shalt  }
0x48: {  	_ =	shalt  }
0x49: {  	_ =	shalt  }
0x4a: {  	_ =	shalt  }
0x4b: {  	_ =	shalt  }
0x4c: {  	_ =	shalt  }
0x4d: {  	_ =	shalt  }
0x4e: {  	_ =	shalt  }
0x4f: {  	_ =	shalt  }
0x50: {  	_ =	shalt  }
0x51: {  	_ =	shalt  }
0x52: {  	_ =	shalt  }
0x53: {  	_ =	shalt  }
0x54: {  	_ =	shalt  }
0x55: {  	_ =	shalt  }
0x56: {  	_ =	shalt  }
0x57: {  	_ =	shalt  }
0x58: {  	_ =	shalt  }
0x59: {  	_ =	shalt  }
0x5a: {  	_ =	shalt  }
0x5b: {  	_ =	shalt  }
0x5c: {  	_ =	shalt  }
0x5d: {  	_ =	shalt  }
0x5e: {  	_ =	shalt  }
0x5f: {  	_ =	shalt  }
0x60: {  	_ =	shalt  }
0x61: {  	_ =	shalt  }
0x62: {  	_ =	shalt  }
0x63: {  	_ =	shalt  }
0x64: {  	_ =	shalt  }
0x65: {  	_ =	shalt  }
0x66: {  	_ =	shalt  }
0x67: {  	_ =	shalt  }
0x68: {  	_ =	shalt  }
0x69: {  	_ =	shalt  }
0x6a: {  	_ =	shalt  }
0x6b: {  	_ =	shalt  }
0x6c: {  	_ =	shalt  }
0x6d: {  	_ =	shalt  }
0x6e: {  	_ =	shalt  }
0x6f: {  	_ =	shalt  }
0x70: {  	_ =	shalt  }
0x71: {  	_ =	shalt  }
0x72: {  	_ =	shalt  }
0x73: {  	_ =	shalt  }
0x74: {  	_ =	shalt  }
0x75: {  	_ =	shalt  }
0x76: {  	_ =	shalt  }
0x77: {  	_ =	shalt  }
0x78: {  	_ =	shalt  }
0x79: {  	_ =	shalt  }
0x7a: {  	_ =	shalt  }
0x7b: {  	_ =	shalt  }
0x7c: {  	_ =	shalt  }
0x7d: {  	_ =	shalt  }
0x7e: {  	_ =	shalt  }
0x7f: {  	_ =	shalt  }
0x80: {  	_ =	shalt  }
0x81: {  	_ =	shalt  }
0x82: {  	_ =	shalt  }
0x83: {  	_ =	shalt  }
0x84: {  	_ =	shalt  }
0x85: {  	_ =	shalt  }
0x86: {  	_ =	shalt  }
0x87: {  	_ =	shalt  }
.Lfunc_end0:
.L_simem_size_0:
called_computation.1_lowered:
.L_overlay_start_0:
0x88: {  	s2 =	sld [smem:$0x3FD9]  }
0x89: {  	s3 =	sld [smem:$0x3FFE];
	_ =	sdelay $0x1  }
0x8a: {  	s1 =	srdreg.scid  }
0x8b: {  	s0 =	sand.u32 $0x1, s1  }
0x8c: {  	s17 =	sshll.u32 s0, $0xA;
	s2 =	sadd.s32 s3, s2  }
0x8d: {  	s2 =	sadd.s32 s2, s17  }
0x8e: {  	[smem:$0x3FBE] =	sst s2  }
0x8f: {  	_ = 	snop  }
0x90: {  	s2 =	sld [smem:$0x3FD0];
	(tm) =	ssettm $0x1  }
0x91: {  	s18 =	sld [smem:$0x3FFB];
	_ =	sdelay $0x3  }
0x92: {  	_ =	strace s18  }
0x93: {  	s3 =	sld [smem:$0x3FFC];
	_ =	sdelay $0x3  }
0x94: {  	_ =	strace s3  }
0x95: {  	s3 =	sld [smem:$0x3FFD];
	_ =	sdelay $0x3  }
0x96: {  	_ =	strace s3  }
0x97: {  	_ =	strace $0x8FFFFFFF  }
0x98: {  	s19 =	sld [smem:$0x3FDB];
	_ =	sdelay $0x1  }
0x99: {  	s4 =	simm.s32 $_scs_section_size  }
0x9a: {  	s5 =	simm.s32 $_size__tile_overlayer_lowered;
	s6 =	simm.s32 $_tile_overlayer_lowered  }
0x9b: {  	s22 =	simm.s32 $0x1BFF;
	s21 =	sshll.u32 s6, $0x1;
	s3 =	sadd.s32 s4, s19  }
0x9c: {  	s7 =	simm.s32 $0x0;
	s20 =	sshll.u32 s5, $0x1;
	s5 =	sadd.s32 s21, s3  }
0x9d: {  	[timem:s7], [sflag:s22] =	dma.local [hbm:s5], s20  }
0x9e: {  	_ =	swait.ge [sflag:s22], s20  }
0x9f: {  	s4 =	ssub.s32 $0x0, s20;
	[sflag:s22] =	ssyncset.done $0x0  }
0xa0: {  	[sflag:s22] =	ssyncadd.s32 s4;
	_ =	sdelay $0x1  }
0xa1: {  	s23 =	simm.s32 $0x1B8B  }
0xa2: {  	_ =	swait.ge [sflag:s23], $0x1  }
0xa3: {  	[sflag:s23] =	ssyncset.done $0x0  }
0xa4: {  	s25 =	simm.s32 $0x1B8E;
	s24 =	sld [smem:$0x3FFE];
	[sflag:s23] =	ssyncadd.s32 $0xFFFFFFFF  }
0xa5: {  	s26 =	simm.s32 $execute0_lowered;
	[smem:$0x3FD2] =	sst s25  }
0xa6: {  	s5 =	sshll.u32 s26, $0x1;
	_ =	strace $0x80000049;
	[dreg:$0x1] =	wrdreg $0xFFFFFFFF  }
0xa7: {  	s28 =	simm.s32 $_size_execute0_lowered;
	s3 =	sadd.s32 s3, s5;
	[dreg:$0x0] =	wrdreg $0x0  }
0xa8: {  	s5 =	sshll.u32 s28, $0x1;
	[dreg:$0x2] =	wrdreg s3  }
0xa9: {  	[dreg:$0x3] =	wrdreg s5  }
0xaa: {  	[dreg:$0x4] =	wrdreg $0xC0  }
0xab: {  	_ =	task [dreg:s7], $0x5FFFF  }
0xac: {  	[dreg:$0x1] =	wrdreg $0xFFFFFFFF  }
0xad: {  	[dreg:$0x0] =	wrdreg $0x60  }
0xae: {  	[dreg:$0x2] =	wrdreg s2  }
0xaf: {  	[dreg:$0x3] =	wrdreg s24  }
0xb0: {  	[dreg:$0x4] =	wrdreg $0xB2200  }
0xb1: {  	[dreg:$0x5] =	wrdreg $0x9  }
0xb2: {  	_ =	task.clear_ibuf [dreg:s7], $0x6FFFF;
	_ =	strace $0x90000049  }
0xb3: {  	s29 =	simm.s32 $0x9;
	_ =	strace $0x8000004B  }
0xb4: {  	_ =	swait.ge [sflag:s29], $0x1  }
0xb5: {  	[sflag:s29] =	ssyncadd.s32 $0xFFFFFFFF  }
0xb6: {  	_ =	strace $0x9000004B  }
0xb7: {  	_ =	sfence  }
0xb8: {  	s30 =	sld [smem:$0x0];
	_ =	sdelay $0x2  }
0xb9: {  	s31 =	sshll.u32 s1, $0xD;
	s1 =	sshrl.u32 s1, $0x2  }
0xba: {  	s3 =	sand.u32 $0x4000, s31;
	s1 =	sadd.s32 s1, s30  }
0xbb: {  	s0 =	sor.u32 s3, s0;
	s1 =	sshll.u32 s1, $0x11  }
0xbc: {  	s0 =	sor.u32 s1, s0  }
0xbd: {  	s0 =	sadd.s32 $0x8F2B, s0  }
0xbe: {  	[sflag:s0] =	ssyncadd.remote.s32 $0x1  }
0xbf: {  	_ =	sfence.sel $0xFFFF  }
0xc0: {  	[dreg:$0x0] =	wrdreg $0xFFFFFFFF;
	(pc) =	sbr.abs _section_cstart, $3  }
0xc1: {  	[dreg:$0x1] =	wrdreg $0xFFFFFFFF  }
0xc2: {  	_ =	task.clear_ibuf [dreg:s7], $0x2FFFF;
	_ =	strace $0x9FFFFFFF  }
0xc3: {  	(tm) =	ssettm $0x7FFFFFFF  }
tec
execute0_lowered:
.L_overlay_start_1:
0x0: {  	(tag) =	ssettag $0x1  }
0x1: {  	s1 =	rddreg [dreg:$0x0]  }
0x2: {  	s0 =	srdreg.scid;
	s2 =	rddreg [dreg:$0x1]  }
0x3: {  	s11 =	stileid.u32;
	s3 =	rddreg [dreg:$0x2];
	s15 =	simm.s32 $0x9  }
0x4: {  	s16 =	simm.s32 $0xA;
	s17 =	simm.s32 $0x28;
	s18 =	simm.s32 $0x4E20  }
0x5: {  	s19 =	simm.s32 $0x6220;
	s21 =	simm.s32 $0x7620;
	s23 =	simm.s32 $0x8A20  }
0x6: {  	s29 =	simm.s32 $0x9E20;
	s30 =	simm.s32 $0x2;
	s20 =	simm.s32 $0x3  }
0x7: {  	s28 =	simm.s32 $0x7;
	s31 =	simm.s32 $0x8;
	s22 =	simm.s32 $0x5  }
0x8: {  	s0 =	sand.u32 $0x1, s0;
	s4 =	sshll.u32 s11, $0x1;
	s7 =	smul.u32 $0x4E000, s11  }
0x9: {  	s26 =	smul.u32 $0x13800, s11;
	p0 =	seq.s32 s11, $0xF;
	s5 =	sor.u32 s0, s4  }
0xa: {  	s4 =	simm.s32 $0x0;
	s6 =	smul.u32 $0x27100, s0;
	s0 =	ssub.s32 $0x2, s0  }
0xb: {  	s11 =	sshll.u32 @!p0 s11, $0x6;
	s5 =	smul.u32 $0x4E2, s5;
	[smem:$0x7FF] =	sst s4  }
0xc: {  	s9 =	sshrl.u32 s0, $0x1;
	s25 =	sshrl.u32 s7, $0x2;
	s7 =	sadd.s32 $0x124800, s3  }
0xd: {  	s14 =	sadd.s32 s26, s3;
	s12 =	sor.u32 @!p0 $0x1C06, s11;
	_ =	strace $0x8000004A  }
0xe: {  	s0 =	ssub.s32 s0, s9;
	s8 =	sadd.s32 s5, s2;
	s5 =	sadd.s32 $0x16E00, s2  }
0xf: {  	s2 =	sadd.s32 s6, s2;
	s6 =	sadd.s32 s25, s3;
	s0 =	smax.u32 s0, $0x1  }
0x10: {  	s25 =	sshrl.u32 @!p0 s14, $0x3;
	s10 =	sadd.s32 $0xCA00, s8;
	[dreg:$0x6] =	wrdreg s0  }
0x11: {  	s8 =	sadd.s32 $0x2C00, s8;
	s13 =	sshrl.u32 @!p0 s6, $0x3;
	[dreg:$0x4] =	wrdreg s10  }
0x12: {  	s0 =	simm.s32 $0x4;
	s6 =	simm.s32 $0x0;
	[dreg:$0x5] =	wrdreg s8  }
0x13: {  	s8 =	sadd.s32 $0x19600, s2;
	s2 =	sshrl.u32 s26, $0x3;
	s10 =	sshrl.u32 @p0 s7, $0x3  }
0x14: {  	s26 =	simm.s32 $0x1;
	s24 =	sadd.s32 @!p0 s2, s8;
	s2 =	simm.s32 $0x6  }
.LBB2_1:
0x15: {  	s7 =	simm.s32 @p0 $0x1FC6  }
0x16: {  	[spmem:s10], [sflag:s7] =	dma.local @p0 [hbm:s5], $0x2800  }
0x17: {  	[spmem:s13], [sflag:s12] =	dma.local @!p0 [hbm:s5], $0x2700  }
0x18: {  	s9 =	rddreg [dreg:$0x4]  }
0x19: {  	[tilespmem:s4], [sflag:$0x9] =	stream.linear.gather [hbm4b:s9+s4], $0x2710, $0x38;
	[tilespmem:$0x1EAA0] =	vst v63  }
0x1a: {  	s7 =	simm.s32 @p0 $0x6;
	s14 =	rddreg [dreg:$0x5];
	s9 =	simm.s32 $0x2710  }
0x1b: {  	[tilespmem:s9], [sflag:$0xA] =	stream.linear.gather [hbm4b:s14+s4], $0x2710, $0x38;
	[tilespmem:$0x1EAA0] =	vst v63  }
0x1c: {  	_ =	swait.ge @p0 [sflag:s7], $0x2800  }
0x1d: {  	[sflag:s7] =	ssyncset.done @p0 $0x0  }
0x1e: {  	[sflag:s7] =	ssyncadd.s32 @p0 $0xFFFFD800;
	s7 =	simm.s32 @!p0 $0x6  }
0x1f: {  	_ =	swait.ge @!p0 [sflag:s7], $0x2700  }
0x20: {  	[sflag:s7] =	ssyncset.done @!p0 $0x0  }
0x21: {  	[sflag:s7] =	ssyncadd.s32 @!p0 $0xFFFFD900  }
0x22: {  	_ =	swait.ge [sflag:s15], $0x2710  }
0x23: {  	[sflag:s15] =	ssyncset.done $0x0  }
0x24: {  	[sflag:s15] =	ssyncadd.s32 $0xFFFFD8F0  }
0x25: {  	_ =	swait.ge [sflag:s16], $0x2710  }
0x26: {  	[sflag:s16] =	ssyncset.done $0x0  }
0x27: {  	[sflag:s16] =	ssyncadd.s32 $0xFFFFD8F0  }
0x28: {  	[bflag:$0x0] =	sbarrier.arrive $0xFFFF  }
0x29: {  	[tilespmem:s18], [sflag:$0x1] =	stream.indirect.gather [hbm4b:s1+s17], $0x80, s4, s17, $0xb8;
	[tilespmem:$0x1EAA0] =	vst v63  }
0x2a: {  	_ = 	snop  }
0x2b: {  	[tilespmem:s19], [sflag:$0x2] =	stream.indirect.gather [hbm4b:s1+s17], $0x80, s17, s17, $0xb8;
	[tilespmem:$0x1EAA0] =	vst v63  }
0x2c: {  	s14 =	simm.s32 $0x50  }
0x2d: {  	[tilespmem:s21], [sflag:$0x3] =	stream.indirect.gather [hbm4b:s1+s17], $0x80, s14, s17, $0xb8;
	[tilespmem:$0x1EAA0] =	vst v63  }
0x2e: {  	s14 =	simm.s32 $0x78  }
0x2f: {  	[tilespmem:s23], [sflag:$0x4] =	stream.indirect.gather [hbm4b:s1+s17], $0x80, s14, s17, $0xb8;
	[tilespmem:$0x1EAA0] =	vst v63  }
0x30: {  	_ =	swait.ge [sflag:s26], $0x1400  }
0x31: {  	[sflag:s26] =	ssyncset.done $0x0  }
0x32: {  	[sflag:s26] =	ssyncadd.s32 $0xFFFFEC00  }
0x33: {  	[spmem:s3] =	stream.indirect.scatter.add.f32 [tilespmem:s18], [sflag:$0x6], $0x80, s9, s17, $0xb8;
	[tilespmem:$0x1EAA0] =	vst v63  }
0x34: {  	s9 =	simm.s32 $0xA0  }
0x35: {  	[tilespmem:s29], [sflag:$0x5] =	stream.indirect.gather [hbm4b:s1+s17], $0x80, s9, s17, $0xb8;
	[tilespmem:$0x1EAA0] =	vst v63  }
0x36: {  	_ =	swait.ge [sflag:s30], $0x1400  }
0x37: {  	[sflag:s30] =	ssyncset.done $0x0  }
0x38: {  	s14 =	simm.s32 $0x2738;
	[sflag:s30] =	ssyncadd.s32 $0xFFFFEC00  }
0x39: {  	[spmem:s3] =	stream.indirect.scatter.add.f32 [tilespmem:s19], [sflag:$0x7], $0x80, s14, s17, $0xb8;
	[tilespmem:$0x1EAA0] =	vst v63  }
0x3a: {  	_ =	swait.ge [sflag:s2], $0x1400  }
0x3b: {  	[sflag:s2] =	ssyncset.done $0x0  }
0x3c: {  	s9 =	simm.s32 $0xC8;
	[sflag:s2] =	ssyncadd.s32 $0xFFFFEC00  }
0x3d: {  	[tilespmem:s18], [sflag:$0x1] =	stream.indirect.gather [hbm4b:s1+s17], $0x80, s9, s17, $0xb8;
	[tilespmem:$0x1EAA0] =	vst v63  }
0x3e: {  	_ =	swait.ge [sflag:s20], $0x1400  }
0x3f: {  	[sflag:s20] =	ssyncset.done $0x0  }
0x40: {  	s14 =	simm.s32 $0x2760;
	[sflag:s20] =	ssyncadd.s32 $0xFFFFEC00  }
0x41: {  	[spmem:s3] =	stream.indirect.scatter.add.f32 [tilespmem:s21], [sflag:$0x8], $0x80, s14, s17, $0xb8;
	[tilespmem:$0x1EAA0] =	vst v63  }
0x42: {  	_ =	swait.ge [sflag:s28], $0x1400  }
0x43: {  	[sflag:s28] =	ssyncset.done $0x0  }
0x44: {  	s9 =	simm.s32 $0xF0;
	[sflag:s28] =	ssyncadd.s32 $0xFFFFEC00  }
0x45: {  	[tilespmem:s19], [sflag:$0x2] =	stream.indirect.gather [hbm4b:s1+s17], $0x80, s9, s17, $0xb8;
	[tilespmem:$0x1EAA0] =	vst v63  }
0x46: {  	_ =	swait.ge [sflag:s0], $0x1400  }
0x47: {  	[sflag:s0] =	ssyncset.done $0x0  }
0x48: {  	s14 =	simm.s32 $0x2788;
	[sflag:s0] =	ssyncadd.s32 $0xFFFFEC00  }
0x49: {  	[spmem:s3] =	stream.indirect.scatter.add.f32 [tilespmem:s23], [sflag:$0x9], $0x80, s14, s17, $0xb8;
	[tilespmem:$0x1EAA0] =	vst v63  }
0x4a: {  	_ =	swait.ge [sflag:s31], $0x1400  }
0x4b: {  	[sflag:s31] =	ssyncset.done $0x0  }
0x4c: {  	s9 =	simm.s32 $0x118;
	[sflag:s31] =	ssyncadd.s32 $0xFFFFEC00  }
0x4d: {  	[tilespmem:s21], [sflag:$0x3] =	stream.indirect.gather [hbm4b:s1+s17], $0x80, s9, s17, $0xb8;
	[tilespmem:$0x1EAA0] =	vst v63  }
0x4e: {  	_ =	swait.ge [sflag:s22], $0x1400  }
0x4f: {  	[sflag:s22] =	ssyncset.done $0x0  }
0x50: {  	s14 =	simm.s32 $0x27B0;
	[sflag:s22] =	ssyncadd.s32 $0xFFFFEC00  }
0x51: {  	[spmem:s3] =	stream.indirect.scatter.add.f32 [tilespmem:s29], [sflag:$0xA], $0x80, s14, s17, $0xb8;
	[tilespmem:$0x1EAA0] =	vst v63  }
0x52: {  	_ =	swait.ge [sflag:s15], $0x1400  }
0x53: {  	[sflag:s15] =	ssyncset.done $0x0  }
0x54: {  	s9 =	simm.s32 $0x140;
	[sflag:s15] =	ssyncadd.s32 $0xFFFFEC00  }
0x55: {  	[tilespmem:s23], [sflag:$0x4] =	stream.indirect.gather [hbm4b:s1+s17], $0x80, s9, s17, $0xb8;
	[tilespmem:$0x1EAA0] =	vst v63  }
0x56: {  	_ =	swait.ge [sflag:s26], $0x1400  }
0x57: {  	[sflag:s26] =	ssyncset.done $0x0  }
0x58: {  	s14 =	simm.s32 $0x27D8;
	[sflag:s26] =	ssyncadd.s32 $0xFFFFEC00  }
0x59: {  	[spmem:s3] =	stream.indirect.scatter.add.f32 [tilespmem:s18], [sflag:$0x6], $0x80, s14, s17, $0xb8;
	[tilespmem:$0x1EAA0] =	vst v63  }
0x5a: {  	_ =	swait.ge [sflag:s16], $0x1400  }
0x5b: {  	[sflag:s16] =	ssyncset.done $0x0  }
0x5c: {  	s9 =	simm.s32 $0x168;
	[sflag:s16] =	ssyncadd.s32 $0xFFFFEC00  }
0x5d: {  	[tilespmem:s29], [sflag:$0x5] =	stream.indirect.gather [hbm4b:s1+s17], $0x80, s9, s17, $0xb8;
	[tilespmem:$0x1EAA0] =	vst v63  }
0x5e: {  	_ =	swait.ge [sflag:s30], $0x1400  }
0x5f: {  	[sflag:s30] =	ssyncset.done $0x0  }
0x60: {  	s14 =	simm.s32 $0x2800;
	[sflag:s30] =	ssyncadd.s32 $0xFFFFEC00  }
0x61: {  	[spmem:s3] =	stream.indirect.scatter.add.f32 [tilespmem:s19], [sflag:$0x7], $0x80, s14, s17, $0xb8;
	[tilespmem:$0x1EAA0] =	vst v63  }
0x62: {  	_ =	swait.ge [sflag:s2], $0x1400  }
0x63: {  	[sflag:s2] =	ssyncset.done $0x0  }
0x64: {  	s9 =	simm.s32 $0x190;
	[sflag:s2] =	ssyncadd.s32 $0xFFFFEC00  }
0x65: {  	[tilespmem:s18], [sflag:$0x1] =	stream.indirect.gather [hbm4b:s1+s17], $0x80, s9, s17, $0xb8;
	[tilespmem:$0x1EAA0] =	vst v63  }
0x66: {  	_ =	swait.ge [sflag:s20], $0x1400  }
0x67: {  	[sflag:s20] =	ssyncset.done $0x0  }
0x68: {  	s14 =	simm.s32 $0x2828;
	[sflag:s20] =	ssyncadd.s32 $0xFFFFEC00  }
0x69: {  	[spmem:s3] =	stream.indirect.scatter.add.f32 [tilespmem:s21], [sflag:$0x8], $0x80, s14, s17, $0xb8;
	[tilespmem:$0x1EAA0] =	vst v63  }
0x6a: {  	_ =	swait.ge [sflag:s28], $0x1400  }
0x6b: {  	[sflag:s28] =	ssyncset.done $0x0  }
0x6c: {  	s9 =	simm.s32 $0x1B8;
	[sflag:s28] =	ssyncadd.s32 $0xFFFFEC00  }
0x6d: {  	[tilespmem:s19], [sflag:$0x2] =	stream.indirect.gather [hbm4b:s1+s17], $0x80, s9, s17, $0xb8;
	[tilespmem:$0x1EAA0] =	vst v63  }
0x6e: {  	_ =	swait.ge [sflag:s0], $0x1400  }
0x6f: {  	[sflag:s0] =	ssyncset.done $0x0  }
0x70: {  	s14 =	simm.s32 $0x2850;
	[sflag:s0] =	ssyncadd.s32 $0xFFFFEC00  }
0x71: {  	[spmem:s3] =	stream.indirect.scatter.add.f32 [tilespmem:s23], [sflag:$0x9], $0x80, s14, s17, $0xb8;
	[tilespmem:$0x1EAA0] =	vst v63  }
0x72: {  	_ =	swait.ge [sflag:s31], $0x1400  }
0x73: {  	[sflag:s31] =	ssyncset.done $0x0  }
0x74: {  	s9 =	simm.s32 $0x1E0;
	[sflag:s31] =	ssyncadd.s32 $0xFFFFEC00  }
0x75: {  	[tilespmem:s21], [sflag:$0x3] =	stream.indirect.gather [hbm4b:s1+s17], $0x80, s9, s17, $0xb8;
	[tilespmem:$0x1EAA0] =	vst v63  }
0x76: {  	_ =	swait.ge [sflag:s22], $0x1400  }
0x77: {  	[sflag:s22] =	ssyncset.done $0x0  }
0x78: {  	s14 =	simm.s32 $0x2878;
	[sflag:s22] =	ssyncadd.s32 $0xFFFFEC00  }
0x79: {  	[spmem:s3] =	stream.indirect.scatter.add.f32 [tilespmem:s29], [sflag:$0xA], $0x80, s14, s17, $0xb8;
	[tilespmem:$0x1EAA0] =	vst v63  }
0x7a: {  	_ =	swait.ge [sflag:s15], $0x1400  }
0x7b: {  	[sflag:s15] =	ssyncset.done $0x0  }
0x7c: {  	s7 =	simm.s32 $0x320;
	s14 =	simm.s32 $0x208;
	[sflag:s15] =	ssyncadd.s32 $0xFFFFEC00  }
.LBB2_2:
0x7d: {  	[tilespmem:s23], [sflag:$0x4] =	stream.indirect.gather [hbm4b:s1+s17], $0x80, s14, s17, $0xb8;
	[tilespmem:$0x1EAA0] =	vst v63  }
0x7e: {  	s14 =	smov.u32 s7  }
0x7f: {  	p1 =	sne.s32 s7, $0x92E0;
	s7 =	sadd.s32 $0x320, s7;
	_ =	swait.ge [sflag:s26], $0x1400  }
0x80: {  	s14 =	sshra.s32 s14, $0x2;
	[sflag:s26] =	ssyncset.done $0x0  }
0x81: {  	s9 =	sadd.s32 $0x27D8, s14;
	[sflag:s26] =	ssyncadd.s32 $0xFFFFEC00  }
0x82: {  	[spmem:s3] =	stream.indirect.scatter.add.f32 [tilespmem:s18], [sflag:$0x6], $0x80, s9, s17, $0xb8;
	[tilespmem:$0x1EAA0] =	vst v63  }
0x83: {  	_ =	swait.ge [sflag:s16], $0x1400  }
0x84: {  	[sflag:s16] =	ssyncset.done $0x0  }
0x85: {  	s9 =	sadd.s32 $0x168, s14;
	[sflag:s16] =	ssyncadd.s32 $0xFFFFEC00  }
0x86: {  	[tilespmem:s29], [sflag:$0x5] =	stream.indirect.gather [hbm4b:s1+s17], $0x80, s9, s17, $0xb8;
	[tilespmem:$0x1EAA0] =	vst v63  }
0x87: {  	_ =	swait.ge [sflag:s30], $0x1400  }
0x88: {  	[sflag:s30] =	ssyncset.done $0x0  }
0x89: {  	s9 =	sadd.s32 $0x2800, s14;
	[sflag:s30] =	ssyncadd.s32 $0xFFFFEC00  }
0x8a: {  	[spmem:s3] =	stream.indirect.scatter.add.f32 [tilespmem:s19], [sflag:$0x7], $0x80, s9, s17, $0xb8;
	[tilespmem:$0x1EAA0] =	vst v63  }
0x8b: {  	_ =	swait.ge [sflag:s2], $0x1400  }
0x8c: {  	[sflag:s2] =	ssyncset.done $0x0  }
0x8d: {  	s9 =	sadd.s32 $0x190, s14;
	[sflag:s2] =	ssyncadd.s32 $0xFFFFEC00  }
0x8e: {  	[tilespmem:s18], [sflag:$0x1] =	stream.indirect.gather [hbm4b:s1+s17], $0x80, s9, s17, $0xb8;
	[tilespmem:$0x1EAA0] =	vst v63  }
0x8f: {  	_ =	swait.ge [sflag:s20], $0x1400  }
0x90: {  	[sflag:s20] =	ssyncset.done $0x0  }
0x91: {  	s9 =	sadd.s32 $0x2828, s14;
	[sflag:s20] =	ssyncadd.s32 $0xFFFFEC00  }
0x92: {  	[spmem:s3] =	stream.indirect.scatter.add.f32 [tilespmem:s21], [sflag:$0x8], $0x80, s9, s17, $0xb8;
	[tilespmem:$0x1EAA0] =	vst v63  }
0x93: {  	_ =	swait.ge [sflag:s28], $0x1400  }
0x94: {  	[sflag:s28] =	ssyncset.done $0x0  }
0x95: {  	s9 =	sadd.s32 $0x1B8, s14;
	[sflag:s28] =	ssyncadd.s32 $0xFFFFEC00  }
0x96: {  	[tilespmem:s19], [sflag:$0x2] =	stream.indirect.gather [hbm4b:s1+s17], $0x80, s9, s17, $0xb8;
	[tilespmem:$0x1EAA0] =	vst v63  }
0x97: {  	_ =	swait.ge [sflag:s0], $0x1400  }
0x98: {  	[sflag:s0] =	ssyncset.done $0x0  }
0x99: {  	s9 =	sadd.s32 $0x2850, s14;
	[sflag:s0] =	ssyncadd.s32 $0xFFFFEC00  }
0x9a: {  	[spmem:s3] =	stream.indirect.scatter.add.f32 [tilespmem:s23], [sflag:$0x9], $0x80, s9, s17, $0xb8;
	[tilespmem:$0x1EAA0] =	vst v63  }
0x9b: {  	_ =	swait.ge [sflag:s31], $0x1400  }
0x9c: {  	[sflag:s31] =	ssyncset.done $0x0  }
0x9d: {  	s9 =	sadd.s32 $0x1E0, s14;
	[sflag:s31] =	ssyncadd.s32 $0xFFFFEC00  }
0x9e: {  	[tilespmem:s21], [sflag:$0x3] =	stream.indirect.gather [hbm4b:s1+s17], $0x80, s9, s17, $0xb8;
	[tilespmem:$0x1EAA0] =	vst v63  }
0x9f: {  	_ =	swait.ge [sflag:s22], $0x1400  }
0xa0: {  	[sflag:s22] =	ssyncset.done $0x0  }
.Ltmp0:
0xa1: {  	s9 =	sadd.s32 $0x2878, s14;
	[sflag:s22] =	ssyncadd.s32 $0xFFFFEC00;
	(pc) =	sbr.rel @p1 .LBB2_2-.Ltmp0, $4  }
0xa2: {  	[spmem:s3] =	stream.indirect.scatter.add.f32 [tilespmem:s29], [sflag:$0xA], $0x80, s9, s17, $0xb8;
	[tilespmem:$0x1EAA0] =	vst v63  }
0xa3: {  	_ =	swait.ge [sflag:s15], $0x1400  }
0xa4: {  	[sflag:s15] =	ssyncset.done $0x0  }
0xa5: {  	s14 =	sadd.s32 $0x208, s14;
	[sflag:s15] =	ssyncadd.s32 $0xFFFFEC00  }
0xa6: {  	[tilespmem:s23], [sflag:$0x4] =	stream.indirect.gather [hbm4b:s1+s17], $0x80, s14, s17, $0xb8;
	[tilespmem:$0x1EAA0] =	vst v63  }
0xa7: {  	_ =	swait.ge [sflag:s26], $0x1400  }
0xa8: {  	[sflag:s26] =	ssyncset.done $0x0  }
0xa9: {  	s7 =	simm.s32 $0x4D58;
	[sflag:s26] =	ssyncadd.s32 $0xFFFFEC00  }
0xaa: {  	[spmem:s3] =	stream.indirect.scatter.add.f32 [tilespmem:s18], [sflag:$0x6], $0x80, s7, s17, $0xb8;
	[tilespmem:$0x1EAA0] =	vst v63  }
0xab: {  	_ =	swait.ge [sflag:s16], $0x1400  }
0xac: {  	[sflag:s16] =	ssyncset.done $0x0  }
0xad: {  	s9 =	simm.s32 $0x26E8;
	[sflag:s16] =	ssyncadd.s32 $0xFFFFEC00  }
0xae: {  	[tilespmem:s29], [sflag:$0x5] =	stream.indirect.gather [hbm4b:s1+s17], $0x80, s9, s17, $0xb8;
	[tilespmem:$0x1EAA0] =	vst v63  }
0xaf: {  	_ =	swait.ge [sflag:s30], $0x1400  }
0xb0: {  	[sflag:s30] =	ssyncset.done $0x0  }
0xb1: {  	s14 =	simm.s32 $0x4D80;
	[sflag:s30] =	ssyncadd.s32 $0xFFFFEC00  }
0xb2: {  	[spmem:s3] =	stream.indirect.scatter.add.f32 [tilespmem:s19], [sflag:$0x7], $0x80, s14, s17, $0xb8;
	[tilespmem:$0x1EAA0] =	vst v63  }
0xb3: {  	_ =	swait.ge [sflag:s20], $0x1400  }
0xb4: {  	[sflag:s20] =	ssyncset.done $0x0  }
0xb5: {  	s9 =	simm.s32 $0x4DA8;
	[sflag:s20] =	ssyncadd.s32 $0xFFFFEC00  }
0xb6: {  	[spmem:s3] =	stream.indirect.scatter.add.f32 [tilespmem:s21], [sflag:$0x8], $0x80, s9, s17, $0xb8;
	[tilespmem:$0x1EAA0] =	vst v63  }
0xb7: {  	_ =	swait.ge [sflag:s0], $0x1400  }
0xb8: {  	[sflag:s0] =	ssyncset.done $0x0  }
0xb9: {  	s14 =	simm.s32 $0x4DD0;
	[sflag:s0] =	ssyncadd.s32 $0xFFFFEC00  }
0xba: {  	[spmem:s3] =	stream.indirect.scatter.add.f32 [tilespmem:s23], [sflag:$0x9], $0x80, s14, s17, $0xb8;
	[tilespmem:$0x1EAA0] =	vst v63  }
0xbb: {  	_ =	swait.ge [sflag:s22], $0x1400  }
0xbc: {  	[sflag:s22] =	ssyncset.done $0x0  }
0xbd: {  	s9 =	simm.s32 $0x4DF8;
	[sflag:s22] =	ssyncadd.s32 $0xFFFFEC00  }
0xbe: {  	[spmem:s3] =	stream.indirect.scatter.add.f32 [tilespmem:s29], [sflag:$0xA], $0x80, s9, s17, $0xb8;
	[tilespmem:$0x1EAA0] =	vst v63  }
0xbf: {  	_ =	swait.ge [sflag:s2], $0x1400  }
0xc0: {  	[sflag:s2] =	ssyncset.done $0x0  }
0xc1: {  	[sflag:s2] =	ssyncadd.s32 $0xFFFFEC00  }
0xc2: {  	_ =	swait.ge [sflag:s28], $0x1400  }
0xc3: {  	[sflag:s28] =	ssyncset.done $0x0  }
0xc4: {  	[sflag:s28] =	ssyncadd.s32 $0xFFFFEC00  }
0xc5: {  	_ =	swait.ge [sflag:s31], $0x1400  }
0xc6: {  	[sflag:s31] =	ssyncset.done $0x0  }
0xc7: {  	[sflag:s31] =	ssyncadd.s32 $0xFFFFEC00  }
0xc8: {  	_ =	swait.ge [sflag:s15], $0x1400  }
0xc9: {  	[sflag:s15] =	ssyncset.done $0x0  }
0xca: {  	[sflag:s15] =	ssyncadd.s32 $0xFFFFEC00  }
0xcb: {  	_ =	swait.ge [sflag:s16], $0x1400  }
0xcc: {  	[sflag:s16] =	ssyncset.done $0x0  }
0xcd: {  	[sflag:s16] =	ssyncadd.s32 $0xFFFFEC00  }
0xce: {  	s7 =	sadd.s32 @p0 $0x24900, s8;
	s9 =	simm.s32 @p0 $0x1FCB;
	[bflag:$0x0] =	sbarrier.arrive $0xFFFF  }
0xcf: {  	[hbm:s7], [sflag:s9] =	dma.local @p0 [spmem:s10], $0x2800  }
0xd0: {  	s7 =	simm.s32 @p0 $0xB  }
0xd1: {  	_ =	swait.ge @p0 [sflag:s7], $0x2800  }
0xd2: {  	[sflag:s7] =	ssyncset.done @p0 $0x0  }
0xd3: {  	[sflag:s7] =	ssyncadd.s32 @p0 $0xFFFFD800;
	s7 =	sor.u32 @!p0 $0x1C0B, s11  }
0xd4: {  	[hbm:s24], [sflag:s7] =	dma.local @!p0 [spmem:s25], $0x2700  }
0xd5: {  	s7 =	simm.s32 @!p0 $0xB  }
0xd6: {  	_ =	swait.ge @!p0 [sflag:s7], $0x2700  }
0xd7: {  	s6 =	sadd.s32 $0x1, s6;
	s14 =	rddreg [dreg:$0x6]  }
0xd8: {  	p1 =	sne.s32 s6, s14  }
.Ltmp1:
0xd9: {  	_ = 	snop;
	(pc) =	sbr.rel @p1 .LBB2_1-.Ltmp1, $3  }
0xda: {  	_ =	sdelay $0x1  }
0xdb: {  	[sflag:s7] =	ssyncset.done @!p0 $0x0  }
0xdc: {  	[sflag:s7] =	ssyncadd.s32 @!p0 $0xFFFFD900  }
0xdd: {  	_ =	sfence.sel $0x180000  }
0xde: {  	[bflag:$0x0] =	sbarrier.arrive $0xFFFF  }
0xdf: {  	_ =	strace $0x9000004A  }
0xe0: {  	s0 =	stileid.u32;
	[bflag:$0x2] =	sbarrier.arrive $0xFFFF  }
0xe1: {  	p0 =	sne.s32 s0, $0x0;
	s0 =	rddreg [dreg:$0x3]  }
0xe2: {  	s0 =	sadd.s32 @!p0 $0x100000, s0  }
0xe3: {  	[sflag:s0] =	ssyncadd.tile.s32 @!p0 $0x1;
	_ =	shalt  }
.Lfunc_end2:
_tile_overlayer_lowered:
.L_overlay_start_2:
0xe4: {  	(tag) =	ssettag $0x2  }
0xe5: {  	s0 =	rddreg [dreg:$0x0];
	s2 =	stileid.u32  }
0xe6: {  	s1 =	rddreg [dreg:$0x1];
	p0 =	sne.s32 s2, $0x0  }
0xe7: {  	s3 =	rddreg [dreg:$0x2];
	[bflag:$0x3] =	sbarrier.arrive $0xFFFF;
	s2 =	simm.s32 @!p0 $0x1C0B  }
0xe8: {  	[timem:s3], [sflag:s2] =	dma.local @!p0 [hbm:s0], s1  }
0xe9: {  	s0 =	simm.s32 @!p0 $0xB  }
0xea: {  	_ =	swait.ge @!p0 [sflag:s0], s1  }
0xeb: {  	s1 =	ssub.s32 @!p0 $0x0, s1;
	[sflag:s0] =	ssyncset.done @!p0 $0x0  }
0xec: {  	[sflag:s0] =	ssyncadd.s32 @!p0 s1  }
0xed: {  	[bflag:$0x3] =	sbarrier.arrive $0xFFFF  }
0xee: {  	_ =	shalt  }

</sc_bundles>
